<compile_context>
chip_gen: v7x
topology: tpu7x:2x2x1
jax: 0.10.2.dev20260603
libtpu: 0.0.44.dev20260713+nightly
codegen_flags: <defaults>
</compile_context>

<pallas_src>
import functools

import jax
import jax.numpy as jnp
from jax import lax
from jax.experimental import pallas as pl
from jax.experimental.pallas import tpu as pltpu
from jax.experimental.pallas import tpu_sc as plsc

_NC = 2
_NS = 16
_NW = _NC * _NS

_EP = 327680
_IW = 40
_IWG = 64
_CH = 8


def _silu(z):
    return z * jax.nn.sigmoid(z)


def _layer_norm(z, g, b):
    m = jnp.mean(z, axis=-1, keepdims=True)
    v = jnp.mean((z - m) ** 2, axis=-1, keepdims=True)
    return (z - m) * lax.rsqrt(v + 1e-5) * g + b


def _gather_call(x, src2, dst2):
    N, D = x.shape
    R, IW = src2.shape
    E = R * IW
    RW = R // _NW
    NIT = RW // _CH
    CE = _CH * IW

    mesh = plsc.VectorSubcoreMesh(core_axis_name="c", subcore_axis_name="s")

    @functools.partial(
        pl.kernel,
        out_type=[jax.ShapeDtypeStruct((E, D), jnp.float32),
                  jax.ShapeDtypeStruct((E, D), jnp.float32)],
        mesh=mesh,
        scratch_types=[
            pltpu.VMEM((2, _CH, IW), jnp.int32),
            pltpu.VMEM((2, _CH, IW), jnp.int32),
            pltpu.VMEM((CE, D), jnp.float32),
            pltpu.VMEM((CE, D), jnp.float32),
            pltpu.SemaphoreType.DMA,
            pltpu.SemaphoreType.DMA,
            pltpu.SemaphoreType.DMA,
            pltpu.SemaphoreType.DMA,
        ],
    )
    def gather_kernel(x_hbm, src_hbm, dst_hbm, xs_hbm, xd_hbm,
                      idx_s, idx_d, rows_s, rows_d,
                      sem_i, sem_g, sem_ws, sem_wd):
        wid = lax.axis_index("s") * _NC + lax.axis_index("c")
        base = wid * RW

        def idx_load(i, b):
            row0 = base + i * _CH
            pltpu.make_async_copy(
                src_hbm.at[pl.ds(row0, _CH)], idx_s.at[b], sem_i).start()
            pltpu.make_async_copy(
                dst_hbm.at[pl.ds(row0, _CH)], idx_d.at[b], sem_i).start()

        def idx_wait(b):
            pltpu.make_async_copy(
                src_hbm.at[pl.ds(base, _CH)], idx_s.at[b], sem_i).wait()
            pltpu.make_async_copy(
                dst_hbm.at[pl.ds(base, _CH)], idx_d.at[b], sem_i).wait()

        def wb_wait(rows, out_hbm, sem):
            pltpu.make_async_copy(rows, out_hbm.at[pl.ds(0, CE)], sem).wait()

        idx_load(0, 0)

        @pl.loop(0, NIT, step=2)
        def _chunk(i):
            for b in range(2):
                ib = i + b

                idx_wait(b)

                @pl.when(ib + 1 < NIT)
                def _():
                    idx_load(ib + 1, 1 - b)

                e0 = (base + ib * _CH) * IW

                @pl.when(ib >= 1)
                def _():
                    wb_wait(rows_s, xs_hbm, sem_ws)
                gs = [pltpu.async_copy(x_hbm.at[idx_s.at[b, j]],
                                       rows_s.at[pl.ds(j * IW, IW)], sem_g)
                      for j in range(_CH)]
                for g in gs:
                    g.wait()
                pltpu.make_async_copy(
                    rows_s, xs_hbm.at[pl.ds(e0, CE)], sem_ws).start()

                @pl.when(ib >= 1)
                def _():
                    wb_wait(rows_d, xd_hbm, sem_wd)
                gd = [pltpu.async_copy(x_hbm.at[idx_d.at[b, j]],
                                       rows_d.at[pl.ds(j * IW, IW)], sem_g)
                      for j in range(_CH)]
                for g in gd:
                    g.wait()
                pltpu.make_async_copy(
                    rows_d, xd_hbm.at[pl.ds(e0, CE)], sem_wd).start()

        wb_wait(rows_s, xs_hbm, sem_ws)
        wb_wait(rows_d, xd_hbm, sem_wd)

    return gather_kernel(x, src2, dst2)


def _scatter_call(h, dst2, zeros, N):
    E, Hd = h.shape
    R, IW = dst2.shape
    HC = Hd // _NC
    ZR = zeros.shape[0]
    PADN = ZR * _NS
    RW = R // _NS
    NIT = RW // _CH
    CE = _CH * IW

    mesh = plsc.VectorSubcoreMesh(core_axis_name="c", subcore_axis_name="s")

    @functools.partial(
        pl.kernel,
        out_type=jax.ShapeDtypeStruct((_NC * PADN, HC), jnp.float32),
        mesh=mesh,
        scratch_types=[
            pltpu.VMEM_SHARED((PADN, HC), jnp.float32),
            pltpu.VMEM((_CH, IW), jnp.int32),
            pltpu.VMEM((CE, HC), jnp.float32),
        ],
    )
    def scatter_kernel(h_hbm, dst_hbm, zero_hbm, agg_hbm,
                       acc, idx_v, rows_v):
        c = lax.axis_index("c")
        s = lax.axis_index("s")

        pltpu.sync_copy(zero_hbm, acc.at[pl.ds(s * ZR, ZR)])
        plsc.subcore_barrier()

        @pl.loop(0, NIT)
        def _chunk(i):
            row0 = s * RW + i * _CH
            pltpu.sync_copy(dst_hbm.at[pl.ds(row0, _CH)], idx_v)
            pltpu.sync_copy(h_hbm.at[pl.ds(row0 * IW, CE), pl.ds(c * HC, HC)],
                            rows_v)
            for j in range(_CH):
                pltpu.sync_copy(rows_v.at[pl.ds(j * IW, IW)],
                                acc.at[idx_v.at[j]], add=True)

        plsc.subcore_barrier()
        pltpu.sync_copy(acc.at[pl.ds(s * ZR, ZR)],
                        agg_hbm.at[pl.ds(c * PADN + s * ZR, ZR)])

    return scatter_kernel(h, dst2, zeros)


def _edge_mlp_call(xs, xd, ea, W1s, W1d, W1e, b1, W2, b2, g, be):
    E, D = xs.shape
    Hd = W2.shape[1]
    BE = 2048
    grid = (E // BE,)

    def body(xs_ref, xd_ref, ea_ref, W1s_ref, W1d_ref, W1e_ref, b1_ref,
             W2_ref, b2_ref, g_ref, be_ref, h_ref):
        f32 = jnp.float32
        z = (jnp.dot(xs_ref[...].astype(jnp.bfloat16), W1s_ref[...],
                     preferred_element_type=f32)
             + jnp.dot(xd_ref[...].astype(jnp.bfloat16), W1d_ref[...],
                       preferred_element_type=f32)
             + jnp.dot(ea_ref[...].astype(jnp.bfloat16), W1e_ref[...],
                       preferred_element_type=f32)
             + b1_ref[...])
        h1 = _silu(z).astype(jnp.bfloat16)
        h2 = jnp.dot(h1, W2_ref[...], preferred_element_type=f32) + b2_ref[...]
        h_ref[...] = _layer_norm(h2, g_ref[...], be_ref[...])

    full = lambda a: pl.BlockSpec(a.shape, lambda i: (0,) * a.ndim)
    return pl.pallas_call(
        body,
        grid=grid,
        in_specs=[
            pl.BlockSpec((BE, D), lambda i: (i, 0)),
            pl.BlockSpec((BE, D), lambda i: (i, 0)),
            pl.BlockSpec((BE, ea.shape[1]), lambda i: (i, 0)),
            full(W1s), full(W1d), full(W1e), full(b1),
            full(W2), full(b2), full(g), full(be),
        ],
        out_specs=pl.BlockSpec((BE, Hd), lambda i: (i, 0)),
        out_shape=jax.ShapeDtypeStruct((E, Hd), jnp.float32),
    )(xs, xd, ea, W1s, W1d, W1e, b1, W2, b2, g, be)


def _node_mlp_call(x, agg, Wnx, Wna, bn1, Wn2, bn2, g, b):
    N, D = x.shape
    Hd = agg.shape[1]
    BN = 1000
    grid = (N // BN,)

    def body(x_ref, agg_ref, Wnx_ref, Wna_ref, bn1_ref, Wn2_ref, bn2_ref,
             g_ref, b_ref, o_ref):
        f32 = jnp.float32
        z = (jnp.dot(x_ref[...].astype(jnp.bfloat16), Wnx_ref[...],
                     preferred_element_type=f32)
             + jnp.dot(agg_ref[...].astype(jnp.bfloat16), Wna_ref[...],
                       preferred_element_type=f32)
             + bn1_ref[...])
        u1 = _silu(z).astype(jnp.bfloat16)
        u = jnp.dot(u1, Wn2_ref[...], preferred_element_type=f32) + bn2_ref[...]
        o_ref[...] = x_ref[...] + _layer_norm(u, g_ref[...], b_ref[...])

    full = lambda a: pl.BlockSpec(a.shape, lambda i: (0,) * a.ndim)
    return pl.pallas_call(
        body,
        grid=grid,
        in_specs=[
            pl.BlockSpec((BN, D), lambda i: (i, 0)),
            pl.BlockSpec((BN, Hd), lambda i: (i, 0)),
            full(Wnx), full(Wna), full(bn1), full(Wn2), full(bn2),
            full(g), full(b),
        ],
        out_specs=pl.BlockSpec((BN, D), lambda i: (i, 0)),
        out_shape=jax.ShapeDtypeStruct((N, D), jnp.float32),
    )(x, agg, Wnx, Wna, bn1, Wn2, bn2, g, b)


def kernel(x, edge_index, edge_attr, W_e1, b_e1, W_e2, b_e2, g_e, be_ln,
           W_n1, b_n1, W_n2, b_n2, g_n, bn_ln):
    N, D = x.shape
    E = edge_index.shape[1]
    DE = edge_attr.shape[1]
    Hd = W_e2.shape[0]
    bf16 = jnp.bfloat16

    PAD = _EP - E
    src = edge_index[0]
    dst = edge_index[1]
    pad0 = jnp.zeros((PAD,), jnp.int32)
    src2 = jnp.concatenate([src, pad0]).reshape(_EP // _IW, _IW)
    dstg2 = jnp.concatenate([dst, pad0]).reshape(_EP // _IW, _IW)
    dsts2 = jnp.concatenate([dst, jnp.full((PAD,), N, jnp.int32)]).reshape(_EP // _IW, _IW)
    ea_p = jnp.concatenate([edge_attr, jnp.zeros((PAD, DE), edge_attr.dtype)])

    xs, xd = _gather_call(x, src2, dstg2)

    W1s = W_e1[:D].astype(bf16)
    W1d = W_e1[D:2 * D].astype(bf16)
    W1e = W_e1[2 * D:].astype(bf16)
    h = _edge_mlp_call(xs, xd, ea_p,
                       W1s, W1d, W1e, b_e1.reshape(1, Hd),
                       W_e2.astype(bf16), b_e2.reshape(1, Hd),
                       g_e.reshape(1, Hd), be_ln.reshape(1, Hd))

    HC = Hd // _NC
    ZR = (-(-(N + 1) // _NS) + 7) // 8 * 8
    PADN = ZR * _NS
    zeros = jnp.zeros((ZR, HC), jnp.float32)
    aggp = _scatter_call(h, dsts2, zeros, N)
    agg = jnp.concatenate([aggp[:N], aggp[PADN:PADN + N]], axis=1)

    Wnx = W_n1[:D].astype(bf16)
    Wna = W_n1[D:].astype(bf16)
    return _node_mlp_call(x, agg, Wnx, Wna, b_n1.reshape(1, Hd),
                          W_n2.astype(bf16), b_n2.reshape(1, D),
                          g_n.reshape(1, D), bn_ln.reshape(1, D))

# --- scband reference (transcript-rebuilt; emitter-appended) ---
"""Pipeline reference for scband-graph-msg-63170378989836 (READ-ONLY COPY).

The authoritative reference and input builder live on the scoring server;
editing this copy changes nothing except your own understanding.
"""

import jax, jax.numpy as jnp
import numpy as np

N = 10000
E = 320000
D = 128
DE = 16
H = 256


def layer_norm(x, g, b):
    m = jnp.mean(x, axis=-1, keepdims=True)
    v = jnp.var(x, axis=-1, keepdims=True)
    return (x - m) / jnp.sqrt(v + 1e-5) * g + b


def setup_inputs(seed: int = 0) -> dict:
    key = jax.random.key(seed)
    ks = jax.random.split(key, 12)
    x = jax.random.normal(ks[0], (N, D), dtype=jnp.float32)
    edge_index = jax.random.randint(ks[1], (2, E), 0, N, dtype=jnp.int32)
    edge_attr = jax.random.normal(ks[2], (E, DE), dtype=jnp.float32)
    d_e_in = 2 * D + DE
    d_n_in = D + H
    W_e1 = jax.random.normal(ks[3], (d_e_in, H), dtype=jnp.float32) / np.sqrt(d_e_in)
    b_e1 = jnp.zeros((H,), dtype=jnp.float32)
    W_e2 = jax.random.normal(ks[4], (H, H), dtype=jnp.float32) / np.sqrt(H)
    b_e2 = jnp.zeros((H,), dtype=jnp.float32)
    g_e = jnp.ones((H,), dtype=jnp.float32)
    be_ln = jnp.zeros((H,), dtype=jnp.float32)
    W_n1 = jax.random.normal(ks[5], (d_n_in, H), dtype=jnp.float32) / np.sqrt(d_n_in)
    b_n1 = jnp.zeros((H,), dtype=jnp.float32)
    W_n2 = jax.random.normal(ks[6], (H, D), dtype=jnp.float32) / np.sqrt(H)
    b_n2 = jnp.zeros((D,), dtype=jnp.float32)
    g_n = jnp.ones((D,), dtype=jnp.float32)
    bn_ln = jnp.zeros((D,), dtype=jnp.float32)
    return {"x": x, "edge_index": edge_index, "edge_attr": edge_attr,
            "W_e1": W_e1, "b_e1": b_e1, "W_e2": W_e2, "b_e2": b_e2,
            "g_e": g_e, "be_ln": be_ln,
            "W_n1": W_n1, "b_n1": b_n1, "W_n2": W_n2, "b_n2": b_n2,
            "g_n": g_n, "bn_ln": bn_ln}


def reference(x, edge_index, edge_attr, W_e1, b_e1, W_e2, b_e2, g_e, be_ln,
              W_n1, b_n1, W_n2, b_n2, g_n, bn_ln):
    src = edge_index[0]
    dst = edge_index[1]
    # edge MLP: concat(src node feats, dst node feats, edge attrs) -> hidden
    e_in = jnp.concatenate([jnp.take(x, src, axis=0), jnp.take(x, dst, axis=0), edge_attr], axis=-1)
    h = jax.nn.silu(e_in @ W_e1 + b_e1)
    h = h @ W_e2 + b_e2
    h = layer_norm(h, g_e, be_ln)
    # aggregate messages to destination nodes (scatter-add / segment sum)
    agg = jax.ops.segment_sum(h, dst, num_segments=x.shape[0])
    # node update MLP with residual connection
    n_in = jnp.concatenate([x, agg], axis=-1)
    u = jax.nn.silu(n_in @ W_n1 + b_n1)
    u = u @ W_n2 + b_n2
    u = layer_norm(u, g_n, bn_ln)
    return x + u

if __name__ == "__main__":
    import jax
    _d = setup_inputs()
    print(jax.jit(kernel)(*tuple(_d.values())))

</pallas_src>

<mosaic_0001>
#map = affine_map<(d0, d1) -> (0, 0)>
module attributes {stable_mosaic.version = 14 : i64} {
  func.func @scatter_kernel(%arg0: i32, %arg1: i32, %arg2: memref<327680x256xf32, #tpu.memory_space<hbm>>, %arg3: memref<8192x40xi32, #tpu.memory_space<hbm>>, %arg4: memref<632x128xf32, #tpu.memory_space<hbm>>, %arg5: memref<20224x128xf32, #tpu.memory_space<hbm>>, %arg6: memref<10112x128xf32, #tpu.memory_space<vmem_shared>>, %arg7: memref<8x40xi32, #tpu.memory_space<vmem>>, %arg8: memref<320x128xf32, #tpu.memory_space<vmem>>) attributes {dimension_semantics = [#tpu.dimension_semantics<core_parallel>, #tpu.dimension_semantics<subcore_parallel>], iteration_bounds = array<i64: 2, 16>, scalar_prefetch = 0 : i64, scratch_operands = 3 : i64, tpu.core_type = #tpu.core_type<sc_vector_subcore>, window_params = [{transform_indices = #map}, {transform_indices = #map}, {transform_indices = #map}, {transform_indices = #map}]} {
    %mul3A = arith.constant 632 : i32
    %mul3A_0 = arith.muli %arg1, %mul3A : i32
    "tpu.region"() ({
      %run_scoped3A = tpu.sem_alloc : memref<!tpu.dma_semaphore, #tpu.memory_space<semaphore_mem>>
      %dma_start3A = arith.constant 0 : i32
      %dma_start3A_12 = tpu.memref_slice %arg6[%mul3A_0, %dma_start3A] : memref<10112x128xf32, #tpu.memory_space<vmem_shared>> -> memref<632x128xf32, #tpu.memory_space<vmem_shared>>
      tpu.enqueue_dma source(%arg4 : memref<632x128xf32, #tpu.memory_space<hbm>>) target(%dma_start3A_12 : memref<632x128xf32, #tpu.memory_space<vmem_shared>>) target_semaphore(%run_scoped3A : memref<!tpu.dma_semaphore, #tpu.memory_space<semaphore_mem>>)
      %dma_wait3A = arith.constant 0 : i32
      %dma_wait3A_13 = tpu.memref_slice %arg6[%mul3A_0, %dma_wait3A] : memref<10112x128xf32, #tpu.memory_space<vmem_shared>> -> memref<632x128xf32, #tpu.memory_space<vmem_shared>>
      tpu.wait_dma2 semaphore(%run_scoped3A : memref<!tpu.dma_semaphore, #tpu.memory_space<semaphore_mem>>) src(%arg4 : memref<632x128xf32, #tpu.memory_space<hbm>>) dst(%dma_wait3A_13 : memref<632x128xf32, #tpu.memory_space<vmem_shared>>)
      tpu.yield
    }) : () -> ()
    %barrier3A = arith.constant 0 : index
    tpu.barrier barrier_id(%barrier3A)
    %scan3A = arith.constant 0 : i32
    %scan3A_1 = arith.constant 64 : i32
    %scan3A_2 = arith.addi %scan3A, %scan3A_1 : i32
    %scan3A_3 = arith.constant 1 : i32
    scf.for %scan3A_12 = %scan3A to %scan3A_2 step %scan3A_3  : i32 {
      %mul3A_13 = arith.constant 1 : i32
      %mul3A_14 = arith.muli %scan3A_12, %mul3A_13 : i32
      %add3A_15 = arith.constant 0 : i32
      %add3A_16 = arith.addi %add3A_15, %mul3A_14 : i32
      %mul3A_17 = arith.constant 512 : i32
      %mul3A_18 = arith.muli %arg1, %mul3A_17 : i32
      %mul3A_19 = arith.constant 8 : i32
      %mul3A_20 = arith.muli %add3A_16, %mul3A_19 : i32
      %add3A_21 = arith.addi %mul3A_18, %mul3A_20 : i32
      "tpu.region"() ({
        %run_scoped3A_33 = tpu.sem_alloc : memref<!tpu.dma_semaphore, #tpu.memory_space<semaphore_mem>>
        %dma_start3A = arith.constant 0 : i32
        %dma_start3A_34 = tpu.memref_slice %arg3[%add3A_21, %dma_start3A] : memref<8192x40xi32, #tpu.memory_space<hbm>> -> memref<8x40xi32, #tpu.memory_space<hbm>>
        %dma_start3A_35 = arith.constant 0 : i32
        %dma_start3A_36 = tpu.memref_slice %arg3[%add3A_21, %dma_start3A_35] : memref<8192x40xi32, #tpu.memory_space<hbm>> -> memref<8x40xi32, #tpu.memory_space<hbm>>
        tpu.enqueue_dma source(%dma_start3A_36 : memref<8x40xi32, #tpu.memory_space<hbm>>) target(%arg7 : memref<8x40xi32, #tpu.memory_space<vmem>>) target_semaphore(%run_scoped3A_33 : memref<!tpu.dma_semaphore, #tpu.memory_space<semaphore_mem>>)
        %dma_wait3A = arith.constant 0 : i32
        %dma_wait3A_37 = tpu.memref_slice %arg3[%add3A_21, %dma_wait3A] : memref<8192x40xi32, #tpu.memory_space<hbm>> -> memref<8x40xi32, #tpu.memory_space<hbm>>
        %dma_wait3A_38 = arith.constant 0 : i32
        %dma_wait3A_39 = tpu.memref_slice %arg3[%add3A_21, %dma_wait3A_38] : memref<8192x40xi32, #tpu.memory_space<hbm>> -> memref<8x40xi32, #tpu.memory_space<hbm>>
        tpu.wait_dma2 semaphore(%run_scoped3A_33 : memref<!tpu.dma_semaphore, #tpu.memory_space<semaphore_mem>>) src(%dma_wait3A_39 : memref<8x40xi32, #tpu.memory_space<hbm>>) dst(%arg7 : memref<8x40xi32, #tpu.memory_space<vmem>>)
        tpu.yield
      }) : () -> ()
      %mul3A_22 = arith.constant 40 : i32
      %mul3A_23 = arith.muli %add3A_21, %mul3A_22 : i32
      %mul3A_24 = arith.constant 128 : i32
      %mul3A_25 = arith.muli %arg0, %mul3A_24 : i32
      "tpu.region"() ({
        %run_scoped3A_33 = tpu.sem_alloc : memref<!tpu.dma_semaphore, #tpu.memory_space<semaphore_mem>>
        %dma_start3A = tpu.memref_slice %arg2[%mul3A_23, %mul3A_25] : memref<327680x256xf32, #tpu.memory_space<hbm>> -> memref<320x128xf32, #tpu.memory_space<hbm>>
        %dma_start3A_34 = tpu.memref_slice %arg2[%mul3A_23, %mul3A_25] : memref<327680x256xf32, #tpu.memory_space<hbm>> -> memref<320x128xf32, #tpu.memory_space<hbm>>
        tpu.enqueue_dma source(%dma_start3A_34 : memref<320x128xf32, #tpu.memory_space<hbm>>) target(%arg8 : memref<320x128xf32, #tpu.memory_space<vmem>>) target_semaphore(%run_scoped3A_33 : memref<!tpu.dma_semaphore, #tpu.memory_space<semaphore_mem>>)
        %dma_wait3A = tpu.memref_slice %arg2[%mul3A_23, %mul3A_25] : memref<327680x256xf32, #tpu.memory_space<hbm>> -> memref<320x128xf32, #tpu.memory_space<hbm>>
        %dma_wait3A_35 = tpu.memref_slice %arg2[%mul3A_23, %mul3A_25] : memref<327680x256xf32, #tpu.memory_space<hbm>> -> memref<320x128xf32, #tpu.memory_space<hbm>>
        tpu.wait_dma2 semaphore(%run_scoped3A_33 : memref<!tpu.dma_semaphore, #tpu.memory_space<semaphore_mem>>) src(%dma_wait3A_35 : memref<320x128xf32, #tpu.memory_space<hbm>>) dst(%arg8 : memref<320x128xf32, #tpu.memory_space<vmem>>)
        tpu.yield
      }) : () -> ()
      %run_scoped3A = arith.constant 0 : i32
      "tpu.region"() ({
        %run_scoped3A_33 = tpu.sem_alloc : memref<!tpu.dma_semaphore, #tpu.memory_space<semaphore_mem>>
        %dma_start3A = arith.constant 0 : i32
        %dma_start3A_34 = arith.constant 0 : i32
        %dma_start3A_35 = tpu.memref_slice %arg8[%dma_start3A, %dma_start3A_34] : memref<320x128xf32, #tpu.memory_space<vmem>> -> memref<40x128xf32, #tpu.memory_space<vmem>>
        %dma_start3A_36 = arith.constant 0 : i32
        %dma_start3A_37 = tpu.memref_slice %arg7[%run_scoped3A, %dma_start3A_36] : memref<8x40xi32, #tpu.memory_space<vmem>> -> memref<1x40xi32, #tpu.memory_space<vmem>>
        %dma_start3A_38 = tpu.memref_squeeze %dma_start3A_37 : memref<1x40xi32, #tpu.memory_space<vmem>> -> memref<40xi32, #tpu.memory_space<vmem>>
        %dma_start3A_39 = arith.constant 0 : i32
        %dma_start3A_40 = arith.constant 0 : i32
        %dma_start3A_41 = tpu.memref_slice %arg6[%dma_start3A_39, %dma_start3A_40] : memref<10112x128xf32, #tpu.memory_space<vmem_shared>> -> memref<10112x128xf32, #tpu.memory_space<vmem_shared>>
        tpu.enqueue_indirect_dma source(%dma_start3A_35 : memref<40x128xf32, #tpu.memory_space<vmem>>) target(%dma_start3A_41 : memref<10112x128xf32, #tpu.memory_space<vmem_shared>>) offsets(%dma_start3A_38 : memref<40xi32, #tpu.memory_space<vmem>>) semaphore(%run_scoped3A_33 : memref<!tpu.dma_semaphore, #tpu.memory_space<semaphore_mem>>) {add = true}
        %dma_wait3A = arith.constant 0 : i32
        %dma_wait3A_42 = arith.constant 0 : i32
        %dma_wait3A_43 = tpu.memref_slice %arg8[%dma_wait3A, %dma_wait3A_42] : memref<320x128xf32, #tpu.memory_space<vmem>> -> memref<40x128xf32, #tpu.memory_space<vmem>>
        %dma_wait3A_44 = arith.constant 0 : i32
        %dma_wait3A_45 = tpu.memref_slice %arg7[%run_scoped3A, %dma_wait3A_44] : memref<8x40xi32, #tpu.memory_space<vmem>> -> memref<1x40xi32, #tpu.memory_space<vmem>>
        %dma_wait3A_46 = tpu.memref_squeeze %dma_wait3A_45 : memref<1x40xi32, #tpu.memory_space<vmem>> -> memref<40xi32, #tpu.memory_space<vmem>>
        %dma_wait3A_47 = arith.constant 0 : i32
        %dma_wait3A_48 = arith.constant 0 : i32
        %dma_wait3A_49 = tpu.memref_slice %arg6[%dma_wait3A_47, %dma_wait3A_48] : memref<10112x128xf32, #tpu.memory_space<vmem_shared>> -> memref<10112x128xf32, #tpu.memory_space<vmem_shared>>
        tpu.wait_indirect_dma semaphore(%run_scoped3A_33 : memref<!tpu.dma_semaphore, #tpu.memory_space<semaphore_mem>>) src(%dma_wait3A_43 : memref<40x128xf32, #tpu.memory_space<vmem>>) dst(%dma_wait3A_49 : memref<10112x128xf32, #tpu.memory_space<vmem_shared>>)
        tpu.yield
      }) : () -> ()
      %run_scoped3A_26 = arith.constant 1 : i32
      "tpu.region"() ({
        %run_scoped3A_33 = tpu.sem_alloc : memref<!tpu.dma_semaphore, #tpu.memory_space<semaphore_mem>>
        %dma_start3A = arith.constant 40 : i32
        %dma_start3A_34 = arith.constant 0 : i32
        %dma_start3A_35 = tpu.memref_slice %arg8[%dma_start3A, %dma_start3A_34] : memref<320x128xf32, #tpu.memory_space<vmem>> -> memref<40x128xf32, #tpu.memory_space<vmem>>
        %dma_start3A_36 = arith.constant 0 : i32
        %dma_start3A_37 = tpu.memref_slice %arg7[%run_scoped3A_26, %dma_start3A_36] : memref<8x40xi32, #tpu.memory_space<vmem>> -> memref<1x40xi32, #tpu.memory_space<vmem>>
        %dma_start3A_38 = tpu.memref_squeeze %dma_start3A_37 : memref<1x40xi32, #tpu.memory_space<vmem>> -> memref<40xi32, #tpu.memory_space<vmem>>
        %dma_start3A_39 = arith.constant 0 : i32
        %dma_start3A_40 = arith.constant 0 : i32
        %dma_start3A_41 = tpu.memref_slice %arg6[%dma_start3A_39, %dma_start3A_40] : memref<10112x128xf32, #tpu.memory_space<vmem_shared>> -> memref<10112x128xf32, #tpu.memory_space<vmem_shared>>
        tpu.enqueue_indirect_dma source(%dma_start3A_35 : memref<40x128xf32, #tpu.memory_space<vmem>>) target(%dma_start3A_41 : memref<10112x128xf32, #tpu.memory_space<vmem_shared>>) offsets(%dma_start3A_38 : memref<40xi32, #tpu.memory_space<vmem>>) semaphore(%run_scoped3A_33 : memref<!tpu.dma_semaphore, #tpu.memory_space<semaphore_mem>>) {add = true}
        %dma_wait3A = arith.constant 40 : i32
        %dma_wait3A_42 = arith.constant 0 : i32
        %dma_wait3A_43 = tpu.memref_slice %arg8[%dma_wait3A, %dma_wait3A_42] : memref<320x128xf32, #tpu.memory_space<vmem>> -> memref<40x128xf32, #tpu.memory_space<vmem>>
        %dma_wait3A_44 = arith.constant 0 : i32
        %dma_wait3A_45 = tpu.memref_slice %arg7[%run_scoped3A_26, %dma_wait3A_44] : memref<8x40xi32, #tpu.memory_space<vmem>> -> memref<1x40xi32, #tpu.memory_space<vmem>>
        %dma_wait3A_46 = tpu.memref_squeeze %dma_wait3A_45 : memref<1x40xi32, #tpu.memory_space<vmem>> -> memref<40xi32, #tpu.memory_space<vmem>>
        %dma_wait3A_47 = arith.constant 0 : i32
        %dma_wait3A_48 = arith.constant 0 : i32
        %dma_wait3A_49 = tpu.memref_slice %arg6[%dma_wait3A_47, %dma_wait3A_48] : memref<10112x128xf32, #tpu.memory_space<vmem_shared>> -> memref<10112x128xf32, #tpu.memory_space<vmem_shared>>
        tpu.wait_indirect_dma semaphore(%run_scoped3A_33 : memref<!tpu.dma_semaphore, #tpu.memory_space<semaphore_mem>>) src(%dma_wait3A_43 : memref<40x128xf32, #tpu.memory_space<vmem>>) dst(%dma_wait3A_49 : memref<10112x128xf32, #tpu.memory_space<vmem_shared>>)
        tpu.yield
      }) : () -> ()
      %run_scoped3A_27 = arith.constant 2 : i32
      "tpu.region"() ({
        %run_scoped3A_33 = tpu.sem_alloc : memref<!tpu.dma_semaphore, #tpu.memory_space<semaphore_mem>>
        %dma_start3A = arith.constant 80 : i32
        %dma_start3A_34 = arith.constant 0 : i32
        %dma_start3A_35 = tpu.memref_slice %arg8[%dma_start3A, %dma_start3A_34] : memref<320x128xf32, #tpu.memory_space<vmem>> -> memref<40x128xf32, #tpu.memory_space<vmem>>
        %dma_start3A_36 = arith.constant 0 : i32
        %dma_start3A_37 = tpu.memref_slice %arg7[%run_scoped3A_27, %dma_start3A_36] : memref<8x40xi32, #tpu.memory_space<vmem>> -> memref<1x40xi32, #tpu.memory_space<vmem>>
        %dma_start3A_38 = tpu.memref_squeeze %dma_start3A_37 : memref<1x40xi32, #tpu.memory_space<vmem>> -> memref<40xi32, #tpu.memory_space<vmem>>
        %dma_start3A_39 = arith.constant 0 : i32
        %dma_start3A_40 = arith.constant 0 : i32
        %dma_start3A_41 = tpu.memref_slice %arg6[%dma_start3A_39, %dma_start3A_40] : memref<10112x128xf32, #tpu.memory_space<vmem_shared>> -> memref<10112x128xf32, #tpu.memory_space<vmem_shared>>
        tpu.enqueue_indirect_dma source(%dma_start3A_35 : memref<40x128xf32, #tpu.memory_space<vmem>>) target(%dma_start3A_41 : memref<10112x128xf32, #tpu.memory_space<vmem_shared>>) offsets(%dma_start3A_38 : memref<40xi32, #tpu.memory_space<vmem>>) semaphore(%run_scoped3A_33 : memref<!tpu.dma_semaphore, #tpu.memory_space<semaphore_mem>>) {add = true}
        %dma_wait3A = arith.constant 80 : i32
        %dma_wait3A_42 = arith.constant 0 : i32
        %dma_wait3A_43 = tpu.memref_slice %arg8[%dma_wait3A, %dma_wait3A_42] : memref<320x128xf32, #tpu.memory_space<vmem>> -> memref<40x128xf32, #tpu.memory_space<vmem>>
        %dma_wait3A_44 = arith.constant 0 : i32
        %dma_wait3A_45 = tpu.memref_slice %arg7[%run_scoped3A_27, %dma_wait3A_44] : memref<8x40xi32, #tpu.memory_space<vmem>> -> memref<1x40xi32, #tpu.memory_space<vmem>>
        %dma_wait3A_46 = tpu.memref_squeeze %dma_wait3A_45 : memref<1x40xi32, #tpu.memory_space<vmem>> -> memref<40xi32, #tpu.memory_space<vmem>>
        %dma_wait3A_47 = arith.constant 0 : i32
        %dma_wait3A_48 = arith.constant 0 : i32
        %dma_wait3A_49 = tpu.memref_slice %arg6[%dma_wait3A_47, %dma_wait3A_48] : memref<10112x128xf32, #tpu.memory_space<vmem_shared>> -> memref<10112x128xf32, #tpu.memory_space<vmem_shared>>
        tpu.wait_indirect_dma semaphore(%run_scoped3A_33 : memref<!tpu.dma_semaphore, #tpu.memory_space<semaphore_mem>>) src(%dma_wait3A_43 : memref<40x128xf32, #tpu.memory_space<vmem>>) dst(%dma_wait3A_49 : memref<10112x128xf32, #tpu.memory_space<vmem_shared>>)
        tpu.yield
      }) : () -> ()
      %run_scoped3A_28 = arith.constant 3 : i32
      "tpu.region"() ({
        %run_scoped3A_33 = tpu.sem_alloc : memref<!tpu.dma_semaphore, #tpu.memory_space<semaphore_mem>>
        %dma_start3A = arith.constant 120 : i32
        %dma_start3A_34 = arith.constant 0 : i32
        %dma_start3A_35 = tpu.memref_slice %arg8[%dma_start3A, %dma_start3A_34] : memref<320x128xf32, #tpu.memory_space<vmem>> -> memref<40x128xf32, #tpu.memory_space<vmem>>
        %dma_start3A_36 = arith.constant 0 : i32
        %dma_start3A_37 = tpu.memref_slice %arg7[%run_scoped3A_28, %dma_start3A_36] : memref<8x40xi32, #tpu.memory_space<vmem>> -> memref<1x40xi32, #tpu.memory_space<vmem>>
        %dma_start3A_38 = tpu.memref_squeeze %dma_start3A_37 : memref<1x40xi32, #tpu.memory_space<vmem>> -> memref<40xi32, #tpu.memory_space<vmem>>
        %dma_start3A_39 = arith.constant 0 : i32
        %dma_start3A_40 = arith.constant 0 : i32
        %dma_start3A_41 = tpu.memref_slice %arg6[%dma_start3A_39, %dma_start3A_40] : memref<10112x128xf32, #tpu.memory_space<vmem_shared>> -> memref<10112x128xf32, #tpu.memory_space<vmem_shared>>
        tpu.enqueue_indirect_dma source(%dma_start3A_35 : memref<40x128xf32, #tpu.memory_space<vmem>>) target(%dma_start3A_41 : memref<10112x128xf32, #tpu.memory_space<vmem_shared>>) offsets(%dma_start3A_38 : memref<40xi32, #tpu.memory_space<vmem>>) semaphore(%run_scoped3A_33 : memref<!tpu.dma_semaphore, #tpu.memory_space<semaphore_mem>>) {add = true}
        %dma_wait3A = arith.constant 120 : i32
        %dma_wait3A_42 = arith.constant 0 : i32
        %dma_wait3A_43 = tpu.memref_slice %arg8[%dma_wait3A, %dma_wait3A_42] : memref<320x128xf32, #tpu.memory_space<vmem>> -> memref<40x128xf32, #tpu.memory_space<vmem>>
        %dma_wait3A_44 = arith.constant 0 : i32
        %dma_wait3A_45 = tpu.memref_slice %arg7[%run_scoped3A_28, %dma_wait3A_44] : memref<8x40xi32, #tpu.memory_space<vmem>> -> memref<1x40xi32, #tpu.memory_space<vmem>>
        %dma_wait3A_46 = tpu.memref_squeeze %dma_wait3A_45 : memref<1x40xi32, #tpu.memory_space<vmem>> -> memref<40xi32, #tpu.memory_space<vmem>>
        %dma_wait3A_47 = arith.constant 0 : i32
        %dma_wait3A_48 = arith.constant 0 : i32
        %dma_wait3A_49 = tpu.memref_slice %arg6[%dma_wait3A_47, %dma_wait3A_48] : memref<10112x128xf32, #tpu.memory_space<vmem_shared>> -> memref<10112x128xf32, #tpu.memory_space<vmem_shared>>
        tpu.wait_indirect_dma semaphore(%run_scoped3A_33 : memref<!tpu.dma_semaphore, #tpu.memory_space<semaphore_mem>>) src(%dma_wait3A_43 : memref<40x128xf32, #tpu.memory_space<vmem>>) dst(%dma_wait3A_49 : memref<10112x128xf32, #tpu.memory_space<vmem_shared>>)
        tpu.yield
      }) : () -> ()
      %run_scoped3A_29 = arith.constant 4 : i32
      "tpu.region"() ({
        %run_scoped3A_33 = tpu.sem_alloc : memref<!tpu.dma_semaphore, #tpu.memory_space<semaphore_mem>>
        %dma_start3A = arith.constant 160 : i32
        %dma_start3A_34 = arith.constant 0 : i32
        %dma_start3A_35 = tpu.memref_slice %arg8[%dma_start3A, %dma_start3A_34] : memref<320x128xf32, #tpu.memory_space<vmem>> -> memref<40x128xf32, #tpu.memory_space<vmem>>
        %dma_start3A_36 = arith.constant 0 : i32
        %dma_start3A_37 = tpu.memref_slice %arg7[%run_scoped3A_29, %dma_start3A_36] : memref<8x40xi32, #tpu.memory_space<vmem>> -> memref<1x40xi32, #tpu.memory_space<vmem>>
        %dma_start3A_38 = tpu.memref_squeeze %dma_start3A_37 : memref<1x40xi32, #tpu.memory_space<vmem>> -> memref<40xi32, #tpu.memory_space<vmem>>
        %dma_start3A_39 = arith.constant 0 : i32
        %dma_start3A_40 = arith.constant 0 : i32
        %dma_start3A_41 = tpu.memref_slice %arg6[%dma_start3A_39, %dma_start3A_40] : memref<10112x128xf32, #tpu.memory_space<vmem_shared>> -> memref<10112x128xf32, #tpu.memory_space<vmem_shared>>
        tpu.enqueue_indirect_dma source(%dma_start3A_35 : memref<40x128xf32, #tpu.memory_space<vmem>>) target(%dma_start3A_41 : memref<10112x128xf32, #tpu.memory_space<vmem_shared>>) offsets(%dma_start3A_38 : memref<40xi32, #tpu.memory_space<vmem>>) semaphore(%run_scoped3A_33 : memref<!tpu.dma_semaphore, #tpu.memory_space<semaphore_mem>>) {add = true}
        %dma_wait3A = arith.constant 160 : i32
        %dma_wait3A_42 = arith.constant 0 : i32
        %dma_wait3A_43 = tpu.memref_slice %arg8[%dma_wait3A, %dma_wait3A_42] : memref<320x128xf32, #tpu.memory_space<vmem>> -> memref<40x128xf32, #tpu.memory_space<vmem>>
        %dma_wait3A_44 = arith.constant 0 : i32
        %dma_wait3A_45 = tpu.memref_slice %arg7[%run_scoped3A_29, %dma_wait3A_44] : memref<8x40xi32, #tpu.memory_space<vmem>> -> memref<1x40xi32, #tpu.memory_space<vmem>>
        %dma_wait3A_46 = tpu.memref_squeeze %dma_wait3A_45 : memref<1x40xi32, #tpu.memory_space<vmem>> -> memref<40xi32, #tpu.memory_space<vmem>>
        %dma_wait3A_47 = arith.constant 0 : i32
        %dma_wait3A_48 = arith.constant 0 : i32
        %dma_wait3A_49 = tpu.memref_slice %arg6[%dma_wait3A_47, %dma_wait3A_48] : memref<10112x128xf32, #tpu.memory_space<vmem_shared>> -> memref<10112x128xf32, #tpu.memory_space<vmem_shared>>
        tpu.wait_indirect_dma semaphore(%run_scoped3A_33 : memref<!tpu.dma_semaphore, #tpu.memory_space<semaphore_mem>>) src(%dma_wait3A_43 : memref<40x128xf32, #tpu.memory_space<vmem>>) dst(%dma_wait3A_49 : memref<10112x128xf32, #tpu.memory_space<vmem_shared>>)
        tpu.yield
      }) : () -> ()
      %run_scoped3A_30 = arith.constant 5 : i32
      "tpu.region"() ({
        %run_scoped3A_33 = tpu.sem_alloc : memref<!tpu.dma_semaphore, #tpu.memory_space<semaphore_mem>>
        %dma_start3A = arith.constant 200 : i32
        %dma_start3A_34 = arith.constant 0 : i32
        %dma_start3A_35 = tpu.memref_slice %arg8[%dma_start3A, %dma_start3A_34] : memref<320x128xf32, #tpu.memory_space<vmem>> -> memref<40x128xf32, #tpu.memory_space<vmem>>
        %dma_start3A_36 = arith.constant 0 : i32
        %dma_start3A_37 = tpu.memref_slice %arg7[%run_scoped3A_30, %dma_start3A_36] : memref<8x40xi32, #tpu.memory_space<vmem>> -> memref<1x40xi32, #tpu.memory_space<vmem>>
        %dma_start3A_38 = tpu.memref_squeeze %dma_start3A_37 : memref<1x40xi32, #tpu.memory_space<vmem>> -> memref<40xi32, #tpu.memory_space<vmem>>
        %dma_start3A_39 = arith.constant 0 : i32
        %dma_start3A_40 = arith.constant 0 : i32
        %dma_start3A_41 = tpu.memref_slice %arg6[%dma_start3A_39, %dma_start3A_40] : memref<10112x128xf32, #tpu.memory_space<vmem_shared>> -> memref<10112x128xf32, #tpu.memory_space<vmem_shared>>
        tpu.enqueue_indirect_dma source(%dma_start3A_35 : memref<40x128xf32, #tpu.memory_space<vmem>>) target(%dma_start3A_41 : memref<10112x128xf32, #tpu.memory_space<vmem_shared>>) offsets(%dma_start3A_38 : memref<40xi32, #tpu.memory_space<vmem>>) semaphore(%run_scoped3A_33 : memref<!tpu.dma_semaphore, #tpu.memory_space<semaphore_mem>>) {add = true}
        %dma_wait3A = arith.constant 200 : i32
        %dma_wait3A_42 = arith.constant 0 : i32
        %dma_wait3A_43 = tpu.memref_slice %arg8[%dma_wait3A, %dma_wait3A_42] : memref<320x128xf32, #tpu.memory_space<vmem>> -> memref<40x128xf32, #tpu.memory_space<vmem>>
        %dma_wait3A_44 = arith.constant 0 : i32
        %dma_wait3A_45 = tpu.memref_slice %arg7[%run_scoped3A_30, %dma_wait3A_44] : memref<8x40xi32, #tpu.memory_space<vmem>> -> memref<1x40xi32, #tpu.memory_space<vmem>>
        %dma_wait3A_46 = tpu.memref_squeeze %dma_wait3A_45 : memref<1x40xi32, #tpu.memory_space<vmem>> -> memref<40xi32, #tpu.memory_space<vmem>>
        %dma_wait3A_47 = arith.constant 0 : i32
        %dma_wait3A_48 = arith.constant 0 : i32
        %dma_wait3A_49 = tpu.memref_slice %arg6[%dma_wait3A_47, %dma_wait3A_48] : memref<10112x128xf32, #tpu.memory_space<vmem_shared>> -> memref<10112x128xf32, #tpu.memory_space<vmem_shared>>
        tpu.wait_indirect_dma semaphore(%run_scoped3A_33 : memref<!tpu.dma_semaphore, #tpu.memory_space<semaphore_mem>>) src(%dma_wait3A_43 : memref<40x128xf32, #tpu.memory_space<vmem>>) dst(%dma_wait3A_49 : memref<10112x128xf32, #tpu.memory_space<vmem_shared>>)
        tpu.yield
      }) : () -> ()
      %run_scoped3A_31 = arith.constant 6 : i32
      "tpu.region"() ({
        %run_scoped3A_33 = tpu.sem_alloc : memref<!tpu.dma_semaphore, #tpu.memory_space<semaphore_mem>>
        %dma_start3A = arith.constant 240 : i32
        %dma_start3A_34 = arith.constant 0 : i32
        %dma_start3A_35 = tpu.memref_slice %arg8[%dma_start3A, %dma_start3A_34] : memref<320x128xf32, #tpu.memory_space<vmem>> -> memref<40x128xf32, #tpu.memory_space<vmem>>
        %dma_start3A_36 = arith.constant 0 : i32
        %dma_start3A_37 = tpu.memref_slice %arg7[%run_scoped3A_31, %dma_start3A_36] : memref<8x40xi32, #tpu.memory_space<vmem>> -> memref<1x40xi32, #tpu.memory_space<vmem>>
        %dma_start3A_38 = tpu.memref_squeeze %dma_start3A_37 : memref<1x40xi32, #tpu.memory_space<vmem>> -> memref<40xi32, #tpu.memory_space<vmem>>
        %dma_start3A_39 = arith.constant 0 : i32
        %dma_start3A_40 = arith.constant 0 : i32
        %dma_start3A_41 = tpu.memref_slice %arg6[%dma_start3A_39, %dma_start3A_40] : memref<10112x128xf32, #tpu.memory_space<vmem_shared>> -> memref<10112x128xf32, #tpu.memory_space<vmem_shared>>
        tpu.enqueue_indirect_dma source(%dma_start3A_35 : memref<40x128xf32, #tpu.memory_space<vmem>>) target(%dma_start3A_41 : memref<10112x128xf32, #tpu.memory_space<vmem_shared>>) offsets(%dma_start3A_38 : memref<40xi32, #tpu.memory_space<vmem>>) semaphore(%run_scoped3A_33 : memref<!tpu.dma_semaphore, #tpu.memory_space<semaphore_mem>>) {add = true}
        %dma_wait3A = arith.constant 240 : i32
        %dma_wait3A_42 = arith.constant 0 : i32
        %dma_wait3A_43 = tpu.memref_slice %arg8[%dma_wait3A, %dma_wait3A_42] : memref<320x128xf32, #tpu.memory_space<vmem>> -> memref<40x128xf32, #tpu.memory_space<vmem>>
        %dma_wait3A_44 = arith.constant 0 : i32
        %dma_wait3A_45 = tpu.memref_slice %arg7[%run_scoped3A_31, %dma_wait3A_44] : memref<8x40xi32, #tpu.memory_space<vmem>> -> memref<1x40xi32, #tpu.memory_space<vmem>>
        %dma_wait3A_46 = tpu.memref_squeeze %dma_wait3A_45 : memref<1x40xi32, #tpu.memory_space<vmem>> -> memref<40xi32, #tpu.memory_space<vmem>>
        %dma_wait3A_47 = arith.constant 0 : i32
        %dma_wait3A_48 = arith.constant 0 : i32
        %dma_wait3A_49 = tpu.memref_slice %arg6[%dma_wait3A_47, %dma_wait3A_48] : memref<10112x128xf32, #tpu.memory_space<vmem_shared>> -> memref<10112x128xf32, #tpu.memory_space<vmem_shared>>
        tpu.wait_indirect_dma semaphore(%run_scoped3A_33 : memref<!tpu.dma_semaphore, #tpu.memory_space<semaphore_mem>>) src(%dma_wait3A_43 : memref<40x128xf32, #tpu.memory_space<vmem>>) dst(%dma_wait3A_49 : memref<10112x128xf32, #tpu.memory_space<vmem_shared>>)
        tpu.yield
      }) : () -> ()
      %run_scoped3A_32 = arith.constant 7 : i32
      "tpu.region"() ({
        %run_scoped3A_33 = tpu.sem_alloc : memref<!tpu.dma_semaphore, #tpu.memory_space<semaphore_mem>>
        %dma_start3A = arith.constant 280 : i32
        %dma_start3A_34 = arith.constant 0 : i32
        %dma_start3A_35 = tpu.memref_slice %arg8[%dma_start3A, %dma_start3A_34] : memref<320x128xf32, #tpu.memory_space<vmem>> -> memref<40x128xf32, #tpu.memory_space<vmem>>
        %dma_start3A_36 = arith.constant 0 : i32
        %dma_start3A_37 = tpu.memref_slice %arg7[%run_scoped3A_32, %dma_start3A_36] : memref<8x40xi32, #tpu.memory_space<vmem>> -> memref<1x40xi32, #tpu.memory_space<vmem>>
        %dma_start3A_38 = tpu.memref_squeeze %dma_start3A_37 : memref<1x40xi32, #tpu.memory_space<vmem>> -> memref<40xi32, #tpu.memory_space<vmem>>
        %dma_start3A_39 = arith.constant 0 : i32
        %dma_start3A_40 = arith.constant 0 : i32
        %dma_start3A_41 = tpu.memref_slice %arg6[%dma_start3A_39, %dma_start3A_40] : memref<10112x128xf32, #tpu.memory_space<vmem_shared>> -> memref<10112x128xf32, #tpu.memory_space<vmem_shared>>
        tpu.enqueue_indirect_dma source(%dma_start3A_35 : memref<40x128xf32, #tpu.memory_space<vmem>>) target(%dma_start3A_41 : memref<10112x128xf32, #tpu.memory_space<vmem_shared>>) offsets(%dma_start3A_38 : memref<40xi32, #tpu.memory_space<vmem>>) semaphore(%run_scoped3A_33 : memref<!tpu.dma_semaphore, #tpu.memory_space<semaphore_mem>>) {add = true}
        %dma_wait3A = arith.constant 280 : i32
        %dma_wait3A_42 = arith.constant 0 : i32
        %dma_wait3A_43 = tpu.memref_slice %arg8[%dma_wait3A, %dma_wait3A_42] : memref<320x128xf32, #tpu.memory_space<vmem>> -> memref<40x128xf32, #tpu.memory_space<vmem>>
        %dma_wait3A_44 = arith.constant 0 : i32
        %dma_wait3A_45 = tpu.memref_slice %arg7[%run_scoped3A_32, %dma_wait3A_44] : memref<8x40xi32, #tpu.memory_space<vmem>> -> memref<1x40xi32, #tpu.memory_space<vmem>>
        %dma_wait3A_46 = tpu.memref_squeeze %dma_wait3A_45 : memref<1x40xi32, #tpu.memory_space<vmem>> -> memref<40xi32, #tpu.memory_space<vmem>>
        %dma_wait3A_47 = arith.constant 0 : i32
        %dma_wait3A_48 = arith.constant 0 : i32
        %dma_wait3A_49 = tpu.memref_slice %arg6[%dma_wait3A_47, %dma_wait3A_48] : memref<10112x128xf32, #tpu.memory_space<vmem_shared>> -> memref<10112x128xf32, #tpu.memory_space<vmem_shared>>
        tpu.wait_indirect_dma semaphore(%run_scoped3A_33 : memref<!tpu.dma_semaphore, #tpu.memory_space<semaphore_mem>>) src(%dma_wait3A_43 : memref<40x128xf32, #tpu.memory_space<vmem>>) dst(%dma_wait3A_49 : memref<10112x128xf32, #tpu.memory_space<vmem_shared>>)
        tpu.yield
      }) : () -> ()
    }
    %scan3A_4 = arith.constant 64 : i32
    %barrier3A_5 = arith.constant 0 : index
    tpu.barrier barrier_id(%barrier3A_5)
    %mul3A_6 = arith.constant 632 : i32
    %mul3A_7 = arith.muli %arg1, %mul3A_6 : i32
    %mul3A_8 = arith.constant 10112 : i32
    %mul3A_9 = arith.muli %arg0, %mul3A_8 : i32
    %mul3A_10 = arith.constant 632 : i32
    %mul3A_11 = arith.muli %arg1, %mul3A_10 : i32
    %add3A = arith.addi %mul3A_9, %mul3A_11 : i32
    "tpu.region"() ({
      %run_scoped3A = tpu.sem_alloc : memref<!tpu.dma_semaphore, #tpu.memory_space<semaphore_mem>>
      %dma_start3A = arith.constant 0 : i32
      %dma_start3A_12 = tpu.memref_slice %arg5[%add3A, %dma_start3A] : memref<20224x128xf32, #tpu.memory_space<hbm>> -> memref<632x128xf32, #tpu.memory_space<hbm>>
      %dma_start3A_13 = arith.constant 0 : i32
      %dma_start3A_14 = tpu.memref_slice %arg6[%mul3A_7, %dma_start3A_13] : memref<10112x128xf32, #tpu.memory_space<vmem_shared>> -> memref<632x128xf32, #tpu.memory_space<vmem_shared>>
      tpu.enqueue_dma source(%dma_start3A_14 : memref<632x128xf32, #tpu.memory_space<vmem_shared>>) target(%dma_start3A_12 : memref<632x128xf32, #tpu.memory_space<hbm>>) target_semaphore(%run_scoped3A : memref<!tpu.dma_semaphore, #tpu.memory_space<semaphore_mem>>)
      %dma_wait3A = arith.constant 0 : i32
      %dma_wait3A_15 = tpu.memref_slice %arg5[%add3A, %dma_wait3A] : memref<20224x128xf32, #tpu.memory_space<hbm>> -> memref<632x128xf32, #tpu.memory_space<hbm>>
      %dma_wait3A_16 = arith.constant 0 : i32
      %dma_wait3A_17 = tpu.memref_slice %arg6[%mul3A_7, %dma_wait3A_16] : memref<10112x128xf32, #tpu.memory_space<vmem_shared>> -> memref<632x128xf32, #tpu.memory_space<vmem_shared>>
      tpu.wait_dma2 semaphore(%run_scoped3A : memref<!tpu.dma_semaphore, #tpu.memory_space<semaphore_mem>>) src(%dma_wait3A_17 : memref<632x128xf32, #tpu.memory_space<vmem_shared>>) dst(%dma_wait3A_15 : memref<632x128xf32, #tpu.memory_space<hbm>>)
      tpu.yield
    }) : () -> ()
    return
  }
}

#map = affine_map<(d0, d1) -> (0, 0)>
module attributes {stable_mosaic.version = 14 : i64} {
  func.func @gather_kernel(%arg0: i32, %arg1: i32, %arg2: memref<10000x128xf32, #tpu.memory_space<hbm>>, %arg3: memref<8192x40xi32, #tpu.memory_space<hbm>>, %arg4: memref<8192x40xi32, #tpu.memory_space<hbm>>, %arg5: memref<327680x128xf32, #tpu.memory_space<hbm>>, %arg6: memref<327680x128xf32, #tpu.memory_space<hbm>>, %arg7: memref<2x8x40xi32, #tpu.memory_space<vmem>>, %arg8: memref<2x8x40xi32, #tpu.memory_space<vmem>>, %arg9: memref<320x128xf32, #tpu.memory_space<vmem>>, %arg10: memref<320x128xf32, #tpu.memory_space<vmem>>, %arg11: memref<!tpu.dma_semaphore, #tpu.memory_space<semaphore_mem>>, %arg12: memref<!tpu.dma_semaphore, #tpu.memory_space<semaphore_mem>>, %arg13: memref<!tpu.dma_semaphore, #tpu.memory_space<semaphore_mem>>, %arg14: memref<!tpu.dma_semaphore, #tpu.memory_space<semaphore_mem>>) attributes {dimension_semantics = [#tpu.dimension_semantics<core_parallel>, #tpu.dimension_semantics<subcore_parallel>], iteration_bounds = array<i64: 2, 16>, scalar_prefetch = 0 : i64, scratch_operands = 8 : i64, tpu.core_type = #tpu.core_type<sc_vector_subcore>, window_params = [{transform_indices = #map}, {transform_indices = #map}, {transform_indices = #map}, {transform_indices = #map}, {transform_indices = #map}]} {
    %mul3A = arith.constant 2 : i32
    %mul3A_0 = arith.muli %arg1, %mul3A : i32
    %add3A = arith.addi %mul3A_0, %arg0 : i32
    %mul3A_1 = arith.constant 256 : i32
    %mul3A_2 = arith.muli %add3A, %mul3A_1 : i32
    %add3A_3 = arith.constant 0 : i32
    %add3A_4 = arith.addi %mul3A_2, %add3A_3 : i32
    %dma_start3A = arith.constant 0 : i32
    %dma_start3A_5 = arith.constant 0 : i32
    %dma_start3A_6 = arith.constant 0 : i32
    %dma_start3A_7 = tpu.memref_slice %arg7[%dma_start3A, %dma_start3A_5, %dma_start3A_6] : memref<2x8x40xi32, #tpu.memory_space<vmem>> -> memref<1x8x40xi32, #tpu.memory_space<vmem>>
    %dma_start3A_8 = tpu.memref_squeeze %dma_start3A_7 : memref<1x8x40xi32, #tpu.memory_space<vmem>> -> memref<8x40xi32, #tpu.memory_space<vmem>>
    %dma_start3A_9 = arith.constant 0 : i32
    %dma_start3A_10 = tpu.memref_slice %arg3[%add3A_4, %dma_start3A_9] : memref<8192x40xi32, #tpu.memory_space<hbm>> -> memref<8x40xi32, #tpu.memory_space<hbm>>
    %dma_start3A_11 = arith.constant 0 : i32
    %dma_start3A_12 = arith.constant 0 : i32
    %dma_start3A_13 = tpu.memref_slice %arg7[%dma_start3A, %dma_start3A_11, %dma_start3A_12] : memref<2x8x40xi32, #tpu.memory_space<vmem>> -> memref<1x8x40xi32, #tpu.memory_space<vmem>>
    %dma_start3A_14 = tpu.memref_squeeze %dma_start3A_13 : memref<1x8x40xi32, #tpu.memory_space<vmem>> -> memref<8x40xi32, #tpu.memory_space<vmem>>
    %dma_start3A_15 = arith.constant 0 : i32
    %dma_start3A_16 = tpu.memref_slice %arg3[%add3A_4, %dma_start3A_15] : memref<8192x40xi32, #tpu.memory_space<hbm>> -> memref<8x40xi32, #tpu.memory_space<hbm>>
    tpu.enqueue_dma source(%dma_start3A_16 : memref<8x40xi32, #tpu.memory_space<hbm>>) target(%dma_start3A_14 : memref<8x40xi32, #tpu.memory_space<vmem>>) target_semaphore(%arg11 : memref<!tpu.dma_semaphore, #tpu.memory_space<semaphore_mem>>)
    %dma_start3A_17 = arith.constant 0 : i32
    %dma_start3A_18 = arith.constant 0 : i32
    %dma_start3A_19 = arith.constant 0 : i32
    %dma_start3A_20 = tpu.memref_slice %arg8[%dma_start3A_17, %dma_start3A_18, %dma_start3A_19] : memref<2x8x40xi32, #tpu.memory_space<vmem>> -> memref<1x8x40xi32, #tpu.memory_space<vmem>>
    %dma_start3A_21 = tpu.memref_squeeze %dma_start3A_20 : memref<1x8x40xi32, #tpu.memory_space<vmem>> -> memref<8x40xi32, #tpu.memory_space<vmem>>
    %dma_start3A_22 = arith.constant 0 : i32
    %dma_start3A_23 = tpu.memref_slice %arg4[%add3A_4, %dma_start3A_22] : memref<8192x40xi32, #tpu.memory_space<hbm>> -> memref<8x40xi32, #tpu.memory_space<hbm>>
    %dma_start3A_24 = arith.constant 0 : i32
    %dma_start3A_25 = arith.constant 0 : i32
    %dma_start3A_26 = tpu.memref_slice %arg8[%dma_start3A_17, %dma_start3A_24, %dma_start3A_25] : memref<2x8x40xi32, #tpu.memory_space<vmem>> -> memref<1x8x40xi32, #tpu.memory_space<vmem>>
    %dma_start3A_27 = tpu.memref_squeeze %dma_start3A_26 : memref<1x8x40xi32, #tpu.memory_space<vmem>> -> memref<8x40xi32, #tpu.memory_space<vmem>>
    %dma_start3A_28 = arith.constant 0 : i32
    %dma_start3A_29 = tpu.memref_slice %arg4[%add3A_4, %dma_start3A_28] : memref<8192x40xi32, #tpu.memory_space<hbm>> -> memref<8x40xi32, #tpu.memory_space<hbm>>
    tpu.enqueue_dma source(%dma_start3A_29 : memref<8x40xi32, #tpu.memory_space<hbm>>) target(%dma_start3A_27 : memref<8x40xi32, #tpu.memory_space<vmem>>) target_semaphore(%arg11 : memref<!tpu.dma_semaphore, #tpu.memory_space<semaphore_mem>>)
    %scan3A = arith.constant 0 : i32
    %scan3A_30 = arith.constant 16 : i32
    %scan3A_31 = arith.addi %scan3A, %scan3A_30 : i32
    %scan3A_32 = arith.constant 1 : i32
    scf.for %scan3A_45 = %scan3A to %scan3A_31 step %scan3A_32  : i32 {
      %mul3A_46 = arith.constant 2 : i32
      %mul3A_47 = arith.muli %scan3A_45, %mul3A_46 : i32
      %add3A_48 = arith.constant 0 : i32
      %add3A_49 = arith.addi %add3A_48, %mul3A_47 : i32
      %add3A_50 = arith.constant 0 : i32
      %add3A_51 = arith.addi %add3A_49, %add3A_50 : i32
      %dma_wait3A_52 = arith.constant 0 : i32
      %dma_wait3A_53 = arith.constant 0 : i32
      %dma_wait3A_54 = arith.constant 0 : i32
      %dma_wait3A_55 = tpu.memref_slice %arg7[%dma_wait3A_52, %dma_wait3A_53, %dma_wait3A_54] : memref<2x8x40xi32, #tpu.memory_space<vmem>> -> memref<1x8x40xi32, #tpu.memory_space<vmem>>
      %dma_wait3A_56 = tpu.memref_squeeze %dma_wait3A_55 : memref<1x8x40xi32, #tpu.memory_space<vmem>> -> memref<8x40xi32, #tpu.memory_space<vmem>>
      %dma_wait3A_57 = arith.constant 0 : i32
      %dma_wait3A_58 = tpu.memref_slice %arg3[%mul3A_2, %dma_wait3A_57] : memref<8192x40xi32, #tpu.memory_space<hbm>> -> memref<8x40xi32, #tpu.memory_space<hbm>>
      %dma_wait3A_59 = arith.constant 0 : i32
      %dma_wait3A_60 = arith.constant 0 : i32
      %dma_wait3A_61 = tpu.memref_slice %arg7[%dma_wait3A_52, %dma_wait3A_59, %dma_wait3A_60] : memref<2x8x40xi32, #tpu.memory_space<vmem>> -> memref<1x8x40xi32, #tpu.memory_space<vmem>>
      %dma_wait3A_62 = tpu.memref_squeeze %dma_wait3A_61 : memref<1x8x40xi32, #tpu.memory_space<vmem>> -> memref<8x40xi32, #tpu.memory_space<vmem>>
      %dma_wait3A_63 = arith.constant 0 : i32
      %dma_wait3A_64 = tpu.memref_slice %arg3[%mul3A_2, %dma_wait3A_63] : memref<8192x40xi32, #tpu.memory_space<hbm>> -> memref<8x40xi32, #tpu.memory_space<hbm>>
      tpu.wait_dma2 semaphore(%arg11 : memref<!tpu.dma_semaphore, #tpu.memory_space<semaphore_mem>>) src(%dma_wait3A_64 : memref<8x40xi32, #tpu.memory_space<hbm>>) dst(%dma_wait3A_62 : memref<8x40xi32, #tpu.memory_space<vmem>>)
      %dma_wait3A_65 = arith.constant 0 : i32
      %dma_wait3A_66 = arith.constant 0 : i32
      %dma_wait3A_67 = arith.constant 0 : i32
      %dma_wait3A_68 = tpu.memref_slice %arg8[%dma_wait3A_65, %dma_wait3A_66, %dma_wait3A_67] : memref<2x8x40xi32, #tpu.memory_space<vmem>> -> memref<1x8x40xi32, #tpu.memory_space<vmem>>
      %dma_wait3A_69 = tpu.memref_squeeze %dma_wait3A_68 : memref<1x8x40xi32, #tpu.memory_space<vmem>> -> memref<8x40xi32, #tpu.memory_space<vmem>>
      %dma_wait3A_70 = arith.constant 0 : i32
      %dma_wait3A_71 = tpu.memref_slice %arg4[%mul3A_2, %dma_wait3A_70] : memref<8192x40xi32, #tpu.memory_space<hbm>> -> memref<8x40xi32, #tpu.memory_space<hbm>>
      %dma_wait3A_72 = arith.constant 0 : i32
      %dma_wait3A_73 = arith.constant 0 : i32
      %dma_wait3A_74 = tpu.memref_slice %arg8[%dma_wait3A_65, %dma_wait3A_72, %dma_wait3A_73] : memref<2x8x40xi32, #tpu.memory_space<vmem>> -> memref<1x8x40xi32, #tpu.memory_space<vmem>>
      %dma_wait3A_75 = tpu.memref_squeeze %dma_wait3A_74 : memref<1x8x40xi32, #tpu.memory_space<vmem>> -> memref<8x40xi32, #tpu.memory_space<vmem>>
      %dma_wait3A_76 = arith.constant 0 : i32
      %dma_wait3A_77 = tpu.memref_slice %arg4[%mul3A_2, %dma_wait3A_76] : memref<8192x40xi32, #tpu.memory_space<hbm>> -> memref<8x40xi32, #tpu.memory_space<hbm>>
      tpu.wait_dma2 semaphore(%arg11 : memref<!tpu.dma_semaphore, #tpu.memory_space<semaphore_mem>>) src(%dma_wait3A_77 : memref<8x40xi32, #tpu.memory_space<hbm>>) dst(%dma_wait3A_75 : memref<8x40xi32, #tpu.memory_space<vmem>>)
      %add3A_78 = arith.constant 1 : i32
      %add3A_79 = arith.addi %add3A_51, %add3A_78 : i32
      %lt3A = arith.constant 32 : i32
      %lt3A_80 = arith.cmpi slt, %add3A_79, %lt3A : i32
      %convert_element_type3A = arith.extui %lt3A_80 : i1 to i32
      %cond3A = arith.constant 0 : i32
      %cond3A_81 = arith.cmpi ne, %convert_element_type3A, %cond3A : i32
      scf.if %cond3A_81 {
        %add3A_866 = arith.constant 1 : i32
        %add3A_867 = arith.addi %add3A_51, %add3A_866 : i32
        %mul3A_868 = arith.constant 8 : i32
        %mul3A_869 = arith.muli %add3A_867, %mul3A_868 : i32
        %add3A_870 = arith.addi %mul3A_2, %mul3A_869 : i32
        %dma_start3A_871 = arith.constant 1 : i32
        %dma_start3A_872 = arith.constant 0 : i32
        %dma_start3A_873 = arith.constant 0 : i32
        %dma_start3A_874 = tpu.memref_slice %arg7[%dma_start3A_871, %dma_start3A_872, %dma_start3A_873] : memref<2x8x40xi32, #tpu.memory_space<vmem>> -> memref<1x8x40xi32, #tpu.memory_space<vmem>>
        %dma_start3A_875 = tpu.memref_squeeze %dma_start3A_874 : memref<1x8x40xi32, #tpu.memory_space<vmem>> -> memref<8x40xi32, #tpu.memory_space<vmem>>
        %dma_start3A_876 = arith.constant 0 : i32
        %dma_start3A_877 = tpu.memref_slice %arg3[%add3A_870, %dma_start3A_876] : memref<8192x40xi32, #tpu.memory_space<hbm>> -> memref<8x40xi32, #tpu.memory_space<hbm>>
        %dma_start3A_878 = arith.constant 0 : i32
        %dma_start3A_879 = arith.constant 0 : i32
        %dma_start3A_880 = tpu.memref_slice %arg7[%dma_start3A_871, %dma_start3A_878, %dma_start3A_879] : memref<2x8x40xi32, #tpu.memory_space<vmem>> -> memref<1x8x40xi32, #tpu.memory_space<vmem>>
        %dma_start3A_881 = tpu.memref_squeeze %dma_start3A_880 : memref<1x8x40xi32, #tpu.memory_space<vmem>> -> memref<8x40xi32, #tpu.memory_space<vmem>>
        %dma_start3A_882 = arith.constant 0 : i32
        %dma_start3A_883 = tpu.memref_slice %arg3[%add3A_870, %dma_start3A_882] : memref<8192x40xi32, #tpu.memory_space<hbm>> -> memref<8x40xi32, #tpu.memory_space<hbm>>
        tpu.enqueue_dma source(%dma_start3A_883 : memref<8x40xi32, #tpu.memory_space<hbm>>) target(%dma_start3A_881 : memref<8x40xi32, #tpu.memory_space<vmem>>) target_semaphore(%arg11 : memref<!tpu.dma_semaphore, #tpu.memory_space<semaphore_mem>>)
        %dma_start3A_884 = arith.constant 1 : i32
        %dma_start3A_885 = arith.constant 0 : i32
        %dma_start3A_886 = arith.constant 0 : i32
        %dma_start3A_887 = tpu.memref_slice %arg8[%dma_start3A_884, %dma_start3A_885, %dma_start3A_886] : memref<2x8x40xi32, #tpu.memory_space<vmem>> -> memref<1x8x40xi32, #tpu.memory_space<vmem>>
        %dma_start3A_888 = tpu.memref_squeeze %dma_start3A_887 : memref<1x8x40xi32, #tpu.memory_space<vmem>> -> memref<8x40xi32, #tpu.memory_space<vmem>>
        %dma_start3A_889 = arith.constant 0 : i32
        %dma_start3A_890 = tpu.memref_slice %arg4[%add3A_870, %dma_start3A_889] : memref<8192x40xi32, #tpu.memory_space<hbm>> -> memref<8x40xi32, #tpu.memory_space<hbm>>
        %dma_start3A_891 = arith.constant 0 : i32
        %dma_start3A_892 = arith.constant 0 : i32
        %dma_start3A_893 = tpu.memref_slice %arg8[%dma_start3A_884, %dma_start3A_891, %dma_start3A_892] : memref<2x8x40xi32, #tpu.memory_space<vmem>> -> memref<1x8x40xi32, #tpu.memory_space<vmem>>
        %dma_start3A_894 = tpu.memref_squeeze %dma_start3A_893 : memref<1x8x40xi32, #tpu.memory_space<vmem>> -> memref<8x40xi32, #tpu.memory_space<vmem>>
        %dma_start3A_895 = arith.constant 0 : i32
        %dma_start3A_896 = tpu.memref_slice %arg4[%add3A_870, %dma_start3A_895] : memref<8192x40xi32, #tpu.memory_space<hbm>> -> memref<8x40xi32, #tpu.memory_space<hbm>>
        tpu.enqueue_dma source(%dma_start3A_896 : memref<8x40xi32, #tpu.memory_space<hbm>>) target(%dma_start3A_894 : memref<8x40xi32, #tpu.memory_space<vmem>>) target_semaphore(%arg11 : memref<!tpu.dma_semaphore, #tpu.memory_space<semaphore_mem>>)
      } else {
      }
      %mul3A_82 = arith.constant 8 : i32
      %mul3A_83 = arith.muli %add3A_51, %mul3A_82 : i32
      %add3A_84 = arith.addi %mul3A_2, %mul3A_83 : i32
      %mul3A_85 = arith.constant 40 : i32
      %mul3A_86 = arith.muli %add3A_84, %mul3A_85 : i32
      %ge3A = arith.constant 1 : i32
      %ge3A_87 = arith.cmpi sge, %add3A_51, %ge3A : i32
      %convert_element_type3A_88 = arith.extui %ge3A_87 : i1 to i32
      %cond3A_89 = arith.constant 0 : i32
      %cond3A_90 = arith.cmpi ne, %convert_element_type3A_88, %cond3A_89 : i32
      scf.if %cond3A_90 {
        %dma_wait3A_866 = arith.constant 0 : i32
        %dma_wait3A_867 = arith.constant 0 : i32
        %dma_wait3A_868 = tpu.memref_slice %arg5[%dma_wait3A_866, %dma_wait3A_867] : memref<327680x128xf32, #tpu.memory_space<hbm>> -> memref<320x128xf32, #tpu.memory_space<hbm>>
        %dma_wait3A_869 = arith.constant 0 : i32
        %dma_wait3A_870 = arith.constant 0 : i32
        %dma_wait3A_871 = tpu.memref_slice %arg5[%dma_wait3A_869, %dma_wait3A_870] : memref<327680x128xf32, #tpu.memory_space<hbm>> -> memref<320x128xf32, #tpu.memory_space<hbm>>
        tpu.wait_dma2 semaphore(%arg13 : memref<!tpu.dma_semaphore, #tpu.memory_space<semaphore_mem>>) src(%arg9 : memref<320x128xf32, #tpu.memory_space<vmem>>) dst(%dma_wait3A_871 : memref<320x128xf32, #tpu.memory_space<hbm>>)
      } else {
      }
      %dma_start3A_91 = arith.constant 0 : i32
      %dma_start3A_92 = arith.constant 0 : i32
      %dma_start3A_93 = arith.constant 0 : i32
      %dma_start3A_94 = arith.constant 0 : i32
      %dma_start3A_95 = tpu.memref_slice %arg9[%dma_start3A_93, %dma_start3A_94] : memref<320x128xf32, #tpu.memory_space<vmem>> -> memref<40x128xf32, #tpu.memory_space<vmem>>
      %dma_start3A_96 = arith.constant 0 : i32
      %dma_start3A_97 = tpu.memref_slice %arg7[%dma_start3A_91, %dma_start3A_92, %dma_start3A_96] : memref<2x8x40xi32, #tpu.memory_space<vmem>> -> memref<1x1x40xi32, #tpu.memory_space<vmem>>
      %dma_start3A_98 = tpu.memref_squeeze %dma_start3A_97 : memref<1x1x40xi32, #tpu.memory_space<vmem>> -> memref<40xi32, #tpu.memory_space<vmem>>
      %dma_start3A_99 = arith.constant 0 : i32
      %dma_start3A_100 = arith.constant 0 : i32
      %dma_start3A_101 = tpu.memref_slice %arg2[%dma_start3A_99, %dma_start3A_100] : memref<10000x128xf32, #tpu.memory_space<hbm>> -> memref<10000x128xf32, #tpu.memory_space<hbm>>
      tpu.enqueue_indirect_dma source(%dma_start3A_101 : memref<10000x128xf32, #tpu.memory_space<hbm>>) target(%dma_start3A_95 : memref<40x128xf32, #tpu.memory_space<vmem>>) offsets(%dma_start3A_98 : memref<40xi32, #tpu.memory_space<vmem>>) semaphore(%arg12 : memref<!tpu.dma_semaphore, #tpu.memory_space<semaphore_mem>>)
      %dma_start3A_102 = arith.constant 0 : i32
      %dma_start3A_103 = arith.constant 1 : i32
      %dma_start3A_104 = arith.constant 40 : i32
      %dma_start3A_105 = arith.constant 0 : i32
      %dma_start3A_106 = tpu.memref_slice %arg9[%dma_start3A_104, %dma_start3A_105] : memref<320x128xf32, #tpu.memory_space<vmem>> -> memref<40x128xf32, #tpu.memory_space<vmem>>
      %dma_start3A_107 = arith.constant 0 : i32
      %dma_start3A_108 = tpu.memref_slice %arg7[%dma_start3A_102, %dma_start3A_103, %dma_start3A_107] : memref<2x8x40xi32, #tpu.memory_space<vmem>> -> memref<1x1x40xi32, #tpu.memory_space<vmem>>
      %dma_start3A_109 = tpu.memref_squeeze %dma_start3A_108 : memref<1x1x40xi32, #tpu.memory_space<vmem>> -> memref<40xi32, #tpu.memory_space<vmem>>
      %dma_start3A_110 = arith.constant 0 : i32
      %dma_start3A_111 = arith.constant 0 : i32
      %dma_start3A_112 = tpu.memref_slice %arg2[%dma_start3A_110, %dma_start3A_111] : memref<10000x128xf32, #tpu.memory_space<hbm>> -> memref<10000x128xf32, #tpu.memory_space<hbm>>
      tpu.enqueue_indirect_dma source(%dma_start3A_112 : memref<10000x128xf32, #tpu.memory_space<hbm>>) target(%dma_start3A_106 : memref<40x128xf32, #tpu.memory_space<vmem>>) offsets(%dma_start3A_109 : memref<40xi32, #tpu.memory_space<vmem>>) semaphore(%arg12 : memref<!tpu.dma_semaphore, #tpu.memory_space<semaphore_mem>>)
      %dma_start3A_113 = arith.constant 0 : i32
      %dma_start3A_114 = arith.constant 2 : i32
      %dma_start3A_115 = arith.constant 80 : i32
      %dma_start3A_116 = arith.constant 0 : i32
      %dma_start3A_117 = tpu.memref_slice %arg9[%dma_start3A_115, %dma_start3A_116] : memref<320x128xf32, #tpu.memory_space<vmem>> -> memref<40x128xf32, #tpu.memory_space<vmem>>
      %dma_start3A_118 = arith.constant 0 : i32
      %dma_start3A_119 = tpu.memref_slice %arg7[%dma_start3A_113, %dma_start3A_114, %dma_start3A_118] : memref<2x8x40xi32, #tpu.memory_space<vmem>> -> memref<1x1x40xi32, #tpu.memory_space<vmem>>
      %dma_start3A_120 = tpu.memref_squeeze %dma_start3A_119 : memref<1x1x40xi32, #tpu.memory_space<vmem>> -> memref<40xi32, #tpu.memory_space<vmem>>
      %dma_start3A_121 = arith.constant 0 : i32
      %dma_start3A_122 = arith.constant 0 : i32
      %dma_start3A_123 = tpu.memref_slice %arg2[%dma_start3A_121, %dma_start3A_122] : memref<10000x128xf32, #tpu.memory_space<hbm>> -> memref<10000x128xf32, #tpu.memory_space<hbm>>
      tpu.enqueue_indirect_dma source(%dma_start3A_123 : memref<10000x128xf32, #tpu.memory_space<hbm>>) target(%dma_start3A_117 : memref<40x128xf32, #tpu.memory_space<vmem>>) offsets(%dma_start3A_120 : memref<40xi32, #tpu.memory_space<vmem>>) semaphore(%arg12 : memref<!tpu.dma_semaphore, #tpu.memory_space<semaphore_mem>>)
      %dma_start3A_124 = arith.constant 0 : i32
      %dma_start3A_125 = arith.constant 3 : i32
      %dma_start3A_126 = arith.constant 120 : i32
      %dma_start3A_127 = arith.constant 0 : i32
      %dma_start3A_128 = tpu.memref_slice %arg9[%dma_start3A_126, %dma_start3A_127] : memref<320x128xf32, #tpu.memory_space<vmem>> -> memref<40x128xf32, #tpu.memory_space<vmem>>
      %dma_start3A_129 = arith.constant 0 : i32
      %dma_start3A_130 = tpu.memref_slice %arg7[%dma_start3A_124, %dma_start3A_125, %dma_start3A_129] : memref<2x8x40xi32, #tpu.memory_space<vmem>> -> memref<1x1x40xi32, #tpu.memory_space<vmem>>
      %dma_start3A_131 = tpu.memref_squeeze %dma_start3A_130 : memref<1x1x40xi32, #tpu.memory_space<vmem>> -> memref<40xi32, #tpu.memory_space<vmem>>
      %dma_start3A_132 = arith.constant 0 : i32
      %dma_start3A_133 = arith.constant 0 : i32
      %dma_start3A_134 = tpu.memref_slice %arg2[%dma_start3A_132, %dma_start3A_133] : memref<10000x128xf32, #tpu.memory_space<hbm>> -> memref<10000x128xf32, #tpu.memory_space<hbm>>
      tpu.enqueue_indirect_dma source(%dma_start3A_134 : memref<10000x128xf32, #tpu.memory_space<hbm>>) target(%dma_start3A_128 : memref<40x128xf32, #tpu.memory_space<vmem>>) offsets(%dma_start3A_131 : memref<40xi32, #tpu.memory_space<vmem>>) semaphore(%arg12 : memref<!tpu.dma_semaphore, #tpu.memory_space<semaphore_mem>>)
      %dma_start3A_135 = arith.constant 0 : i32
      %dma_start3A_136 = arith.constant 4 : i32
      %dma_start3A_137 = arith.constant 160 : i32
      %dma_start3A_138 = arith.constant 0 : i32
      %dma_start3A_139 = tpu.memref_slice %arg9[%dma_start3A_137, %dma_start3A_138] : memref<320x128xf32, #tpu.memory_space<vmem>> -> memref<40x128xf32, #tpu.memory_space<vmem>>
      %dma_start3A_140 = arith.constant 0 : i32
      %dma_start3A_141 = tpu.memref_slice %arg7[%dma_start3A_135, %dma_start3A_136, %dma_start3A_140] : memref<2x8x40xi32, #tpu.memory_space<vmem>> -> memref<1x1x40xi32, #tpu.memory_space<vmem>>
      %dma_start3A_142 = tpu.memref_squeeze %dma_start3A_141 : memref<1x1x40xi32, #tpu.memory_space<vmem>> -> memref<40xi32, #tpu.memory_space<vmem>>
      %dma_start3A_143 = arith.constant 0 : i32
      %dma_start3A_144 = arith.constant 0 : i32
      %dma_start3A_145 = tpu.memref_slice %arg2[%dma_start3A_143, %dma_start3A_144] : memref<10000x128xf32, #tpu.memory_space<hbm>> -> memref<10000x128xf32, #tpu.memory_space<hbm>>
      tpu.enqueue_indirect_dma source(%dma_start3A_145 : memref<10000x128xf32, #tpu.memory_space<hbm>>) target(%dma_start3A_139 : memref<40x128xf32, #tpu.memory_space<vmem>>) offsets(%dma_start3A_142 : memref<40xi32, #tpu.memory_space<vmem>>) semaphore(%arg12 : memref<!tpu.dma_semaphore, #tpu.memory_space<semaphore_mem>>)
      %dma_start3A_146 = arith.constant 0 : i32
      %dma_start3A_147 = arith.constant 5 : i32
      %dma_start3A_148 = arith.constant 200 : i32
      %dma_start3A_149 = arith.constant 0 : i32
      %dma_start3A_150 = tpu.memref_slice %arg9[%dma_start3A_148, %dma_start3A_149] : memref<320x128xf32, #tpu.memory_space<vmem>> -> memref<40x128xf32, #tpu.memory_space<vmem>>
      %dma_start3A_151 = arith.constant 0 : i32
      %dma_start3A_152 = tpu.memref_slice %arg7[%dma_start3A_146, %dma_start3A_147, %dma_start3A_151] : memref<2x8x40xi32, #tpu.memory_space<vmem>> -> memref<1x1x40xi32, #tpu.memory_space<vmem>>
      %dma_start3A_153 = tpu.memref_squeeze %dma_start3A_152 : memref<1x1x40xi32, #tpu.memory_space<vmem>> -> memref<40xi32, #tpu.memory_space<vmem>>
      %dma_start3A_154 = arith.constant 0 : i32
      %dma_start3A_155 = arith.constant 0 : i32
      %dma_start3A_156 = tpu.memref_slice %arg2[%dma_start3A_154, %dma_start3A_155] : memref<10000x128xf32, #tpu.memory_space<hbm>> -> memref<10000x128xf32, #tpu.memory_space<hbm>>
      tpu.enqueue_indirect_dma source(%dma_start3A_156 : memref<10000x128xf32, #tpu.memory_space<hbm>>) target(%dma_start3A_150 : memref<40x128xf32, #tpu.memory_space<vmem>>) offsets(%dma_start3A_153 : memref<40xi32, #tpu.memory_space<vmem>>) semaphore(%arg12 : memref<!tpu.dma_semaphore, #tpu.memory_space<semaphore_mem>>)
      %dma_start3A_157 = arith.constant 0 : i32
      %dma_start3A_158 = arith.constant 6 : i32
      %dma_start3A_159 = arith.constant 240 : i32
      %dma_start3A_160 = arith.constant 0 : i32
      %dma_start3A_161 = tpu.memref_slice %arg9[%dma_start3A_159, %dma_start3A_160] : memref<320x128xf32, #tpu.memory_space<vmem>> -> memref<40x128xf32, #tpu.memory_space<vmem>>
      %dma_start3A_162 = arith.constant 0 : i32
      %dma_start3A_163 = tpu.memref_slice %arg7[%dma_start3A_157, %dma_start3A_158, %dma_start3A_162] : memref<2x8x40xi32, #tpu.memory_space<vmem>> -> memref<1x1x40xi32, #tpu.memory_space<vmem>>
      %dma_start3A_164 = tpu.memref_squeeze %dma_start3A_163 : memref<1x1x40xi32, #tpu.memory_space<vmem>> -> memref<40xi32, #tpu.memory_space<vmem>>
      %dma_start3A_165 = arith.constant 0 : i32
      %dma_start3A_166 = arith.constant 0 : i32
      %dma_start3A_167 = tpu.memref_slice %arg2[%dma_start3A_165, %dma_start3A_166] : memref<10000x128xf32, #tpu.memory_space<hbm>> -> memref<10000x128xf32, #tpu.memory_space<hbm>>
      tpu.enqueue_indirect_dma source(%dma_start3A_167 : memref<10000x128xf32, #tpu.memory_space<hbm>>) target(%dma_start3A_161 : memref<40x128xf32, #tpu.memory_space<vmem>>) offsets(%dma_start3A_164 : memref<40xi32, #tpu.memory_space<vmem>>) semaphore(%arg12 : memref<!tpu.dma_semaphore, #tpu.memory_space<semaphore_mem>>)
      %dma_start3A_168 = arith.constant 0 : i32
      %dma_start3A_169 = arith.constant 7 : i32
      %dma_start3A_170 = arith.constant 280 : i32
      %dma_start3A_171 = arith.constant 0 : i32
      %dma_start3A_172 = tpu.memref_slice %arg9[%dma_start3A_170, %dma_start3A_171] : memref<320x128xf32, #tpu.memory_space<vmem>> -> memref<40x128xf32, #tpu.memory_space<vmem>>
      %dma_start3A_173 = arith.constant 0 : i32
      %dma_start3A_174 = tpu.memref_slice %arg7[%dma_start3A_168, %dma_start3A_169, %dma_start3A_173] : memref<2x8x40xi32, #tpu.memory_space<vmem>> -> memref<1x1x40xi32, #tpu.memory_space<vmem>>
      %dma_start3A_175 = tpu.memref_squeeze %dma_start3A_174 : memref<1x1x40xi32, #tpu.memory_space<vmem>> -> memref<40xi32, #tpu.memory_space<vmem>>
      %dma_start3A_176 = arith.constant 0 : i32
      %dma_start3A_177 = arith.constant 0 : i32
      %dma_start3A_178 = tpu.memref_slice %arg2[%dma_start3A_176, %dma_start3A_177] : memref<10000x128xf32, #tpu.memory_space<hbm>> -> memref<10000x128xf32, #tpu.memory_space<hbm>>
      tpu.enqueue_indirect_dma source(%dma_start3A_178 : memref<10000x128xf32, #tpu.memory_space<hbm>>) target(%dma_start3A_172 : memref<40x128xf32, #tpu.memory_space<vmem>>) offsets(%dma_start3A_175 : memref<40xi32, #tpu.memory_space<vmem>>) semaphore(%arg12 : memref<!tpu.dma_semaphore, #tpu.memory_space<semaphore_mem>>)
      %dma_wait3A_179 = arith.constant 0 : i32
      %dma_wait3A_180 = arith.constant 0 : i32
      %dma_wait3A_181 = arith.constant 0 : i32
      %dma_wait3A_182 = arith.constant 0 : i32
      %dma_wait3A_183 = tpu.memref_slice %arg9[%dma_wait3A_181, %dma_wait3A_182] : memref<320x128xf32, #tpu.memory_space<vmem>> -> memref<40x128xf32, #tpu.memory_space<vmem>>
      %dma_wait3A_184 = arith.constant 0 : i32
      %dma_wait3A_185 = tpu.memref_slice %arg7[%dma_wait3A_179, %dma_wait3A_180, %dma_wait3A_184] : memref<2x8x40xi32, #tpu.memory_space<vmem>> -> memref<1x1x40xi32, #tpu.memory_space<vmem>>
      %dma_wait3A_186 = tpu.memref_squeeze %dma_wait3A_185 : memref<1x1x40xi32, #tpu.memory_space<vmem>> -> memref<40xi32, #tpu.memory_space<vmem>>
      %dma_wait3A_187 = arith.constant 0 : i32
      %dma_wait3A_188 = arith.constant 0 : i32
      %dma_wait3A_189 = tpu.memref_slice %arg2[%dma_wait3A_187, %dma_wait3A_188] : memref<10000x128xf32, #tpu.memory_space<hbm>> -> memref<10000x128xf32, #tpu.memory_space<hbm>>
      tpu.wait_indirect_dma semaphore(%arg12 : memref<!tpu.dma_semaphore, #tpu.memory_space<semaphore_mem>>) src(%dma_wait3A_189 : memref<10000x128xf32, #tpu.memory_space<hbm>>) dst(%dma_wait3A_183 : memref<40x128xf32, #tpu.memory_space<vmem>>)
      %dma_wait3A_190 = arith.constant 0 : i32
      %dma_wait3A_191 = arith.constant 1 : i32
      %dma_wait3A_192 = arith.constant 40 : i32
      %dma_wait3A_193 = arith.constant 0 : i32
      %dma_wait3A_194 = tpu.memref_slice %arg9[%dma_wait3A_192, %dma_wait3A_193] : memref<320x128xf32, #tpu.memory_space<vmem>> -> memref<40x128xf32, #tpu.memory_space<vmem>>
      %dma_wait3A_195 = arith.constant 0 : i32
      %dma_wait3A_196 = tpu.memref_slice %arg7[%dma_wait3A_190, %dma_wait3A_191, %dma_wait3A_195] : memref<2x8x40xi32, #tpu.memory_space<vmem>> -> memref<1x1x40xi32, #tpu.memory_space<vmem>>
      %dma_wait3A_197 = tpu.memref_squeeze %dma_wait3A_196 : memref<1x1x40xi32, #tpu.memory_space<vmem>> -> memref<40xi32, #tpu.memory_space<vmem>>
      %dma_wait3A_198 = arith.constant 0 : i32
      %dma_wait3A_199 = arith.constant 0 : i32
      %dma_wait3A_200 = tpu.memref_slice %arg2[%dma_wait3A_198, %dma_wait3A_199] : memref<10000x128xf32, #tpu.memory_space<hbm>> -> memref<10000x128xf32, #tpu.memory_space<hbm>>
      tpu.wait_indirect_dma semaphore(%arg12 : memref<!tpu.dma_semaphore, #tpu.memory_space<semaphore_mem>>) src(%dma_wait3A_200 : memref<10000x128xf32, #tpu.memory_space<hbm>>) dst(%dma_wait3A_194 : memref<40x128xf32, #tpu.memory_space<vmem>>)
      %dma_wait3A_201 = arith.constant 0 : i32
      %dma_wait3A_202 = arith.constant 2 : i32
      %dma_wait3A_203 = arith.constant 80 : i32
      %dma_wait3A_204 = arith.constant 0 : i32
      %dma_wait3A_205 = tpu.memref_slice %arg9[%dma_wait3A_203, %dma_wait3A_204] : memref<320x128xf32, #tpu.memory_space<vmem>> -> memref<40x128xf32, #tpu.memory_space<vmem>>
      %dma_wait3A_206 = arith.constant 0 : i32
      %dma_wait3A_207 = tpu.memref_slice %arg7[%dma_wait3A_201, %dma_wait3A_202, %dma_wait3A_206] : memref<2x8x40xi32, #tpu.memory_space<vmem>> -> memref<1x1x40xi32, #tpu.memory_space<vmem>>
      %dma_wait3A_208 = tpu.memref_squeeze %dma_wait3A_207 : memref<1x1x40xi32, #tpu.memory_space<vmem>> -> memref<40xi32, #tpu.memory_space<vmem>>
      %dma_wait3A_209 = arith.constant 0 : i32
      %dma_wait3A_210 = arith.constant 0 : i32
      %dma_wait3A_211 = tpu.memref_slice %arg2[%dma_wait3A_209, %dma_wait3A_210] : memref<10000x128xf32, #tpu.memory_space<hbm>> -> memref<10000x128xf32, #tpu.memory_space<hbm>>
      tpu.wait_indirect_dma semaphore(%arg12 : memref<!tpu.dma_semaphore, #tpu.memory_space<semaphore_mem>>) src(%dma_wait3A_211 : memref<10000x128xf32, #tpu.memory_space<hbm>>) dst(%dma_wait3A_205 : memref<40x128xf32, #tpu.memory_space<vmem>>)
      %dma_wait3A_212 = arith.constant 0 : i32
      %dma_wait3A_213 = arith.constant 3 : i32
      %dma_wait3A_214 = arith.constant 120 : i32
      %dma_wait3A_215 = arith.constant 0 : i32
      %dma_wait3A_216 = tpu.memref_slice %arg9[%dma_wait3A_214, %dma_wait3A_215] : memref<320x128xf32, #tpu.memory_space<vmem>> -> memref<40x128xf32, #tpu.memory_space<vmem>>
      %dma_wait3A_217 = arith.constant 0 : i32
      %dma_wait3A_218 = tpu.memref_slice %arg7[%dma_wait3A_212, %dma_wait3A_213, %dma_wait3A_217] : memref<2x8x40xi32, #tpu.memory_space<vmem>> -> memref<1x1x40xi32, #tpu.memory_space<vmem>>
      %dma_wait3A_219 = tpu.memref_squeeze %dma_wait3A_218 : memref<1x1x40xi32, #tpu.memory_space<vmem>> -> memref<40xi32, #tpu.memory_space<vmem>>
      %dma_wait3A_220 = arith.constant 0 : i32
      %dma_wait3A_221 = arith.constant 0 : i32
      %dma_wait3A_222 = tpu.memref_slice %arg2[%dma_wait3A_220, %dma_wait3A_221] : memref<10000x128xf32, #tpu.memory_space<hbm>> -> memref<10000x128xf32, #tpu.memory_space<hbm>>
      tpu.wait_indirect_dma semaphore(%arg12 : memref<!tpu.dma_semaphore, #tpu.memory_space<semaphore_mem>>) src(%dma_wait3A_222 : memref<10000x128xf32, #tpu.memory_space<hbm>>) dst(%dma_wait3A_216 : memref<40x128xf32, #tpu.memory_space<vmem>>)
      %dma_wait3A_223 = arith.constant 0 : i32
      %dma_wait3A_224 = arith.constant 4 : i32
      %dma_wait3A_225 = arith.constant 160 : i32
      %dma_wait3A_226 = arith.constant 0 : i32
      %dma_wait3A_227 = tpu.memref_slice %arg9[%dma_wait3A_225, %dma_wait3A_226] : memref<320x128xf32, #tpu.memory_space<vmem>> -> memref<40x128xf32, #tpu.memory_space<vmem>>
      %dma_wait3A_228 = arith.constant 0 : i32
      %dma_wait3A_229 = tpu.memref_slice %arg7[%dma_wait3A_223, %dma_wait3A_224, %dma_wait3A_228] : memref<2x8x40xi32, #tpu.memory_space<vmem>> -> memref<1x1x40xi32, #tpu.memory_space<vmem>>
      %dma_wait3A_230 = tpu.memref_squeeze %dma_wait3A_229 : memref<1x1x40xi32, #tpu.memory_space<vmem>> -> memref<40xi32, #tpu.memory_space<vmem>>
      %dma_wait3A_231 = arith.constant 0 : i32
      %dma_wait3A_232 = arith.constant 0 : i32
      %dma_wait3A_233 = tpu.memref_slice %arg2[%dma_wait3A_231, %dma_wait3A_232] : memref<10000x128xf32, #tpu.memory_space<hbm>> -> memref<10000x128xf32, #tpu.memory_space<hbm>>
      tpu.wait_indirect_dma semaphore(%arg12 : memref<!tpu.dma_semaphore, #tpu.memory_space<semaphore_mem>>) src(%dma_wait3A_233 : memref<10000x128xf32, #tpu.memory_space<hbm>>) dst(%dma_wait3A_227 : memref<40x128xf32, #tpu.memory_space<vmem>>)
      %dma_wait3A_234 = arith.constant 0 : i32
      %dma_wait3A_235 = arith.constant 5 : i32
      %dma_wait3A_236 = arith.constant 200 : i32
      %dma_wait3A_237 = arith.constant 0 : i32
      %dma_wait3A_238 = tpu.memref_slice %arg9[%dma_wait3A_236, %dma_wait3A_237] : memref<320x128xf32, #tpu.memory_space<vmem>> -> memref<40x128xf32, #tpu.memory_space<vmem>>
      %dma_wait3A_239 = arith.constant 0 : i32
      %dma_wait3A_240 = tpu.memref_slice %arg7[%dma_wait3A_234, %dma_wait3A_235, %dma_wait3A_239] : memref<2x8x40xi32, #tpu.memory_space<vmem>> -> memref<1x1x40xi32, #tpu.memory_space<vmem>>
      %dma_wait3A_241 = tpu.memref_squeeze %dma_wait3A_240 : memref<1x1x40xi32, #tpu.memory_space<vmem>> -> memref<40xi32, #tpu.memory_space<vmem>>
      %dma_wait3A_242 = arith.constant 0 : i32
      %dma_wait3A_243 = arith.constant 0 : i32
      %dma_wait3A_244 = tpu.memref_slice %arg2[%dma_wait3A_242, %dma_wait3A_243] : memref<10000x128xf32, #tpu.memory_space<hbm>> -> memref<10000x128xf32, #tpu.memory_space<hbm>>
      tpu.wait_indirect_dma semaphore(%arg12 : memref<!tpu.dma_semaphore, #tpu.memory_space<semaphore_mem>>) src(%dma_wait3A_244 : memref<10000x128xf32, #tpu.memory_space<hbm>>) dst(%dma_wait3A_238 : memref<40x128xf32, #tpu.memory_space<vmem>>)
      %dma_wait3A_245 = arith.constant 0 : i32
      %dma_wait3A_246 = arith.constant 6 : i32
      %dma_wait3A_247 = arith.constant 240 : i32
      %dma_wait3A_248 = arith.constant 0 : i32
      %dma_wait3A_249 = tpu.memref_slice %arg9[%dma_wait3A_247, %dma_wait3A_248] : memref<320x128xf32, #tpu.memory_space<vmem>> -> memref<40x128xf32, #tpu.memory_space<vmem>>
      %dma_wait3A_250 = arith.constant 0 : i32
      %dma_wait3A_251 = tpu.memref_slice %arg7[%dma_wait3A_245, %dma_wait3A_246, %dma_wait3A_250] : memref<2x8x40xi32, #tpu.memory_space<vmem>> -> memref<1x1x40xi32, #tpu.memory_space<vmem>>
      %dma_wait3A_252 = tpu.memref_squeeze %dma_wait3A_251 : memref<1x1x40xi32, #tpu.memory_space<vmem>> -> memref<40xi32, #tpu.memory_space<vmem>>
      %dma_wait3A_253 = arith.constant 0 : i32
      %dma_wait3A_254 = arith.constant 0 : i32
      %dma_wait3A_255 = tpu.memref_slice %arg2[%dma_wait3A_253, %dma_wait3A_254] : memref<10000x128xf32, #tpu.memory_space<hbm>> -> memref<10000x128xf32, #tpu.memory_space<hbm>>
      tpu.wait_indirect_dma semaphore(%arg12 : memref<!tpu.dma_semaphore, #tpu.memory_space<semaphore_mem>>) src(%dma_wait3A_255 : memref<10000x128xf32, #tpu.memory_space<hbm>>) dst(%dma_wait3A_249 : memref<40x128xf32, #tpu.memory_space<vmem>>)
      %dma_wait3A_256 = arith.constant 0 : i32
      %dma_wait3A_257 = arith.constant 7 : i32
      %dma_wait3A_258 = arith.constant 280 : i32
      %dma_wait3A_259 = arith.constant 0 : i32
      %dma_wait3A_260 = tpu.memref_slice %arg9[%dma_wait3A_258, %dma_wait3A_259] : memref<320x128xf32, #tpu.memory_space<vmem>> -> memref<40x128xf32, #tpu.memory_space<vmem>>
      %dma_wait3A_261 = arith.constant 0 : i32
      %dma_wait3A_262 = tpu.memref_slice %arg7[%dma_wait3A_256, %dma_wait3A_257, %dma_wait3A_261] : memref<2x8x40xi32, #tpu.memory_space<vmem>> -> memref<1x1x40xi32, #tpu.memory_space<vmem>>
      %dma_wait3A_263 = tpu.memref_squeeze %dma_wait3A_262 : memref<1x1x40xi32, #tpu.memory_space<vmem>> -> memref<40xi32, #tpu.memory_space<vmem>>
      %dma_wait3A_264 = arith.constant 0 : i32
      %dma_wait3A_265 = arith.constant 0 : i32
      %dma_wait3A_266 = tpu.memref_slice %arg2[%dma_wait3A_264, %dma_wait3A_265] : memref<10000x128xf32, #tpu.memory_space<hbm>> -> memref<10000x128xf32, #tpu.memory_space<hbm>>
      tpu.wait_indirect_dma semaphore(%arg12 : memref<!tpu.dma_semaphore, #tpu.memory_space<semaphore_mem>>) src(%dma_wait3A_266 : memref<10000x128xf32, #tpu.memory_space<hbm>>) dst(%dma_wait3A_260 : memref<40x128xf32, #tpu.memory_space<vmem>>)
      %dma_start3A_267 = arith.constant 0 : i32
      %dma_start3A_268 = tpu.memref_slice %arg5[%mul3A_86, %dma_start3A_267] : memref<327680x128xf32, #tpu.memory_space<hbm>> -> memref<320x128xf32, #tpu.memory_space<hbm>>
      %dma_start3A_269 = arith.constant 0 : i32
      %dma_start3A_270 = tpu.memref_slice %arg5[%mul3A_86, %dma_start3A_269] : memref<327680x128xf32, #tpu.memory_space<hbm>> -> memref<320x128xf32, #tpu.memory_space<hbm>>
      tpu.enqueue_dma source(%arg9 : memref<320x128xf32, #tpu.memory_space<vmem>>) target(%dma_start3A_270 : memref<320x128xf32, #tpu.memory_space<hbm>>) target_semaphore(%arg13 : memref<!tpu.dma_semaphore, #tpu.memory_space<semaphore_mem>>)
      %ge3A_271 = arith.constant 1 : i32
      %ge3A_272 = arith.cmpi sge, %add3A_51, %ge3A_271 : i32
      %convert_element_type3A_273 = arith.extui %ge3A_272 : i1 to i32
      %cond3A_274 = arith.constant 0 : i32
      %cond3A_275 = arith.cmpi ne, %convert_element_type3A_273, %cond3A_274 : i32
      scf.if %cond3A_275 {
        %dma_wait3A_866 = arith.constant 0 : i32
        %dma_wait3A_867 = arith.constant 0 : i32
        %dma_wait3A_868 = tpu.memref_slice %arg6[%dma_wait3A_866, %dma_wait3A_867] : memref<327680x128xf32, #tpu.memory_space<hbm>> -> memref<320x128xf32, #tpu.memory_space<hbm>>
        %dma_wait3A_869 = arith.constant 0 : i32
        %dma_wait3A_870 = arith.constant 0 : i32
        %dma_wait3A_871 = tpu.memref_slice %arg6[%dma_wait3A_869, %dma_wait3A_870] : memref<327680x128xf32, #tpu.memory_space<hbm>> -> memref<320x128xf32, #tpu.memory_space<hbm>>
        tpu.wait_dma2 semaphore(%arg14 : memref<!tpu.dma_semaphore, #tpu.memory_space<semaphore_mem>>) src(%arg10 : memref<320x128xf32, #tpu.memory_space<vmem>>) dst(%dma_wait3A_871 : memref<320x128xf32, #tpu.memory_space<hbm>>)
      } else {
      }
      %dma_start3A_276 = arith.constant 0 : i32
      %dma_start3A_277 = arith.constant 0 : i32
      %dma_start3A_278 = arith.constant 0 : i32
      %dma_start3A_279 = arith.constant 0 : i32
      %dma_start3A_280 = tpu.memref_slice %arg10[%dma_start3A_278, %dma_start3A_279] : memref<320x128xf32, #tpu.memory_space<vmem>> -> memref<40x128xf32, #tpu.memory_space<vmem>>
      %dma_start3A_281 = arith.constant 0 : i32
      %dma_start3A_282 = tpu.memref_slice %arg8[%dma_start3A_276, %dma_start3A_277, %dma_start3A_281] : memref<2x8x40xi32, #tpu.memory_space<vmem>> -> memref<1x1x40xi32, #tpu.memory_space<vmem>>
      %dma_start3A_283 = tpu.memref_squeeze %dma_start3A_282 : memref<1x1x40xi32, #tpu.memory_space<vmem>> -> memref<40xi32, #tpu.memory_space<vmem>>
      %dma_start3A_284 = arith.constant 0 : i32
      %dma_start3A_285 = arith.constant 0 : i32
      %dma_start3A_286 = tpu.memref_slice %arg2[%dma_start3A_284, %dma_start3A_285] : memref<10000x128xf32, #tpu.memory_space<hbm>> -> memref<10000x128xf32, #tpu.memory_space<hbm>>
      tpu.enqueue_indirect_dma source(%dma_start3A_286 : memref<10000x128xf32, #tpu.memory_space<hbm>>) target(%dma_start3A_280 : memref<40x128xf32, #tpu.memory_space<vmem>>) offsets(%dma_start3A_283 : memref<40xi32, #tpu.memory_space<vmem>>) semaphore(%arg12 : memref<!tpu.dma_semaphore, #tpu.memory_space<semaphore_mem>>)
      %dma_start3A_287 = arith.constant 0 : i32
      %dma_start3A_288 = arith.constant 1 : i32
      %dma_start3A_289 = arith.constant 40 : i32
      %dma_start3A_290 = arith.constant 0 : i32
      %dma_start3A_291 = tpu.memref_slice %arg10[%dma_start3A_289, %dma_start3A_290] : memref<320x128xf32, #tpu.memory_space<vmem>> -> memref<40x128xf32, #tpu.memory_space<vmem>>
      %dma_start3A_292 = arith.constant 0 : i32
      %dma_start3A_293 = tpu.memref_slice %arg8[%dma_start3A_287, %dma_start3A_288, %dma_start3A_292] : memref<2x8x40xi32, #tpu.memory_space<vmem>> -> memref<1x1x40xi32, #tpu.memory_space<vmem>>
      %dma_start3A_294 = tpu.memref_squeeze %dma_start3A_293 : memref<1x1x40xi32, #tpu.memory_space<vmem>> -> memref<40xi32, #tpu.memory_space<vmem>>
      %dma_start3A_295 = arith.constant 0 : i32
      %dma_start3A_296 = arith.constant 0 : i32
      %dma_start3A_297 = tpu.memref_slice %arg2[%dma_start3A_295, %dma_start3A_296] : memref<10000x128xf32, #tpu.memory_space<hbm>> -> memref<10000x128xf32, #tpu.memory_space<hbm>>
      tpu.enqueue_indirect_dma source(%dma_start3A_297 : memref<10000x128xf32, #tpu.memory_space<hbm>>) target(%dma_start3A_291 : memref<40x128xf32, #tpu.memory_space<vmem>>) offsets(%dma_start3A_294 : memref<40xi32, #tpu.memory_space<vmem>>) semaphore(%arg12 : memref<!tpu.dma_semaphore, #tpu.memory_space<semaphore_mem>>)
      %dma_start3A_298 = arith.constant 0 : i32
      %dma_start3A_299 = arith.constant 2 : i32
      %dma_start3A_300 = arith.constant 80 : i32
      %dma_start3A_301 = arith.constant 0 : i32
      %dma_start3A_302 = tpu.memref_slice %arg10[%dma_start3A_300, %dma_start3A_301] : memref<320x128xf32, #tpu.memory_space<vmem>> -> memref<40x128xf32, #tpu.memory_space<vmem>>
      %dma_start3A_303 = arith.constant 0 : i32
      %dma_start3A_304 = tpu.memref_slice %arg8[%dma_start3A_298, %dma_start3A_299, %dma_start3A_303] : memref<2x8x40xi32, #tpu.memory_space<vmem>> -> memref<1x1x40xi32, #tpu.memory_space<vmem>>
      %dma_start3A_305 = tpu.memref_squeeze %dma_start3A_304 : memref<1x1x40xi32, #tpu.memory_space<vmem>> -> memref<40xi32, #tpu.memory_space<vmem>>
      %dma_start3A_306 = arith.constant 0 : i32
      %dma_start3A_307 = arith.constant 0 : i32
      %dma_start3A_308 = tpu.memref_slice %arg2[%dma_start3A_306, %dma_start3A_307] : memref<10000x128xf32, #tpu.memory_space<hbm>> -> memref<10000x128xf32, #tpu.memory_space<hbm>>
      tpu.enqueue_indirect_dma source(%dma_start3A_308 : memref<10000x128xf32, #tpu.memory_space<hbm>>) target(%dma_start3A_302 : memref<40x128xf32, #tpu.memory_space<vmem>>) offsets(%dma_start3A_305 : memref<40xi32, #tpu.memory_space<vmem>>) semaphore(%arg12 : memref<!tpu.dma_semaphore, #tpu.memory_space<semaphore_mem>>)
      %dma_start3A_309 = arith.constant 0 : i32
      %dma_start3A_310 = arith.constant 3 : i32
      %dma_start3A_311 = arith.constant 120 : i32
      %dma_start3A_312 = arith.constant 0 : i32
      %dma_start3A_313 = tpu.memref_slice %arg10[%dma_start3A_311, %dma_start3A_312] : memref<320x128xf32, #tpu.memory_space<vmem>> -> memref<40x128xf32, #tpu.memory_space<vmem>>
      %dma_start3A_314 = arith.constant 0 : i32
      %dma_start3A_315 = tpu.memref_slice %arg8[%dma_start3A_309, %dma_start3A_310, %dma_start3A_314] : memref<2x8x40xi32, #tpu.memory_space<vmem>> -> memref<1x1x40xi32, #tpu.memory_space<vmem>>
      %dma_start3A_316 = tpu.memref_squeeze %dma_start3A_315 : memref<1x1x40xi32, #tpu.memory_space<vmem>> -> memref<40xi32, #tpu.memory_space<vmem>>
      %dma_start3A_317 = arith.constant 0 : i32
      %dma_start3A_318 = arith.constant 0 : i32
      %dma_start3A_319 = tpu.memref_slice %arg2[%dma_start3A_317, %dma_start3A_318] : memref<10000x128xf32, #tpu.memory_space<hbm>> -> memref<10000x128xf32, #tpu.memory_space<hbm>>
      tpu.enqueue_indirect_dma source(%dma_start3A_319 : memref<10000x128xf32, #tpu.memory_space<hbm>>) target(%dma_start3A_313 : memref<40x128xf32, #tpu.memory_space<vmem>>) offsets(%dma_start3A_316 : memref<40xi32, #tpu.memory_space<vmem>>) semaphore(%arg12 : memref<!tpu.dma_semaphore, #tpu.memory_space<semaphore_mem>>)
      %dma_start3A_320 = arith.constant 0 : i32
      %dma_start3A_321 = arith.constant 4 : i32
      %dma_start3A_322 = arith.constant 160 : i32
      %dma_start3A_323 = arith.constant 0 : i32
      %dma_start3A_324 = tpu.memref_slice %arg10[%dma_start3A_322, %dma_start3A_323] : memref<320x128xf32, #tpu.memory_space<vmem>> -> memref<40x128xf32, #tpu.memory_space<vmem>>
      %dma_start3A_325 = arith.constant 0 : i32
      %dma_start3A_326 = tpu.memref_slice %arg8[%dma_start3A_320, %dma_start3A_321, %dma_start3A_325] : memref<2x8x40xi32, #tpu.memory_space<vmem>> -> memref<1x1x40xi32, #tpu.memory_space<vmem>>
      %dma_start3A_327 = tpu.memref_squeeze %dma_start3A_326 : memref<1x1x40xi32, #tpu.memory_space<vmem>> -> memref<40xi32, #tpu.memory_space<vmem>>
      %dma_start3A_328 = arith.constant 0 : i32
      %dma_start3A_329 = arith.constant 0 : i32
      %dma_start3A_330 = tpu.memref_slice %arg2[%dma_start3A_328, %dma_start3A_329] : memref<10000x128xf32, #tpu.memory_space<hbm>> -> memref<10000x128xf32, #tpu.memory_space<hbm>>
      tpu.enqueue_indirect_dma source(%dma_start3A_330 : memref<10000x128xf32, #tpu.memory_space<hbm>>) target(%dma_start3A_324 : memref<40x128xf32, #tpu.memory_space<vmem>>) offsets(%dma_start3A_327 : memref<40xi32, #tpu.memory_space<vmem>>) semaphore(%arg12 : memref<!tpu.dma_semaphore, #tpu.memory_space<semaphore_mem>>)
      %dma_start3A_331 = arith.constant 0 : i32
      %dma_start3A_332 = arith.constant 5 : i32
      %dma_start3A_333 = arith.constant 200 : i32
      %dma_start3A_334 = arith.constant 0 : i32
      %dma_start3A_335 = tpu.memref_slice %arg10[%dma_start3A_333, %dma_start3A_334] : memref<320x128xf32, #tpu.memory_space<vmem>> -> memref<40x128xf32, #tpu.memory_space<vmem>>
      %dma_start3A_336 = arith.constant 0 : i32
      %dma_start3A_337 = tpu.memref_slice %arg8[%dma_start3A_331, %dma_start3A_332, %dma_start3A_336] : memref<2x8x40xi32, #tpu.memory_space<vmem>> -> memref<1x1x40xi32, #tpu.memory_space<vmem>>
      %dma_start3A_338 = tpu.memref_squeeze %dma_start3A_337 : memref<1x1x40xi32, #tpu.memory_space<vmem>> -> memref<40xi32, #tpu.memory_space<vmem>>
      %dma_start3A_339 = arith.constant 0 : i32
      %dma_start3A_340 = arith.constant 0 : i32
      %dma_start3A_341 = tpu.memref_slice %arg2[%dma_start3A_339, %dma_start3A_340] : memref<10000x128xf32, #tpu.memory_space<hbm>> -> memref<10000x128xf32, #tpu.memory_space<hbm>>
      tpu.enqueue_indirect_dma source(%dma_start3A_341 : memref<10000x128xf32, #tpu.memory_space<hbm>>) target(%dma_start3A_335 : memref<40x128xf32, #tpu.memory_space<vmem>>) offsets(%dma_start3A_338 : memref<40xi32, #tpu.memory_space<vmem>>) semaphore(%arg12 : memref<!tpu.dma_semaphore, #tpu.memory_space<semaphore_mem>>)
      %dma_start3A_342 = arith.constant 0 : i32
      %dma_start3A_343 = arith.constant 6 : i32
      %dma_start3A_344 = arith.constant 240 : i32
      %dma_start3A_345 = arith.constant 0 : i32
      %dma_start3A_346 = tpu.memref_slice %arg10[%dma_start3A_344, %dma_start3A_345] : memref<320x128xf32, #tpu.memory_space<vmem>> -> memref<40x128xf32, #tpu.memory_space<vmem>>
      %dma_start3A_347 = arith.constant 0 : i32
      %dma_start3A_348 = tpu.memref_slice %arg8[%dma_start3A_342, %dma_start3A_343, %dma_start3A_347] : memref<2x8x40xi32, #tpu.memory_space<vmem>> -> memref<1x1x40xi32, #tpu.memory_space<vmem>>
      %dma_start3A_349 = tpu.memref_squeeze %dma_start3A_348 : memref<1x1x40xi32, #tpu.memory_space<vmem>> -> memref<40xi32, #tpu.memory_space<vmem>>
      %dma_start3A_350 = arith.constant 0 : i32
      %dma_start3A_351 = arith.constant 0 : i32
      %dma_start3A_352 = tpu.memref_slice %arg2[%dma_start3A_350, %dma_start3A_351] : memref<10000x128xf32, #tpu.memory_space<hbm>> -> memref<10000x128xf32, #tpu.memory_space<hbm>>
      tpu.enqueue_indirect_dma source(%dma_start3A_352 : memref<10000x128xf32, #tpu.memory_space<hbm>>) target(%dma_start3A_346 : memref<40x128xf32, #tpu.memory_space<vmem>>) offsets(%dma_start3A_349 : memref<40xi32, #tpu.memory_space<vmem>>) semaphore(%arg12 : memref<!tpu.dma_semaphore, #tpu.memory_space<semaphore_mem>>)
      %dma_start3A_353 = arith.constant 0 : i32
      %dma_start3A_354 = arith.constant 7 : i32
      %dma_start3A_355 = arith.constant 280 : i32
      %dma_start3A_356 = arith.constant 0 : i32
      %dma_start3A_357 = tpu.memref_slice %arg10[%dma_start3A_355, %dma_start3A_356] : memref<320x128xf32, #tpu.memory_space<vmem>> -> memref<40x128xf32, #tpu.memory_space<vmem>>
      %dma_start3A_358 = arith.constant 0 : i32
      %dma_start3A_359 = tpu.memref_slice %arg8[%dma_start3A_353, %dma_start3A_354, %dma_start3A_358] : memref<2x8x40xi32, #tpu.memory_space<vmem>> -> memref<1x1x40xi32, #tpu.memory_space<vmem>>
      %dma_start3A_360 = tpu.memref_squeeze %dma_start3A_359 : memref<1x1x40xi32, #tpu.memory_space<vmem>> -> memref<40xi32, #tpu.memory_space<vmem>>
      %dma_start3A_361 = arith.constant 0 : i32
      %dma_start3A_362 = arith.constant 0 : i32
      %dma_start3A_363 = tpu.memref_slice %arg2[%dma_start3A_361, %dma_start3A_362] : memref<10000x128xf32, #tpu.memory_space<hbm>> -> memref<10000x128xf32, #tpu.memory_space<hbm>>
      tpu.enqueue_indirect_dma source(%dma_start3A_363 : memref<10000x128xf32, #tpu.memory_space<hbm>>) target(%dma_start3A_357 : memref<40x128xf32, #tpu.memory_space<vmem>>) offsets(%dma_start3A_360 : memref<40xi32, #tpu.memory_space<vmem>>) semaphore(%arg12 : memref<!tpu.dma_semaphore, #tpu.memory_space<semaphore_mem>>)
      %dma_wait3A_364 = arith.constant 0 : i32
      %dma_wait3A_365 = arith.constant 0 : i32
      %dma_wait3A_366 = arith.constant 0 : i32
      %dma_wait3A_367 = arith.constant 0 : i32
      %dma_wait3A_368 = tpu.memref_slice %arg10[%dma_wait3A_366, %dma_wait3A_367] : memref<320x128xf32, #tpu.memory_space<vmem>> -> memref<40x128xf32, #tpu.memory_space<vmem>>
      %dma_wait3A_369 = arith.constant 0 : i32
      %dma_wait3A_370 = tpu.memref_slice %arg8[%dma_wait3A_364, %dma_wait3A_365, %dma_wait3A_369] : memref<2x8x40xi32, #tpu.memory_space<vmem>> -> memref<1x1x40xi32, #tpu.memory_space<vmem>>
      %dma_wait3A_371 = tpu.memref_squeeze %dma_wait3A_370 : memref<1x1x40xi32, #tpu.memory_space<vmem>> -> memref<40xi32, #tpu.memory_space<vmem>>
      %dma_wait3A_372 = arith.constant 0 : i32
      %dma_wait3A_373 = arith.constant 0 : i32
      %dma_wait3A_374 = tpu.memref_slice %arg2[%dma_wait3A_372, %dma_wait3A_373] : memref<10000x128xf32, #tpu.memory_space<hbm>> -> memref<10000x128xf32, #tpu.memory_space<hbm>>
      tpu.wait_indirect_dma semaphore(%arg12 : memref<!tpu.dma_semaphore, #tpu.memory_space<semaphore_mem>>) src(%dma_wait3A_374 : memref<10000x128xf32, #tpu.memory_space<hbm>>) dst(%dma_wait3A_368 : memref<40x128xf32, #tpu.memory_space<vmem>>)
      %dma_wait3A_375 = arith.constant 0 : i32
      %dma_wait3A_376 = arith.constant 1 : i32
      %dma_wait3A_377 = arith.constant 40 : i32
      %dma_wait3A_378 = arith.constant 0 : i32
      %dma_wait3A_379 = tpu.memref_slice %arg10[%dma_wait3A_377, %dma_wait3A_378] : memref<320x128xf32, #tpu.memory_space<vmem>> -> memref<40x128xf32, #tpu.memory_space<vmem>>
      %dma_wait3A_380 = arith.constant 0 : i32
      %dma_wait3A_381 = tpu.memref_slice %arg8[%dma_wait3A_375, %dma_wait3A_376, %dma_wait3A_380] : memref<2x8x40xi32, #tpu.memory_space<vmem>> -> memref<1x1x40xi32, #tpu.memory_space<vmem>>
      %dma_wait3A_382 = tpu.memref_squeeze %dma_wait3A_381 : memref<1x1x40xi32, #tpu.memory_space<vmem>> -> memref<40xi32, #tpu.memory_space<vmem>>
      %dma_wait3A_383 = arith.constant 0 : i32
      %dma_wait3A_384 = arith.constant 0 : i32
      %dma_wait3A_385 = tpu.memref_slice %arg2[%dma_wait3A_383, %dma_wait3A_384] : memref<10000x128xf32, #tpu.memory_space<hbm>> -> memref<10000x128xf32, #tpu.memory_space<hbm>>
      tpu.wait_indirect_dma semaphore(%arg12 : memref<!tpu.dma_semaphore, #tpu.memory_space<semaphore_mem>>) src(%dma_wait3A_385 : memref<10000x128xf32, #tpu.memory_space<hbm>>) dst(%dma_wait3A_379 : memref<40x128xf32, #tpu.memory_space<vmem>>)
      %dma_wait3A_386 = arith.constant 0 : i32
      %dma_wait3A_387 = arith.constant 2 : i32
      %dma_wait3A_388 = arith.constant 80 : i32
      %dma_wait3A_389 = arith.constant 0 : i32
      %dma_wait3A_390 = tpu.memref_slice %arg10[%dma_wait3A_388, %dma_wait3A_389] : memref<320x128xf32, #tpu.memory_space<vmem>> -> memref<40x128xf32, #tpu.memory_space<vmem>>
      %dma_wait3A_391 = arith.constant 0 : i32
      %dma_wait3A_392 = tpu.memref_slice %arg8[%dma_wait3A_386, %dma_wait3A_387, %dma_wait3A_391] : memref<2x8x40xi32, #tpu.memory_space<vmem>> -> memref<1x1x40xi32, #tpu.memory_space<vmem>>
      %dma_wait3A_393 = tpu.memref_squeeze %dma_wait3A_392 : memref<1x1x40xi32, #tpu.memory_space<vmem>> -> memref<40xi32, #tpu.memory_space<vmem>>
      %dma_wait3A_394 = arith.constant 0 : i32
      %dma_wait3A_395 = arith.constant 0 : i32
      %dma_wait3A_396 = tpu.memref_slice %arg2[%dma_wait3A_394, %dma_wait3A_395] : memref<10000x128xf32, #tpu.memory_space<hbm>> -> memref<10000x128xf32, #tpu.memory_space<hbm>>
      tpu.wait_indirect_dma semaphore(%arg12 : memref<!tpu.dma_semaphore, #tpu.memory_space<semaphore_mem>>) src(%dma_wait3A_396 : memref<10000x128xf32, #tpu.memory_space<hbm>>) dst(%dma_wait3A_390 : memref<40x128xf32, #tpu.memory_space<vmem>>)
      %dma_wait3A_397 = arith.constant 0 : i32
      %dma_wait3A_398 = arith.constant 3 : i32
      %dma_wait3A_399 = arith.constant 120 : i32
      %dma_wait3A_400 = arith.constant 0 : i32
      %dma_wait3A_401 = tpu.memref_slice %arg10[%dma_wait3A_399, %dma_wait3A_400] : memref<320x128xf32, #tpu.memory_space<vmem>> -> memref<40x128xf32, #tpu.memory_space<vmem>>
      %dma_wait3A_402 = arith.constant 0 : i32
      %dma_wait3A_403 = tpu.memref_slice %arg8[%dma_wait3A_397, %dma_wait3A_398, %dma_wait3A_402] : memref<2x8x40xi32, #tpu.memory_space<vmem>> -> memref<1x1x40xi32, #tpu.memory_space<vmem>>
      %dma_wait3A_404 = tpu.memref_squeeze %dma_wait3A_403 : memref<1x1x40xi32, #tpu.memory_space<vmem>> -> memref<40xi32, #tpu.memory_space<vmem>>
      %dma_wait3A_405 = arith.constant 0 : i32
      %dma_wait3A_406 = arith.constant 0 : i32
      %dma_wait3A_407 = tpu.memref_slice %arg2[%dma_wait3A_405, %dma_wait3A_406] : memref<10000x128xf32, #tpu.memory_space<hbm>> -> memref<10000x128xf32, #tpu.memory_space<hbm>>
      tpu.wait_indirect_dma semaphore(%arg12 : memref<!tpu.dma_semaphore, #tpu.memory_space<semaphore_mem>>) src(%dma_wait3A_407 : memref<10000x128xf32, #tpu.memory_space<hbm>>) dst(%dma_wait3A_401 : memref<40x128xf32, #tpu.memory_space<vmem>>)
      %dma_wait3A_408 = arith.constant 0 : i32
      %dma_wait3A_409 = arith.constant 4 : i32
      %dma_wait3A_410 = arith.constant 160 : i32
      %dma_wait3A_411 = arith.constant 0 : i32
      %dma_wait3A_412 = tpu.memref_slice %arg10[%dma_wait3A_410, %dma_wait3A_411] : memref<320x128xf32, #tpu.memory_space<vmem>> -> memref<40x128xf32, #tpu.memory_space<vmem>>
      %dma_wait3A_413 = arith.constant 0 : i32
      %dma_wait3A_414 = tpu.memref_slice %arg8[%dma_wait3A_408, %dma_wait3A_409, %dma_wait3A_413] : memref<2x8x40xi32, #tpu.memory_space<vmem>> -> memref<1x1x40xi32, #tpu.memory_space<vmem>>
      %dma_wait3A_415 = tpu.memref_squeeze %dma_wait3A_414 : memref<1x1x40xi32, #tpu.memory_space<vmem>> -> memref<40xi32, #tpu.memory_space<vmem>>
      %dma_wait3A_416 = arith.constant 0 : i32
      %dma_wait3A_417 = arith.constant 0 : i32
      %dma_wait3A_418 = tpu.memref_slice %arg2[%dma_wait3A_416, %dma_wait3A_417] : memref<10000x128xf32, #tpu.memory_space<hbm>> -> memref<10000x128xf32, #tpu.memory_space<hbm>>
      tpu.wait_indirect_dma semaphore(%arg12 : memref<!tpu.dma_semaphore, #tpu.memory_space<semaphore_mem>>) src(%dma_wait3A_418 : memref<10000x128xf32, #tpu.memory_space<hbm>>) dst(%dma_wait3A_412 : memref<40x128xf32, #tpu.memory_space<vmem>>)
      %dma_wait3A_419 = arith.constant 0 : i32
      %dma_wait3A_420 = arith.constant 5 : i32
      %dma_wait3A_421 = arith.constant 200 : i32
      %dma_wait3A_422 = arith.constant 0 : i32
      %dma_wait3A_423 = tpu.memref_slice %arg10[%dma_wait3A_421, %dma_wait3A_422] : memref<320x128xf32, #tpu.memory_space<vmem>> -> memref<40x128xf32, #tpu.memory_space<vmem>>
      %dma_wait3A_424 = arith.constant 0 : i32
      %dma_wait3A_425 = tpu.memref_slice %arg8[%dma_wait3A_419, %dma_wait3A_420, %dma_wait3A_424] : memref<2x8x40xi32, #tpu.memory_space<vmem>> -> memref<1x1x40xi32, #tpu.memory_space<vmem>>
      %dma_wait3A_426 = tpu.memref_squeeze %dma_wait3A_425 : memref<1x1x40xi32, #tpu.memory_space<vmem>> -> memref<40xi32, #tpu.memory_space<vmem>>
      %dma_wait3A_427 = arith.constant 0 : i32
      %dma_wait3A_428 = arith.constant 0 : i32
      %dma_wait3A_429 = tpu.memref_slice %arg2[%dma_wait3A_427, %dma_wait3A_428] : memref<10000x128xf32, #tpu.memory_space<hbm>> -> memref<10000x128xf32, #tpu.memory_space<hbm>>
      tpu.wait_indirect_dma semaphore(%arg12 : memref<!tpu.dma_semaphore, #tpu.memory_space<semaphore_mem>>) src(%dma_wait3A_429 : memref<10000x128xf32, #tpu.memory_space<hbm>>) dst(%dma_wait3A_423 : memref<40x128xf32, #tpu.memory_space<vmem>>)
      %dma_wait3A_430 = arith.constant 0 : i32
      %dma_wait3A_431 = arith.constant 6 : i32
      %dma_wait3A_432 = arith.constant 240 : i32
      %dma_wait3A_433 = arith.constant 0 : i32
      %dma_wait3A_434 = tpu.memref_slice %arg10[%dma_wait3A_432, %dma_wait3A_433] : memref<320x128xf32, #tpu.memory_space<vmem>> -> memref<40x128xf32, #tpu.memory_space<vmem>>
      %dma_wait3A_435 = arith.constant 0 : i32
      %dma_wait3A_436 = tpu.memref_slice %arg8[%dma_wait3A_430, %dma_wait3A_431, %dma_wait3A_435] : memref<2x8x40xi32, #tpu.memory_space<vmem>> -> memref<1x1x40xi32, #tpu.memory_space<vmem>>
      %dma_wait3A_437 = tpu.memref_squeeze %dma_wait3A_436 : memref<1x1x40xi32, #tpu.memory_space<vmem>> -> memref<40xi32, #tpu.memory_space<vmem>>
      %dma_wait3A_438 = arith.constant 0 : i32
      %dma_wait3A_439 = arith.constant 0 : i32
      %dma_wait3A_440 = tpu.memref_slice %arg2[%dma_wait3A_438, %dma_wait3A_439] : memref<10000x128xf32, #tpu.memory_space<hbm>> -> memref<10000x128xf32, #tpu.memory_space<hbm>>
      tpu.wait_indirect_dma semaphore(%arg12 : memref<!tpu.dma_semaphore, #tpu.memory_space<semaphore_mem>>) src(%dma_wait3A_440 : memref<10000x128xf32, #tpu.memory_space<hbm>>) dst(%dma_wait3A_434 : memref<40x128xf32, #tpu.memory_space<vmem>>)
      %dma_wait3A_441 = arith.constant 0 : i32
      %dma_wait3A_442 = arith.constant 7 : i32
      %dma_wait3A_443 = arith.constant 280 : i32
      %dma_wait3A_444 = arith.constant 0 : i32
      %dma_wait3A_445 = tpu.memref_slice %arg10[%dma_wait3A_443, %dma_wait3A_444] : memref<320x128xf32, #tpu.memory_space<vmem>> -> memref<40x128xf32, #tpu.memory_space<vmem>>
      %dma_wait3A_446 = arith.constant 0 : i32
      %dma_wait3A_447 = tpu.memref_slice %arg8[%dma_wait3A_441, %dma_wait3A_442, %dma_wait3A_446] : memref<2x8x40xi32, #tpu.memory_space<vmem>> -> memref<1x1x40xi32, #tpu.memory_space<vmem>>
      %dma_wait3A_448 = tpu.memref_squeeze %dma_wait3A_447 : memref<1x1x40xi32, #tpu.memory_space<vmem>> -> memref<40xi32, #tpu.memory_space<vmem>>
      %dma_wait3A_449 = arith.constant 0 : i32
      %dma_wait3A_450 = arith.constant 0 : i32
      %dma_wait3A_451 = tpu.memref_slice %arg2[%dma_wait3A_449, %dma_wait3A_450] : memref<10000x128xf32, #tpu.memory_space<hbm>> -> memref<10000x128xf32, #tpu.memory_space<hbm>>
      tpu.wait_indirect_dma semaphore(%arg12 : memref<!tpu.dma_semaphore, #tpu.memory_space<semaphore_mem>>) src(%dma_wait3A_451 : memref<10000x128xf32, #tpu.memory_space<hbm>>) dst(%dma_wait3A_445 : memref<40x128xf32, #tpu.memory_space<vmem>>)
      %dma_start3A_452 = arith.constant 0 : i32
      %dma_start3A_453 = tpu.memref_slice %arg6[%mul3A_86, %dma_start3A_452] : memref<327680x128xf32, #tpu.memory_space<hbm>> -> memref<320x128xf32, #tpu.memory_space<hbm>>
      %dma_start3A_454 = arith.constant 0 : i32
      %dma_start3A_455 = tpu.memref_slice %arg6[%mul3A_86, %dma_start3A_454] : memref<327680x128xf32, #tpu.memory_space<hbm>> -> memref<320x128xf32, #tpu.memory_space<hbm>>
      tpu.enqueue_dma source(%arg10 : memref<320x128xf32, #tpu.memory_space<vmem>>) target(%dma_start3A_455 : memref<320x128xf32, #tpu.memory_space<hbm>>) target_semaphore(%arg14 : memref<!tpu.dma_semaphore, #tpu.memory_space<semaphore_mem>>)
      %add3A_456 = arith.constant 1 : i32
      %add3A_457 = arith.addi %add3A_49, %add3A_456 : i32
      %dma_wait3A_458 = arith.constant 1 : i32
      %dma_wait3A_459 = arith.constant 0 : i32
      %dma_wait3A_460 = arith.constant 0 : i32
      %dma_wait3A_461 = tpu.memref_slice %arg7[%dma_wait3A_458, %dma_wait3A_459, %dma_wait3A_460] : memref<2x8x40xi32, #tpu.memory_space<vmem>> -> memref<1x8x40xi32, #tpu.memory_space<vmem>>
      %dma_wait3A_462 = tpu.memref_squeeze %dma_wait3A_461 : memref<1x8x40xi32, #tpu.memory_space<vmem>> -> memref<8x40xi32, #tpu.memory_space<vmem>>
      %dma_wait3A_463 = arith.constant 0 : i32
      %dma_wait3A_464 = tpu.memref_slice %arg3[%mul3A_2, %dma_wait3A_463] : memref<8192x40xi32, #tpu.memory_space<hbm>> -> memref<8x40xi32, #tpu.memory_space<hbm>>
      %dma_wait3A_465 = arith.constant 0 : i32
      %dma_wait3A_466 = arith.constant 0 : i32
      %dma_wait3A_467 = tpu.memref_slice %arg7[%dma_wait3A_458, %dma_wait3A_465, %dma_wait3A_466] : memref<2x8x40xi32, #tpu.memory_space<vmem>> -> memref<1x8x40xi32, #tpu.memory_space<vmem>>
      %dma_wait3A_468 = tpu.memref_squeeze %dma_wait3A_467 : memref<1x8x40xi32, #tpu.memory_space<vmem>> -> memref<8x40xi32, #tpu.memory_space<vmem>>
      %dma_wait3A_469 = arith.constant 0 : i32
      %dma_wait3A_470 = tpu.memref_slice %arg3[%mul3A_2, %dma_wait3A_469] : memref<8192x40xi32, #tpu.memory_space<hbm>> -> memref<8x40xi32, #tpu.memory_space<hbm>>
      tpu.wait_dma2 semaphore(%arg11 : memref<!tpu.dma_semaphore, #tpu.memory_space<semaphore_mem>>) src(%dma_wait3A_470 : memref<8x40xi32, #tpu.memory_space<hbm>>) dst(%dma_wait3A_468 : memref<8x40xi32, #tpu.memory_space<vmem>>)
      %dma_wait3A_471 = arith.constant 1 : i32
      %dma_wait3A_472 = arith.constant 0 : i32
      %dma_wait3A_473 = arith.constant 0 : i32
      %dma_wait3A_474 = tpu.memref_slice %arg8[%dma_wait3A_471, %dma_wait3A_472, %dma_wait3A_473] : memref<2x8x40xi32, #tpu.memory_space<vmem>> -> memref<1x8x40xi32, #tpu.memory_space<vmem>>
      %dma_wait3A_475 = tpu.memref_squeeze %dma_wait3A_474 : memref<1x8x40xi32, #tpu.memory_space<vmem>> -> memref<8x40xi32, #tpu.memory_space<vmem>>
      %dma_wait3A_476 = arith.constant 0 : i32
      %dma_wait3A_477 = tpu.memref_slice %arg4[%mul3A_2, %dma_wait3A_476] : memref<8192x40xi32, #tpu.memory_space<hbm>> -> memref<8x40xi32, #tpu.memory_space<hbm>>
      %dma_wait3A_478 = arith.constant 0 : i32
      %dma_wait3A_479 = arith.constant 0 : i32
      %dma_wait3A_480 = tpu.memref_slice %arg8[%dma_wait3A_471, %dma_wait3A_478, %dma_wait3A_479] : memref<2x8x40xi32, #tpu.memory_space<vmem>> -> memref<1x8x40xi32, #tpu.memory_space<vmem>>
      %dma_wait3A_481 = tpu.memref_squeeze %dma_wait3A_480 : memref<1x8x40xi32, #tpu.memory_space<vmem>> -> memref<8x40xi32, #tpu.memory_space<vmem>>
      %dma_wait3A_482 = arith.constant 0 : i32
      %dma_wait3A_483 = tpu.memref_slice %arg4[%mul3A_2, %dma_wait3A_482] : memref<8192x40xi32, #tpu.memory_space<hbm>> -> memref<8x40xi32, #tpu.memory_space<hbm>>
      tpu.wait_dma2 semaphore(%arg11 : memref<!tpu.dma_semaphore, #tpu.memory_space<semaphore_mem>>) src(%dma_wait3A_483 : memref<8x40xi32, #tpu.memory_space<hbm>>) dst(%dma_wait3A_481 : memref<8x40xi32, #tpu.memory_space<vmem>>)
      %add3A_484 = arith.constant 1 : i32
      %add3A_485 = arith.addi %add3A_457, %add3A_484 : i32
      %lt3A_486 = arith.constant 32 : i32
      %lt3A_487 = arith.cmpi slt, %add3A_485, %lt3A_486 : i32
      %convert_element_type3A_488 = arith.extui %lt3A_487 : i1 to i32
      %cond3A_489 = arith.constant 0 : i32
      %cond3A_490 = arith.cmpi ne, %convert_element_type3A_488, %cond3A_489 : i32
      scf.if %cond3A_490 {
        %add3A_866 = arith.constant 1 : i32
        %add3A_867 = arith.addi %add3A_457, %add3A_866 : i32
        %mul3A_868 = arith.constant 8 : i32
        %mul3A_869 = arith.muli %add3A_867, %mul3A_868 : i32
        %add3A_870 = arith.addi %mul3A_2, %mul3A_869 : i32
        %dma_start3A_871 = arith.constant 0 : i32
        %dma_start3A_872 = arith.constant 0 : i32
        %dma_start3A_873 = arith.constant 0 : i32
        %dma_start3A_874 = tpu.memref_slice %arg7[%dma_start3A_871, %dma_start3A_872, %dma_start3A_873] : memref<2x8x40xi32, #tpu.memory_space<vmem>> -> memref<1x8x40xi32, #tpu.memory_space<vmem>>
        %dma_start3A_875 = tpu.memref_squeeze %dma_start3A_874 : memref<1x8x40xi32, #tpu.memory_space<vmem>> -> memref<8x40xi32, #tpu.memory_space<vmem>>
        %dma_start3A_876 = arith.constant 0 : i32
        %dma_start3A_877 = tpu.memref_slice %arg3[%add3A_870, %dma_start3A_876] : memref<8192x40xi32, #tpu.memory_space<hbm>> -> memref<8x40xi32, #tpu.memory_space<hbm>>
        %dma_start3A_878 = arith.constant 0 : i32
        %dma_start3A_879 = arith.constant 0 : i32
        %dma_start3A_880 = tpu.memref_slice %arg7[%dma_start3A_871, %dma_start3A_878, %dma_start3A_879] : memref<2x8x40xi32, #tpu.memory_space<vmem>> -> memref<1x8x40xi32, #tpu.memory_space<vmem>>
        %dma_start3A_881 = tpu.memref_squeeze %dma_start3A_880 : memref<1x8x40xi32, #tpu.memory_space<vmem>> -> memref<8x40xi32, #tpu.memory_space<vmem>>
        %dma_start3A_882 = arith.constant 0 : i32
        %dma_start3A_883 = tpu.memref_slice %arg3[%add3A_870, %dma_start3A_882] : memref<8192x40xi32, #tpu.memory_space<hbm>> -> memref<8x40xi32, #tpu.memory_space<hbm>>
        tpu.enqueue_dma source(%dma_start3A_883 : memref<8x40xi32, #tpu.memory_space<hbm>>) target(%dma_start3A_881 : memref<8x40xi32, #tpu.memory_space<vmem>>) target_semaphore(%arg11 : memref<!tpu.dma_semaphore, #tpu.memory_space<semaphore_mem>>)
        %dma_start3A_884 = arith.constant 0 : i32
        %dma_start3A_885 = arith.constant 0 : i32
        %dma_start3A_886 = arith.constant 0 : i32
        %dma_start3A_887 = tpu.memref_slice %arg8[%dma_start3A_884, %dma_start3A_885, %dma_start3A_886] : memref<2x8x40xi32, #tpu.memory_space<vmem>> -> memref<1x8x40xi32, #tpu.memory_space<vmem>>
        %dma_start3A_888 = tpu.memref_squeeze %dma_start3A_887 : memref<1x8x40xi32, #tpu.memory_space<vmem>> -> memref<8x40xi32, #tpu.memory_space<vmem>>
        %dma_start3A_889 = arith.constant 0 : i32
        %dma_start3A_890 = tpu.memref_slice %arg4[%add3A_870, %dma_start3A_889] : memref<8192x40xi32, #tpu.memory_space<hbm>> -> memref<8x40xi32, #tpu.memory_space<hbm>>
        %dma_start3A_891 = arith.constant 0 : i32
        %dma_start3A_892 = arith.constant 0 : i32
        %dma_start3A_893 = tpu.memref_slice %arg8[%dma_start3A_884, %dma_start3A_891, %dma_start3A_892] : memref<2x8x40xi32, #tpu.memory_space<vmem>> -> memref<1x8x40xi32, #tpu.memory_space<vmem>>
        %dma_start3A_894 = tpu.memref_squeeze %dma_start3A_893 : memref<1x8x40xi32, #tpu.memory_space<vmem>> -> memref<8x40xi32, #tpu.memory_space<vmem>>
        %dma_start3A_895 = arith.constant 0 : i32
        %dma_start3A_896 = tpu.memref_slice %arg4[%add3A_870, %dma_start3A_895] : memref<8192x40xi32, #tpu.memory_space<hbm>> -> memref<8x40xi32, #tpu.memory_space<hbm>>
        tpu.enqueue_dma source(%dma_start3A_896 : memref<8x40xi32, #tpu.memory_space<hbm>>) target(%dma_start3A_894 : memref<8x40xi32, #tpu.memory_space<vmem>>) target_semaphore(%arg11 : memref<!tpu.dma_semaphore, #tpu.memory_space<semaphore_mem>>)
      } else {
      }
      %mul3A_491 = arith.constant 8 : i32
      %mul3A_492 = arith.muli %add3A_457, %mul3A_491 : i32
      %add3A_493 = arith.addi %mul3A_2, %mul3A_492 : i32
      %mul3A_494 = arith.constant 40 : i32
      %mul3A_495 = arith.muli %add3A_493, %mul3A_494 : i32
      %ge3A_496 = arith.constant 1 : i32
      %ge3A_497 = arith.cmpi sge, %add3A_457, %ge3A_496 : i32
      %convert_element_type3A_498 = arith.extui %ge3A_497 : i1 to i32
      %cond3A_499 = arith.constant 0 : i32
      %cond3A_500 = arith.cmpi ne, %convert_element_type3A_498, %cond3A_499 : i32
      scf.if %cond3A_500 {
        %dma_wait3A_866 = arith.constant 0 : i32
        %dma_wait3A_867 = arith.constant 0 : i32
        %dma_wait3A_868 = tpu.memref_slice %arg5[%dma_wait3A_866, %dma_wait3A_867] : memref<327680x128xf32, #tpu.memory_space<hbm>> -> memref<320x128xf32, #tpu.memory_space<hbm>>
        %dma_wait3A_869 = arith.constant 0 : i32
        %dma_wait3A_870 = arith.constant 0 : i32
        %dma_wait3A_871 = tpu.memref_slice %arg5[%dma_wait3A_869, %dma_wait3A_870] : memref<327680x128xf32, #tpu.memory_space<hbm>> -> memref<320x128xf32, #tpu.memory_space<hbm>>
        tpu.wait_dma2 semaphore(%arg13 : memref<!tpu.dma_semaphore, #tpu.memory_space<semaphore_mem>>) src(%arg9 : memref<320x128xf32, #tpu.memory_space<vmem>>) dst(%dma_wait3A_871 : memref<320x128xf32, #tpu.memory_space<hbm>>)
      } else {
      }
      %dma_start3A_501 = arith.constant 1 : i32
      %dma_start3A_502 = arith.constant 0 : i32
      %dma_start3A_503 = arith.constant 0 : i32
      %dma_start3A_504 = arith.constant 0 : i32
      %dma_start3A_505 = tpu.memref_slice %arg9[%dma_start3A_503, %dma_start3A_504] : memref<320x128xf32, #tpu.memory_space<vmem>> -> memref<40x128xf32, #tpu.memory_space<vmem>>
      %dma_start3A_506 = arith.constant 0 : i32
      %dma_start3A_507 = tpu.memref_slice %arg7[%dma_start3A_501, %dma_start3A_502, %dma_start3A_506] : memref<2x8x40xi32, #tpu.memory_space<vmem>> -> memref<1x1x40xi32, #tpu.memory_space<vmem>>
      %dma_start3A_508 = tpu.memref_squeeze %dma_start3A_507 : memref<1x1x40xi32, #tpu.memory_space<vmem>> -> memref<40xi32, #tpu.memory_space<vmem>>
      %dma_start3A_509 = arith.constant 0 : i32
      %dma_start3A_510 = arith.constant 0 : i32
      %dma_start3A_511 = tpu.memref_slice %arg2[%dma_start3A_509, %dma_start3A_510] : memref<10000x128xf32, #tpu.memory_space<hbm>> -> memref<10000x128xf32, #tpu.memory_space<hbm>>
      tpu.enqueue_indirect_dma source(%dma_start3A_511 : memref<10000x128xf32, #tpu.memory_space<hbm>>) target(%dma_start3A_505 : memref<40x128xf32, #tpu.memory_space<vmem>>) offsets(%dma_start3A_508 : memref<40xi32, #tpu.memory_space<vmem>>) semaphore(%arg12 : memref<!tpu.dma_semaphore, #tpu.memory_space<semaphore_mem>>)
      %dma_start3A_512 = arith.constant 1 : i32
      %dma_start3A_513 = arith.constant 1 : i32
      %dma_start3A_514 = arith.constant 40 : i32
      %dma_start3A_515 = arith.constant 0 : i32
      %dma_start3A_516 = tpu.memref_slice %arg9[%dma_start3A_514, %dma_start3A_515] : memref<320x128xf32, #tpu.memory_space<vmem>> -> memref<40x128xf32, #tpu.memory_space<vmem>>
      %dma_start3A_517 = arith.constant 0 : i32
      %dma_start3A_518 = tpu.memref_slice %arg7[%dma_start3A_512, %dma_start3A_513, %dma_start3A_517] : memref<2x8x40xi32, #tpu.memory_space<vmem>> -> memref<1x1x40xi32, #tpu.memory_space<vmem>>
      %dma_start3A_519 = tpu.memref_squeeze %dma_start3A_518 : memref<1x1x40xi32, #tpu.memory_space<vmem>> -> memref<40xi32, #tpu.memory_space<vmem>>
      %dma_start3A_520 = arith.constant 0 : i32
      %dma_start3A_521 = arith.constant 0 : i32
      %dma_start3A_522 = tpu.memref_slice %arg2[%dma_start3A_520, %dma_start3A_521] : memref<10000x128xf32, #tpu.memory_space<hbm>> -> memref<10000x128xf32, #tpu.memory_space<hbm>>
      tpu.enqueue_indirect_dma source(%dma_start3A_522 : memref<10000x128xf32, #tpu.memory_space<hbm>>) target(%dma_start3A_516 : memref<40x128xf32, #tpu.memory_space<vmem>>) offsets(%dma_start3A_519 : memref<40xi32, #tpu.memory_space<vmem>>) semaphore(%arg12 : memref<!tpu.dma_semaphore, #tpu.memory_space<semaphore_mem>>)
      %dma_start3A_523 = arith.constant 1 : i32
      %dma_start3A_524 = arith.constant 2 : i32
      %dma_start3A_525 = arith.constant 80 : i32
      %dma_start3A_526 = arith.constant 0 : i32
      %dma_start3A_527 = tpu.memref_slice %arg9[%dma_start3A_525, %dma_start3A_526] : memref<320x128xf32, #tpu.memory_space<vmem>> -> memref<40x128xf32, #tpu.memory_space<vmem>>
      %dma_start3A_528 = arith.constant 0 : i32
      %dma_start3A_529 = tpu.memref_slice %arg7[%dma_start3A_523, %dma_start3A_524, %dma_start3A_528] : memref<2x8x40xi32, #tpu.memory_space<vmem>> -> memref<1x1x40xi32, #tpu.memory_space<vmem>>
      %dma_start3A_530 = tpu.memref_squeeze %dma_start3A_529 : memref<1x1x40xi32, #tpu.memory_space<vmem>> -> memref<40xi32, #tpu.memory_space<vmem>>
      %dma_start3A_531 = arith.constant 0 : i32
      %dma_start3A_532 = arith.constant 0 : i32
      %dma_start3A_533 = tpu.memref_slice %arg2[%dma_start3A_531, %dma_start3A_532] : memref<10000x128xf32, #tpu.memory_space<hbm>> -> memref<10000x128xf32, #tpu.memory_space<hbm>>
      tpu.enqueue_indirect_dma source(%dma_start3A_533 : memref<10000x128xf32, #tpu.memory_space<hbm>>) target(%dma_start3A_527 : memref<40x128xf32, #tpu.memory_space<vmem>>) offsets(%dma_start3A_530 : memref<40xi32, #tpu.memory_space<vmem>>) semaphore(%arg12 : memref<!tpu.dma_semaphore, #tpu.memory_space<semaphore_mem>>)
      %dma_start3A_534 = arith.constant 1 : i32
      %dma_start3A_535 = arith.constant 3 : i32
      %dma_start3A_536 = arith.constant 120 : i32
      %dma_start3A_537 = arith.constant 0 : i32
      %dma_start3A_538 = tpu.memref_slice %arg9[%dma_start3A_536, %dma_start3A_537] : memref<320x128xf32, #tpu.memory_space<vmem>> -> memref<40x128xf32, #tpu.memory_space<vmem>>
      %dma_start3A_539 = arith.constant 0 : i32
      %dma_start3A_540 = tpu.memref_slice %arg7[%dma_start3A_534, %dma_start3A_535, %dma_start3A_539] : memref<2x8x40xi32, #tpu.memory_space<vmem>> -> memref<1x1x40xi32, #tpu.memory_space<vmem>>
      %dma_start3A_541 = tpu.memref_squeeze %dma_start3A_540 : memref<1x1x40xi32, #tpu.memory_space<vmem>> -> memref<40xi32, #tpu.memory_space<vmem>>
      %dma_start3A_542 = arith.constant 0 : i32
      %dma_start3A_543 = arith.constant 0 : i32
      %dma_start3A_544 = tpu.memref_slice %arg2[%dma_start3A_542, %dma_start3A_543] : memref<10000x128xf32, #tpu.memory_space<hbm>> -> memref<10000x128xf32, #tpu.memory_space<hbm>>
      tpu.enqueue_indirect_dma source(%dma_start3A_544 : memref<10000x128xf32, #tpu.memory_space<hbm>>) target(%dma_start3A_538 : memref<40x128xf32, #tpu.memory_space<vmem>>) offsets(%dma_start3A_541 : memref<40xi32, #tpu.memory_space<vmem>>) semaphore(%arg12 : memref<!tpu.dma_semaphore, #tpu.memory_space<semaphore_mem>>)
      %dma_start3A_545 = arith.constant 1 : i32
      %dma_start3A_546 = arith.constant 4 : i32
      %dma_start3A_547 = arith.constant 160 : i32
      %dma_start3A_548 = arith.constant 0 : i32
      %dma_start3A_549 = tpu.memref_slice %arg9[%dma_start3A_547, %dma_start3A_548] : memref<320x128xf32, #tpu.memory_space<vmem>> -> memref<40x128xf32, #tpu.memory_space<vmem>>
      %dma_start3A_550 = arith.constant 0 : i32
      %dma_start3A_551 = tpu.memref_slice %arg7[%dma_start3A_545, %dma_start3A_546, %dma_start3A_550] : memref<2x8x40xi32, #tpu.memory_space<vmem>> -> memref<1x1x40xi32, #tpu.memory_space<vmem>>
      %dma_start3A_552 = tpu.memref_squeeze %dma_start3A_551 : memref<1x1x40xi32, #tpu.memory_space<vmem>> -> memref<40xi32, #tpu.memory_space<vmem>>
      %dma_start3A_553 = arith.constant 0 : i32
      %dma_start3A_554 = arith.constant 0 : i32
      %dma_start3A_555 = tpu.memref_slice %arg2[%dma_start3A_553, %dma_start3A_554] : memref<10000x128xf32, #tpu.memory_space<hbm>> -> memref<10000x128xf32, #tpu.memory_space<hbm>>
      tpu.enqueue_indirect_dma source(%dma_start3A_555 : memref<10000x128xf32, #tpu.memory_space<hbm>>) target(%dma_start3A_549 : memref<40x128xf32, #tpu.memory_space<vmem>>) offsets(%dma_start3A_552 : memref<40xi32, #tpu.memory_space<vmem>>) semaphore(%arg12 : memref<!tpu.dma_semaphore, #tpu.memory_space<semaphore_mem>>)
      %dma_start3A_556 = arith.constant 1 : i32
      %dma_start3A_557 = arith.constant 5 : i32
      %dma_start3A_558 = arith.constant 200 : i32
      %dma_start3A_559 = arith.constant 0 : i32
      %dma_start3A_560 = tpu.memref_slice %arg9[%dma_start3A_558, %dma_start3A_559] : memref<320x128xf32, #tpu.memory_space<vmem>> -> memref<40x128xf32, #tpu.memory_space<vmem>>
      %dma_start3A_561 = arith.constant 0 : i32
      %dma_start3A_562 = tpu.memref_slice %arg7[%dma_start3A_556, %dma_start3A_557, %dma_start3A_561] : memref<2x8x40xi32, #tpu.memory_space<vmem>> -> memref<1x1x40xi32, #tpu.memory_space<vmem>>
      %dma_start3A_563 = tpu.memref_squeeze %dma_start3A_562 : memref<1x1x40xi32, #tpu.memory_space<vmem>> -> memref<40xi32, #tpu.memory_space<vmem>>
      %dma_start3A_564 = arith.constant 0 : i32
      %dma_start3A_565 = arith.constant 0 : i32
      %dma_start3A_566 = tpu.memref_slice %arg2[%dma_start3A_564, %dma_start3A_565] : memref<10000x128xf32, #tpu.memory_space<hbm>> -> memref<10000x128xf32, #tpu.memory_space<hbm>>
      tpu.enqueue_indirect_dma source(%dma_start3A_566 : memref<10000x128xf32, #tpu.memory_space<hbm>>) target(%dma_start3A_560 : memref<40x128xf32, #tpu.memory_space<vmem>>) offsets(%dma_start3A_563 : memref<40xi32, #tpu.memory_space<vmem>>) semaphore(%arg12 : memref<!tpu.dma_semaphore, #tpu.memory_space<semaphore_mem>>)
      %dma_start3A_567 = arith.constant 1 : i32
      %dma_start3A_568 = arith.constant 6 : i32
      %dma_start3A_569 = arith.constant 240 : i32
      %dma_start3A_570 = arith.constant 0 : i32
      %dma_start3A_571 = tpu.memref_slice %arg9[%dma_start3A_569, %dma_start3A_570] : memref<320x128xf32, #tpu.memory_space<vmem>> -> memref<40x128xf32, #tpu.memory_space<vmem>>
      %dma_start3A_572 = arith.constant 0 : i32
      %dma_start3A_573 = tpu.memref_slice %arg7[%dma_start3A_567, %dma_start3A_568, %dma_start3A_572] : memref<2x8x40xi32, #tpu.memory_space<vmem>> -> memref<1x1x40xi32, #tpu.memory_space<vmem>>
      %dma_start3A_574 = tpu.memref_squeeze %dma_start3A_573 : memref<1x1x40xi32, #tpu.memory_space<vmem>> -> memref<40xi32, #tpu.memory_space<vmem>>
      %dma_start3A_575 = arith.constant 0 : i32
      %dma_start3A_576 = arith.constant 0 : i32
      %dma_start3A_577 = tpu.memref_slice %arg2[%dma_start3A_575, %dma_start3A_576] : memref<10000x128xf32, #tpu.memory_space<hbm>> -> memref<10000x128xf32, #tpu.memory_space<hbm>>
      tpu.enqueue_indirect_dma source(%dma_start3A_577 : memref<10000x128xf32, #tpu.memory_space<hbm>>) target(%dma_start3A_571 : memref<40x128xf32, #tpu.memory_space<vmem>>) offsets(%dma_start3A_574 : memref<40xi32, #tpu.memory_space<vmem>>) semaphore(%arg12 : memref<!tpu.dma_semaphore, #tpu.memory_space<semaphore_mem>>)
      %dma_start3A_578 = arith.constant 1 : i32
      %dma_start3A_579 = arith.constant 7 : i32
      %dma_start3A_580 = arith.constant 280 : i32
      %dma_start3A_581 = arith.constant 0 : i32
      %dma_start3A_582 = tpu.memref_slice %arg9[%dma_start3A_580, %dma_start3A_581] : memref<320x128xf32, #tpu.memory_space<vmem>> -> memref<40x128xf32, #tpu.memory_space<vmem>>
      %dma_start3A_583 = arith.constant 0 : i32
      %dma_start3A_584 = tpu.memref_slice %arg7[%dma_start3A_578, %dma_start3A_579, %dma_start3A_583] : memref<2x8x40xi32, #tpu.memory_space<vmem>> -> memref<1x1x40xi32, #tpu.memory_space<vmem>>
      %dma_start3A_585 = tpu.memref_squeeze %dma_start3A_584 : memref<1x1x40xi32, #tpu.memory_space<vmem>> -> memref<40xi32, #tpu.memory_space<vmem>>
      %dma_start3A_586 = arith.constant 0 : i32
      %dma_start3A_587 = arith.constant 0 : i32
      %dma_start3A_588 = tpu.memref_slice %arg2[%dma_start3A_586, %dma_start3A_587] : memref<10000x128xf32, #tpu.memory_space<hbm>> -> memref<10000x128xf32, #tpu.memory_space<hbm>>
      tpu.enqueue_indirect_dma source(%dma_start3A_588 : memref<10000x128xf32, #tpu.memory_space<hbm>>) target(%dma_start3A_582 : memref<40x128xf32, #tpu.memory_space<vmem>>) offsets(%dma_start3A_585 : memref<40xi32, #tpu.memory_space<vmem>>) semaphore(%arg12 : memref<!tpu.dma_semaphore, #tpu.memory_space<semaphore_mem>>)
      %dma_wait3A_589 = arith.constant 1 : i32
      %dma_wait3A_590 = arith.constant 0 : i32
      %dma_wait3A_591 = arith.constant 0 : i32
      %dma_wait3A_592 = arith.constant 0 : i32
      %dma_wait3A_593 = tpu.memref_slice %arg9[%dma_wait3A_591, %dma_wait3A_592] : memref<320x128xf32, #tpu.memory_space<vmem>> -> memref<40x128xf32, #tpu.memory_space<vmem>>
      %dma_wait3A_594 = arith.constant 0 : i32
      %dma_wait3A_595 = tpu.memref_slice %arg7[%dma_wait3A_589, %dma_wait3A_590, %dma_wait3A_594] : memref<2x8x40xi32, #tpu.memory_space<vmem>> -> memref<1x1x40xi32, #tpu.memory_space<vmem>>
      %dma_wait3A_596 = tpu.memref_squeeze %dma_wait3A_595 : memref<1x1x40xi32, #tpu.memory_space<vmem>> -> memref<40xi32, #tpu.memory_space<vmem>>
      %dma_wait3A_597 = arith.constant 0 : i32
      %dma_wait3A_598 = arith.constant 0 : i32
      %dma_wait3A_599 = tpu.memref_slice %arg2[%dma_wait3A_597, %dma_wait3A_598] : memref<10000x128xf32, #tpu.memory_space<hbm>> -> memref<10000x128xf32, #tpu.memory_space<hbm>>
      tpu.wait_indirect_dma semaphore(%arg12 : memref<!tpu.dma_semaphore, #tpu.memory_space<semaphore_mem>>) src(%dma_wait3A_599 : memref<10000x128xf32, #tpu.memory_space<hbm>>) dst(%dma_wait3A_593 : memref<40x128xf32, #tpu.memory_space<vmem>>)
      %dma_wait3A_600 = arith.constant 1 : i32
      %dma_wait3A_601 = arith.constant 1 : i32
      %dma_wait3A_602 = arith.constant 40 : i32
      %dma_wait3A_603 = arith.constant 0 : i32
      %dma_wait3A_604 = tpu.memref_slice %arg9[%dma_wait3A_602, %dma_wait3A_603] : memref<320x128xf32, #tpu.memory_space<vmem>> -> memref<40x128xf32, #tpu.memory_space<vmem>>
      %dma_wait3A_605 = arith.constant 0 : i32
      %dma_wait3A_606 = tpu.memref_slice %arg7[%dma_wait3A_600, %dma_wait3A_601, %dma_wait3A_605] : memref<2x8x40xi32, #tpu.memory_space<vmem>> -> memref<1x1x40xi32, #tpu.memory_space<vmem>>
      %dma_wait3A_607 = tpu.memref_squeeze %dma_wait3A_606 : memref<1x1x40xi32, #tpu.memory_space<vmem>> -> memref<40xi32, #tpu.memory_space<vmem>>
      %dma_wait3A_608 = arith.constant 0 : i32
      %dma_wait3A_609 = arith.constant 0 : i32
      %dma_wait3A_610 = tpu.memref_slice %arg2[%dma_wait3A_608, %dma_wait3A_609] : memref<10000x128xf32, #tpu.memory_space<hbm>> -> memref<10000x128xf32, #tpu.memory_space<hbm>>
      tpu.wait_indirect_dma semaphore(%arg12 : memref<!tpu.dma_semaphore, #tpu.memory_space<semaphore_mem>>) src(%dma_wait3A_610 : memref<10000x128xf32, #tpu.memory_space<hbm>>) dst(%dma_wait3A_604 : memref<40x128xf32, #tpu.memory_space<vmem>>)
      %dma_wait3A_611 = arith.constant 1 : i32
      %dma_wait3A_612 = arith.constant 2 : i32
      %dma_wait3A_613 = arith.constant 80 : i32
      %dma_wait3A_614 = arith.constant 0 : i32
      %dma_wait3A_615 = tpu.memref_slice %arg9[%dma_wait3A_613, %dma_wait3A_614] : memref<320x128xf32, #tpu.memory_space<vmem>> -> memref<40x128xf32, #tpu.memory_space<vmem>>
      %dma_wait3A_616 = arith.constant 0 : i32
      %dma_wait3A_617 = tpu.memref_slice %arg7[%dma_wait3A_611, %dma_wait3A_612, %dma_wait3A_616] : memref<2x8x40xi32, #tpu.memory_space<vmem>> -> memref<1x1x40xi32, #tpu.memory_space<vmem>>
      %dma_wait3A_618 = tpu.memref_squeeze %dma_wait3A_617 : memref<1x1x40xi32, #tpu.memory_space<vmem>> -> memref<40xi32, #tpu.memory_space<vmem>>
      %dma_wait3A_619 = arith.constant 0 : i32
      %dma_wait3A_620 = arith.constant 0 : i32
      %dma_wait3A_621 = tpu.memref_slice %arg2[%dma_wait3A_619, %dma_wait3A_620] : memref<10000x128xf32, #tpu.memory_space<hbm>> -> memref<10000x128xf32, #tpu.memory_space<hbm>>
      tpu.wait_indirect_dma semaphore(%arg12 : memref<!tpu.dma_semaphore, #tpu.memory_space<semaphore_mem>>) src(%dma_wait3A_621 : memref<10000x128xf32, #tpu.memory_space<hbm>>) dst(%dma_wait3A_615 : memref<40x128xf32, #tpu.memory_space<vmem>>)
      %dma_wait3A_622 = arith.constant 1 : i32
      %dma_wait3A_623 = arith.constant 3 : i32
      %dma_wait3A_624 = arith.constant 120 : i32
      %dma_wait3A_625 = arith.constant 0 : i32
      %dma_wait3A_626 = tpu.memref_slice %arg9[%dma_wait3A_624, %dma_wait3A_625] : memref<320x128xf32, #tpu.memory_space<vmem>> -> memref<40x128xf32, #tpu.memory_space<vmem>>
      %dma_wait3A_627 = arith.constant 0 : i32
      %dma_wait3A_628 = tpu.memref_slice %arg7[%dma_wait3A_622, %dma_wait3A_623, %dma_wait3A_627] : memref<2x8x40xi32, #tpu.memory_space<vmem>> -> memref<1x1x40xi32, #tpu.memory_space<vmem>>
      %dma_wait3A_629 = tpu.memref_squeeze %dma_wait3A_628 : memref<1x1x40xi32, #tpu.memory_space<vmem>> -> memref<40xi32, #tpu.memory_space<vmem>>
      %dma_wait3A_630 = arith.constant 0 : i32
      %dma_wait3A_631 = arith.constant 0 : i32
      %dma_wait3A_632 = tpu.memref_slice %arg2[%dma_wait3A_630, %dma_wait3A_631] : memref<10000x128xf32, #tpu.memory_space<hbm>> -> memref<10000x128xf32, #tpu.memory_space<hbm>>
      tpu.wait_indirect_dma semaphore(%arg12 : memref<!tpu.dma_semaphore, #tpu.memory_space<semaphore_mem>>) src(%dma_wait3A_632 : memref<10000x128xf32, #tpu.memory_space<hbm>>) dst(%dma_wait3A_626 : memref<40x128xf32, #tpu.memory_space<vmem>>)
      %dma_wait3A_633 = arith.constant 1 : i32
      %dma_wait3A_634 = arith.constant 4 : i32
      %dma_wait3A_635 = arith.constant 160 : i32
      %dma_wait3A_636 = arith.constant 0 : i32
      %dma_wait3A_637 = tpu.memref_slice %arg9[%dma_wait3A_635, %dma_wait3A_636] : memref<320x128xf32, #tpu.memory_space<vmem>> -> memref<40x128xf32, #tpu.memory_space<vmem>>
      %dma_wait3A_638 = arith.constant 0 : i32
      %dma_wait3A_639 = tpu.memref_slice %arg7[%dma_wait3A_633, %dma_wait3A_634, %dma_wait3A_638] : memref<2x8x40xi32, #tpu.memory_space<vmem>> -> memref<1x1x40xi32, #tpu.memory_space<vmem>>
      %dma_wait3A_640 = tpu.memref_squeeze %dma_wait3A_639 : memref<1x1x40xi32, #tpu.memory_space<vmem>> -> memref<40xi32, #tpu.memory_space<vmem>>
      %dma_wait3A_641 = arith.constant 0 : i32
      %dma_wait3A_642 = arith.constant 0 : i32
      %dma_wait3A_643 = tpu.memref_slice %arg2[%dma_wait3A_641, %dma_wait3A_642] : memref<10000x128xf32, #tpu.memory_space<hbm>> -> memref<10000x128xf32, #tpu.memory_space<hbm>>
      tpu.wait_indirect_dma semaphore(%arg12 : memref<!tpu.dma_semaphore, #tpu.memory_space<semaphore_mem>>) src(%dma_wait3A_643 : memref<10000x128xf32, #tpu.memory_space<hbm>>) dst(%dma_wait3A_637 : memref<40x128xf32, #tpu.memory_space<vmem>>)
      %dma_wait3A_644 = arith.constant 1 : i32
      %dma_wait3A_645 = arith.constant 5 : i32
      %dma_wait3A_646 = arith.constant 200 : i32
      %dma_wait3A_647 = arith.constant 0 : i32
      %dma_wait3A_648 = tpu.memref_slice %arg9[%dma_wait3A_646, %dma_wait3A_647] : memref<320x128xf32, #tpu.memory_space<vmem>> -> memref<40x128xf32, #tpu.memory_space<vmem>>
      %dma_wait3A_649 = arith.constant 0 : i32
      %dma_wait3A_650 = tpu.memref_slice %arg7[%dma_wait3A_644, %dma_wait3A_645, %dma_wait3A_649] : memref<2x8x40xi32, #tpu.memory_space<vmem>> -> memref<1x1x40xi32, #tpu.memory_space<vmem>>
      %dma_wait3A_651 = tpu.memref_squeeze %dma_wait3A_650 : memref<1x1x40xi32, #tpu.memory_space<vmem>> -> memref<40xi32, #tpu.memory_space<vmem>>
      %dma_wait3A_652 = arith.constant 0 : i32
      %dma_wait3A_653 = arith.constant 0 : i32
      %dma_wait3A_654 = tpu.memref_slice %arg2[%dma_wait3A_652, %dma_wait3A_653] : memref<10000x128xf32, #tpu.memory_space<hbm>> -> memref<10000x128xf32, #tpu.memory_space<hbm>>
      tpu.wait_indirect_dma semaphore(%arg12 : memref<!tpu.dma_semaphore, #tpu.memory_space<semaphore_mem>>) src(%dma_wait3A_654 : memref<10000x128xf32, #tpu.memory_space<hbm>>) dst(%dma_wait3A_648 : memref<40x128xf32, #tpu.memory_space<vmem>>)
      %dma_wait3A_655 = arith.constant 1 : i32
      %dma_wait3A_656 = arith.constant 6 : i32
      %dma_wait3A_657 = arith.constant 240 : i32
      %dma_wait3A_658 = arith.constant 0 : i32
      %dma_wait3A_659 = tpu.memref_slice %arg9[%dma_wait3A_657, %dma_wait3A_658] : memref<320x128xf32, #tpu.memory_space<vmem>> -> memref<40x128xf32, #tpu.memory_space<vmem>>
      %dma_wait3A_660 = arith.constant 0 : i32
      %dma_wait3A_661 = tpu.memref_slice %arg7[%dma_wait3A_655, %dma_wait3A_656, %dma_wait3A_660] : memref<2x8x40xi32, #tpu.memory_space<vmem>> -> memref<1x1x40xi32, #tpu.memory_space<vmem>>
      %dma_wait3A_662 = tpu.memref_squeeze %dma_wait3A_661 : memref<1x1x40xi32, #tpu.memory_space<vmem>> -> memref<40xi32, #tpu.memory_space<vmem>>
      %dma_wait3A_663 = arith.constant 0 : i32
      %dma_wait3A_664 = arith.constant 0 : i32
      %dma_wait3A_665 = tpu.memref_slice %arg2[%dma_wait3A_663, %dma_wait3A_664] : memref<10000x128xf32, #tpu.memory_space<hbm>> -> memref<10000x128xf32, #tpu.memory_space<hbm>>
      tpu.wait_indirect_dma semaphore(%arg12 : memref<!tpu.dma_semaphore, #tpu.memory_space<semaphore_mem>>) src(%dma_wait3A_665 : memref<10000x128xf32, #tpu.memory_space<hbm>>) dst(%dma_wait3A_659 : memref<40x128xf32, #tpu.memory_space<vmem>>)
      %dma_wait3A_666 = arith.constant 1 : i32
      %dma_wait3A_667 = arith.constant 7 : i32
      %dma_wait3A_668 = arith.constant 280 : i32
      %dma_wait3A_669 = arith.constant 0 : i32
      %dma_wait3A_670 = tpu.memref_slice %arg9[%dma_wait3A_668, %dma_wait3A_669] : memref<320x128xf32, #tpu.memory_space<vmem>> -> memref<40x128xf32, #tpu.memory_space<vmem>>
      %dma_wait3A_671 = arith.constant 0 : i32
      %dma_wait3A_672 = tpu.memref_slice %arg7[%dma_wait3A_666, %dma_wait3A_667, %dma_wait3A_671] : memref<2x8x40xi32, #tpu.memory_space<vmem>> -> memref<1x1x40xi32, #tpu.memory_space<vmem>>
      %dma_wait3A_673 = tpu.memref_squeeze %dma_wait3A_672 : memref<1x1x40xi32, #tpu.memory_space<vmem>> -> memref<40xi32, #tpu.memory_space<vmem>>
      %dma_wait3A_674 = arith.constant 0 : i32
      %dma_wait3A_675 = arith.constant 0 : i32
      %dma_wait3A_676 = tpu.memref_slice %arg2[%dma_wait3A_674, %dma_wait3A_675] : memref<10000x128xf32, #tpu.memory_space<hbm>> -> memref<10000x128xf32, #tpu.memory_space<hbm>>
      tpu.wait_indirect_dma semaphore(%arg12 : memref<!tpu.dma_semaphore, #tpu.memory_space<semaphore_mem>>) src(%dma_wait3A_676 : memref<10000x128xf32, #tpu.memory_space<hbm>>) dst(%dma_wait3A_670 : memref<40x128xf32, #tpu.memory_space<vmem>>)
      %dma_start3A_677 = arith.constant 0 : i32
      %dma_start3A_678 = tpu.memref_slice %arg5[%mul3A_495, %dma_start3A_677] : memref<327680x128xf32, #tpu.memory_space<hbm>> -> memref<320x128xf32, #tpu.memory_space<hbm>>
      %dma_start3A_679 = arith.constant 0 : i32
      %dma_start3A_680 = tpu.memref_slice %arg5[%mul3A_495, %dma_start3A_679] : memref<327680x128xf32, #tpu.memory_space<hbm>> -> memref<320x128xf32, #tpu.memory_space<hbm>>
      tpu.enqueue_dma source(%arg9 : memref<320x128xf32, #tpu.memory_space<vmem>>) target(%dma_start3A_680 : memref<320x128xf32, #tpu.memory_space<hbm>>) target_semaphore(%arg13 : memref<!tpu.dma_semaphore, #tpu.memory_space<semaphore_mem>>)
      %ge3A_681 = arith.constant 1 : i32
      %ge3A_682 = arith.cmpi sge, %add3A_457, %ge3A_681 : i32
      %convert_element_type3A_683 = arith.extui %ge3A_682 : i1 to i32
      %cond3A_684 = arith.constant 0 : i32
      %cond3A_685 = arith.cmpi ne, %convert_element_type3A_683, %cond3A_684 : i32
      scf.if %cond3A_685 {
        %dma_wait3A_866 = arith.constant 0 : i32
        %dma_wait3A_867 = arith.constant 0 : i32
        %dma_wait3A_868 = tpu.memref_slice %arg6[%dma_wait3A_866, %dma_wait3A_867] : memref<327680x128xf32, #tpu.memory_space<hbm>> -> memref<320x128xf32, #tpu.memory_space<hbm>>
        %dma_wait3A_869 = arith.constant 0 : i32
        %dma_wait3A_870 = arith.constant 0 : i32
        %dma_wait3A_871 = tpu.memref_slice %arg6[%dma_wait3A_869, %dma_wait3A_870] : memref<327680x128xf32, #tpu.memory_space<hbm>> -> memref<320x128xf32, #tpu.memory_space<hbm>>
        tpu.wait_dma2 semaphore(%arg14 : memref<!tpu.dma_semaphore, #tpu.memory_space<semaphore_mem>>) src(%arg10 : memref<320x128xf32, #tpu.memory_space<vmem>>) dst(%dma_wait3A_871 : memref<320x128xf32, #tpu.memory_space<hbm>>)
      } else {
      }
      %dma_start3A_686 = arith.constant 1 : i32
      %dma_start3A_687 = arith.constant 0 : i32
      %dma_start3A_688 = arith.constant 0 : i32
      %dma_start3A_689 = arith.constant 0 : i32
      %dma_start3A_690 = tpu.memref_slice %arg10[%dma_start3A_688, %dma_start3A_689] : memref<320x128xf32, #tpu.memory_space<vmem>> -> memref<40x128xf32, #tpu.memory_space<vmem>>
      %dma_start3A_691 = arith.constant 0 : i32
      %dma_start3A_692 = tpu.memref_slice %arg8[%dma_start3A_686, %dma_start3A_687, %dma_start3A_691] : memref<2x8x40xi32, #tpu.memory_space<vmem>> -> memref<1x1x40xi32, #tpu.memory_space<vmem>>
      %dma_start3A_693 = tpu.memref_squeeze %dma_start3A_692 : memref<1x1x40xi32, #tpu.memory_space<vmem>> -> memref<40xi32, #tpu.memory_space<vmem>>
      %dma_start3A_694 = arith.constant 0 : i32
      %dma_start3A_695 = arith.constant 0 : i32
      %dma_start3A_696 = tpu.memref_slice %arg2[%dma_start3A_694, %dma_start3A_695] : memref<10000x128xf32, #tpu.memory_space<hbm>> -> memref<10000x128xf32, #tpu.memory_space<hbm>>
      tpu.enqueue_indirect_dma source(%dma_start3A_696 : memref<10000x128xf32, #tpu.memory_space<hbm>>) target(%dma_start3A_690 : memref<40x128xf32, #tpu.memory_space<vmem>>) offsets(%dma_start3A_693 : memref<40xi32, #tpu.memory_space<vmem>>) semaphore(%arg12 : memref<!tpu.dma_semaphore, #tpu.memory_space<semaphore_mem>>)
      %dma_start3A_697 = arith.constant 1 : i32
      %dma_start3A_698 = arith.constant 1 : i32
      %dma_start3A_699 = arith.constant 40 : i32
      %dma_start3A_700 = arith.constant 0 : i32
      %dma_start3A_701 = tpu.memref_slice %arg10[%dma_start3A_699, %dma_start3A_700] : memref<320x128xf32, #tpu.memory_space<vmem>> -> memref<40x128xf32, #tpu.memory_space<vmem>>
      %dma_start3A_702 = arith.constant 0 : i32
      %dma_start3A_703 = tpu.memref_slice %arg8[%dma_start3A_697, %dma_start3A_698, %dma_start3A_702] : memref<2x8x40xi32, #tpu.memory_space<vmem>> -> memref<1x1x40xi32, #tpu.memory_space<vmem>>
      %dma_start3A_704 = tpu.memref_squeeze %dma_start3A_703 : memref<1x1x40xi32, #tpu.memory_space<vmem>> -> memref<40xi32, #tpu.memory_space<vmem>>
      %dma_start3A_705 = arith.constant 0 : i32
      %dma_start3A_706 = arith.constant 0 : i32
      %dma_start3A_707 = tpu.memref_slice %arg2[%dma_start3A_705, %dma_start3A_706] : memref<10000x128xf32, #tpu.memory_space<hbm>> -> memref<10000x128xf32, #tpu.memory_space<hbm>>
      tpu.enqueue_indirect_dma source(%dma_start3A_707 : memref<10000x128xf32, #tpu.memory_space<hbm>>) target(%dma_start3A_701 : memref<40x128xf32, #tpu.memory_space<vmem>>) offsets(%dma_start3A_704 : memref<40xi32, #tpu.memory_space<vmem>>) semaphore(%arg12 : memref<!tpu.dma_semaphore, #tpu.memory_space<semaphore_mem>>)
      %dma_start3A_708 = arith.constant 1 : i32
      %dma_start3A_709 = arith.constant 2 : i32
      %dma_start3A_710 = arith.constant 80 : i32
      %dma_start3A_711 = arith.constant 0 : i32
      %dma_start3A_712 = tpu.memref_slice %arg10[%dma_start3A_710, %dma_start3A_711] : memref<320x128xf32, #tpu.memory_space<vmem>> -> memref<40x128xf32, #tpu.memory_space<vmem>>
      %dma_start3A_713 = arith.constant 0 : i32
      %dma_start3A_714 = tpu.memref_slice %arg8[%dma_start3A_708, %dma_start3A_709, %dma_start3A_713] : memref<2x8x40xi32, #tpu.memory_space<vmem>> -> memref<1x1x40xi32, #tpu.memory_space<vmem>>
      %dma_start3A_715 = tpu.memref_squeeze %dma_start3A_714 : memref<1x1x40xi32, #tpu.memory_space<vmem>> -> memref<40xi32, #tpu.memory_space<vmem>>
      %dma_start3A_716 = arith.constant 0 : i32
      %dma_start3A_717 = arith.constant 0 : i32
      %dma_start3A_718 = tpu.memref_slice %arg2[%dma_start3A_716, %dma_start3A_717] : memref<10000x128xf32, #tpu.memory_space<hbm>> -> memref<10000x128xf32, #tpu.memory_space<hbm>>
      tpu.enqueue_indirect_dma source(%dma_start3A_718 : memref<10000x128xf32, #tpu.memory_space<hbm>>) target(%dma_start3A_712 : memref<40x128xf32, #tpu.memory_space<vmem>>) offsets(%dma_start3A_715 : memref<40xi32, #tpu.memory_space<vmem>>) semaphore(%arg12 : memref<!tpu.dma_semaphore, #tpu.memory_space<semaphore_mem>>)
      %dma_start3A_719 = arith.constant 1 : i32
      %dma_start3A_720 = arith.constant 3 : i32
      %dma_start3A_721 = arith.constant 120 : i32
      %dma_start3A_722 = arith.constant 0 : i32
      %dma_start3A_723 = tpu.memref_slice %arg10[%dma_start3A_721, %dma_start3A_722] : memref<320x128xf32, #tpu.memory_space<vmem>> -> memref<40x128xf32, #tpu.memory_space<vmem>>
      %dma_start3A_724 = arith.constant 0 : i32
      %dma_start3A_725 = tpu.memref_slice %arg8[%dma_start3A_719, %dma_start3A_720, %dma_start3A_724] : memref<2x8x40xi32, #tpu.memory_space<vmem>> -> memref<1x1x40xi32, #tpu.memory_space<vmem>>
      %dma_start3A_726 = tpu.memref_squeeze %dma_start3A_725 : memref<1x1x40xi32, #tpu.memory_space<vmem>> -> memref<40xi32, #tpu.memory_space<vmem>>
      %dma_start3A_727 = arith.constant 0 : i32
      %dma_start3A_728 = arith.constant 0 : i32
      %dma_start3A_729 = tpu.memref_slice %arg2[%dma_start3A_727, %dma_start3A_728] : memref<10000x128xf32, #tpu.memory_space<hbm>> -> memref<10000x128xf32, #tpu.memory_space<hbm>>
      tpu.enqueue_indirect_dma source(%dma_start3A_729 : memref<10000x128xf32, #tpu.memory_space<hbm>>) target(%dma_start3A_723 : memref<40x128xf32, #tpu.memory_space<vmem>>) offsets(%dma_start3A_726 : memref<40xi32, #tpu.memory_space<vmem>>) semaphore(%arg12 : memref<!tpu.dma_semaphore, #tpu.memory_space<semaphore_mem>>)
      %dma_start3A_730 = arith.constant 1 : i32
      %dma_start3A_731 = arith.constant 4 : i32
      %dma_start3A_732 = arith.constant 160 : i32
      %dma_start3A_733 = arith.constant 0 : i32
      %dma_start3A_734 = tpu.memref_slice %arg10[%dma_start3A_732, %dma_start3A_733] : memref<320x128xf32, #tpu.memory_space<vmem>> -> memref<40x128xf32, #tpu.memory_space<vmem>>
      %dma_start3A_735 = arith.constant 0 : i32
      %dma_start3A_736 = tpu.memref_slice %arg8[%dma_start3A_730, %dma_start3A_731, %dma_start3A_735] : memref<2x8x40xi32, #tpu.memory_space<vmem>> -> memref<1x1x40xi32, #tpu.memory_space<vmem>>
      %dma_start3A_737 = tpu.memref_squeeze %dma_start3A_736 : memref<1x1x40xi32, #tpu.memory_space<vmem>> -> memref<40xi32, #tpu.memory_space<vmem>>
      %dma_start3A_738 = arith.constant 0 : i32
      %dma_start3A_739 = arith.constant 0 : i32
      %dma_start3A_740 = tpu.memref_slice %arg2[%dma_start3A_738, %dma_start3A_739] : memref<10000x128xf32, #tpu.memory_space<hbm>> -> memref<10000x128xf32, #tpu.memory_space<hbm>>
      tpu.enqueue_indirect_dma source(%dma_start3A_740 : memref<10000x128xf32, #tpu.memory_space<hbm>>) target(%dma_start3A_734 : memref<40x128xf32, #tpu.memory_space<vmem>>) offsets(%dma_start3A_737 : memref<40xi32, #tpu.memory_space<vmem>>) semaphore(%arg12 : memref<!tpu.dma_semaphore, #tpu.memory_space<semaphore_mem>>)
      %dma_start3A_741 = arith.constant 1 : i32
      %dma_start3A_742 = arith.constant 5 : i32
      %dma_start3A_743 = arith.constant 200 : i32
      %dma_start3A_744 = arith.constant 0 : i32
      %dma_start3A_745 = tpu.memref_slice %arg10[%dma_start3A_743, %dma_start3A_744] : memref<320x128xf32, #tpu.memory_space<vmem>> -> memref<40x128xf32, #tpu.memory_space<vmem>>
      %dma_start3A_746 = arith.constant 0 : i32
      %dma_start3A_747 = tpu.memref_slice %arg8[%dma_start3A_741, %dma_start3A_742, %dma_start3A_746] : memref<2x8x40xi32, #tpu.memory_space<vmem>> -> memref<1x1x40xi32, #tpu.memory_space<vmem>>
      %dma_start3A_748 = tpu.memref_squeeze %dma_start3A_747 : memref<1x1x40xi32, #tpu.memory_space<vmem>> -> memref<40xi32, #tpu.memory_space<vmem>>
      %dma_start3A_749 = arith.constant 0 : i32
      %dma_start3A_750 = arith.constant 0 : i32
      %dma_start3A_751 = tpu.memref_slice %arg2[%dma_start3A_749, %dma_start3A_750] : memref<10000x128xf32, #tpu.memory_space<hbm>> -> memref<10000x128xf32, #tpu.memory_space<hbm>>
      tpu.enqueue_indirect_dma source(%dma_start3A_751 : memref<10000x128xf32, #tpu.memory_space<hbm>>) target(%dma_start3A_745 : memref<40x128xf32, #tpu.memory_space<vmem>>) offsets(%dma_start3A_748 : memref<40xi32, #tpu.memory_space<vmem>>) semaphore(%arg12 : memref<!tpu.dma_semaphore, #tpu.memory_space<semaphore_mem>>)
      %dma_start3A_752 = arith.constant 1 : i32
      %dma_start3A_753 = arith.constant 6 : i32
      %dma_start3A_754 = arith.constant 240 : i32
      %dma_start3A_755 = arith.constant 0 : i32
      %dma_start3A_756 = tpu.memref_slice %arg10[%dma_start3A_754, %dma_start3A_755] : memref<320x128xf32, #tpu.memory_space<vmem>> -> memref<40x128xf32, #tpu.memory_space<vmem>>
      %dma_start3A_757 = arith.constant 0 : i32
      %dma_start3A_758 = tpu.memref_slice %arg8[%dma_start3A_752, %dma_start3A_753, %dma_start3A_757] : memref<2x8x40xi32, #tpu.memory_space<vmem>> -> memref<1x1x40xi32, #tpu.memory_space<vmem>>
      %dma_start3A_759 = tpu.memref_squeeze %dma_start3A_758 : memref<1x1x40xi32, #tpu.memory_space<vmem>> -> memref<40xi32, #tpu.memory_space<vmem>>
      %dma_start3A_760 = arith.constant 0 : i32
      %dma_start3A_761 = arith.constant 0 : i32
      %dma_start3A_762 = tpu.memref_slice %arg2[%dma_start3A_760, %dma_start3A_761] : memref<10000x128xf32, #tpu.memory_space<hbm>> -> memref<10000x128xf32, #tpu.memory_space<hbm>>
      tpu.enqueue_indirect_dma source(%dma_start3A_762 : memref<10000x128xf32, #tpu.memory_space<hbm>>) target(%dma_start3A_756 : memref<40x128xf32, #tpu.memory_space<vmem>>) offsets(%dma_start3A_759 : memref<40xi32, #tpu.memory_space<vmem>>) semaphore(%arg12 : memref<!tpu.dma_semaphore, #tpu.memory_space<semaphore_mem>>)
      %dma_start3A_763 = arith.constant 1 : i32
      %dma_start3A_764 = arith.constant 7 : i32
      %dma_start3A_765 = arith.constant 280 : i32
      %dma_start3A_766 = arith.constant 0 : i32
      %dma_start3A_767 = tpu.memref_slice %arg10[%dma_start3A_765, %dma_start3A_766] : memref<320x128xf32, #tpu.memory_space<vmem>> -> memref<40x128xf32, #tpu.memory_space<vmem>>
      %dma_start3A_768 = arith.constant 0 : i32
      %dma_start3A_769 = tpu.memref_slice %arg8[%dma_start3A_763, %dma_start3A_764, %dma_start3A_768] : memref<2x8x40xi32, #tpu.memory_space<vmem>> -> memref<1x1x40xi32, #tpu.memory_space<vmem>>
      %dma_start3A_770 = tpu.memref_squeeze %dma_start3A_769 : memref<1x1x40xi32, #tpu.memory_space<vmem>> -> memref<40xi32, #tpu.memory_space<vmem>>
      %dma_start3A_771 = arith.constant 0 : i32
      %dma_start3A_772 = arith.constant 0 : i32
      %dma_start3A_773 = tpu.memref_slice %arg2[%dma_start3A_771, %dma_start3A_772] : memref<10000x128xf32, #tpu.memory_space<hbm>> -> memref<10000x128xf32, #tpu.memory_space<hbm>>
      tpu.enqueue_indirect_dma source(%dma_start3A_773 : memref<10000x128xf32, #tpu.memory_space<hbm>>) target(%dma_start3A_767 : memref<40x128xf32, #tpu.memory_space<vmem>>) offsets(%dma_start3A_770 : memref<40xi32, #tpu.memory_space<vmem>>) semaphore(%arg12 : memref<!tpu.dma_semaphore, #tpu.memory_space<semaphore_mem>>)
      %dma_wait3A_774 = arith.constant 1 : i32
      %dma_wait3A_775 = arith.constant 0 : i32
      %dma_wait3A_776 = arith.constant 0 : i32
      %dma_wait3A_777 = arith.constant 0 : i32
      %dma_wait3A_778 = tpu.memref_slice %arg10[%dma_wait3A_776, %dma_wait3A_777] : memref<320x128xf32, #tpu.memory_space<vmem>> -> memref<40x128xf32, #tpu.memory_space<vmem>>
      %dma_wait3A_779 = arith.constant 0 : i32
      %dma_wait3A_780 = tpu.memref_slice %arg8[%dma_wait3A_774, %dma_wait3A_775, %dma_wait3A_779] : memref<2x8x40xi32, #tpu.memory_space<vmem>> -> memref<1x1x40xi32, #tpu.memory_space<vmem>>
      %dma_wait3A_781 = tpu.memref_squeeze %dma_wait3A_780 : memref<1x1x40xi32, #tpu.memory_space<vmem>> -> memref<40xi32, #tpu.memory_space<vmem>>
      %dma_wait3A_782 = arith.constant 0 : i32
      %dma_wait3A_783 = arith.constant 0 : i32
      %dma_wait3A_784 = tpu.memref_slice %arg2[%dma_wait3A_782, %dma_wait3A_783] : memref<10000x128xf32, #tpu.memory_space<hbm>> -> memref<10000x128xf32, #tpu.memory_space<hbm>>
      tpu.wait_indirect_dma semaphore(%arg12 : memref<!tpu.dma_semaphore, #tpu.memory_space<semaphore_mem>>) src(%dma_wait3A_784 : memref<10000x128xf32, #tpu.memory_space<hbm>>) dst(%dma_wait3A_778 : memref<40x128xf32, #tpu.memory_space<vmem>>)
      %dma_wait3A_785 = arith.constant 1 : i32
      %dma_wait3A_786 = arith.constant 1 : i32
      %dma_wait3A_787 = arith.constant 40 : i32
      %dma_wait3A_788 = arith.constant 0 : i32
      %dma_wait3A_789 = tpu.memref_slice %arg10[%dma_wait3A_787, %dma_wait3A_788] : memref<320x128xf32, #tpu.memory_space<vmem>> -> memref<40x128xf32, #tpu.memory_space<vmem>>
      %dma_wait3A_790 = arith.constant 0 : i32
      %dma_wait3A_791 = tpu.memref_slice %arg8[%dma_wait3A_785, %dma_wait3A_786, %dma_wait3A_790] : memref<2x8x40xi32, #tpu.memory_space<vmem>> -> memref<1x1x40xi32, #tpu.memory_space<vmem>>
      %dma_wait3A_792 = tpu.memref_squeeze %dma_wait3A_791 : memref<1x1x40xi32, #tpu.memory_space<vmem>> -> memref<40xi32, #tpu.memory_space<vmem>>
      %dma_wait3A_793 = arith.constant 0 : i32
      %dma_wait3A_794 = arith.constant 0 : i32
      %dma_wait3A_795 = tpu.memref_slice %arg2[%dma_wait3A_793, %dma_wait3A_794] : memref<10000x128xf32, #tpu.memory_space<hbm>> -> memref<10000x128xf32, #tpu.memory_space<hbm>>
      tpu.wait_indirect_dma semaphore(%arg12 : memref<!tpu.dma_semaphore, #tpu.memory_space<semaphore_mem>>) src(%dma_wait3A_795 : memref<10000x128xf32, #tpu.memory_space<hbm>>) dst(%dma_wait3A_789 : memref<40x128xf32, #tpu.memory_space<vmem>>)
      %dma_wait3A_796 = arith.constant 1 : i32
      %dma_wait3A_797 = arith.constant 2 : i32
      %dma_wait3A_798 = arith.constant 80 : i32
      %dma_wait3A_799 = arith.constant 0 : i32
      %dma_wait3A_800 = tpu.memref_slice %arg10[%dma_wait3A_798, %dma_wait3A_799] : memref<320x128xf32, #tpu.memory_space<vmem>> -> memref<40x128xf32, #tpu.memory_space<vmem>>
      %dma_wait3A_801 = arith.constant 0 : i32
      %dma_wait3A_802 = tpu.memref_slice %arg8[%dma_wait3A_796, %dma_wait3A_797, %dma_wait3A_801] : memref<2x8x40xi32, #tpu.memory_space<vmem>> -> memref<1x1x40xi32, #tpu.memory_space<vmem>>
      %dma_wait3A_803 = tpu.memref_squeeze %dma_wait3A_802 : memref<1x1x40xi32, #tpu.memory_space<vmem>> -> memref<40xi32, #tpu.memory_space<vmem>>
      %dma_wait3A_804 = arith.constant 0 : i32
      %dma_wait3A_805 = arith.constant 0 : i32
      %dma_wait3A_806 = tpu.memref_slice %arg2[%dma_wait3A_804, %dma_wait3A_805] : memref<10000x128xf32, #tpu.memory_space<hbm>> -> memref<10000x128xf32, #tpu.memory_space<hbm>>
      tpu.wait_indirect_dma semaphore(%arg12 : memref<!tpu.dma_semaphore, #tpu.memory_space<semaphore_mem>>) src(%dma_wait3A_806 : memref<10000x128xf32, #tpu.memory_space<hbm>>) dst(%dma_wait3A_800 : memref<40x128xf32, #tpu.memory_space<vmem>>)
      %dma_wait3A_807 = arith.constant 1 : i32
      %dma_wait3A_808 = arith.constant 3 : i32
      %dma_wait3A_809 = arith.constant 120 : i32
      %dma_wait3A_810 = arith.constant 0 : i32
      %dma_wait3A_811 = tpu.memref_slice %arg10[%dma_wait3A_809, %dma_wait3A_810] : memref<320x128xf32, #tpu.memory_space<vmem>> -> memref<40x128xf32, #tpu.memory_space<vmem>>
      %dma_wait3A_812 = arith.constant 0 : i32
      %dma_wait3A_813 = tpu.memref_slice %arg8[%dma_wait3A_807, %dma_wait3A_808, %dma_wait3A_812] : memref<2x8x40xi32, #tpu.memory_space<vmem>> -> memref<1x1x40xi32, #tpu.memory_space<vmem>>
      %dma_wait3A_814 = tpu.memref_squeeze %dma_wait3A_813 : memref<1x1x40xi32, #tpu.memory_space<vmem>> -> memref<40xi32, #tpu.memory_space<vmem>>
      %dma_wait3A_815 = arith.constant 0 : i32
      %dma_wait3A_816 = arith.constant 0 : i32
      %dma_wait3A_817 = tpu.memref_slice %arg2[%dma_wait3A_815, %dma_wait3A_816] : memref<10000x128xf32, #tpu.memory_space<hbm>> -> memref<10000x128xf32, #tpu.memory_space<hbm>>
      tpu.wait_indirect_dma semaphore(%arg12 : memref<!tpu.dma_semaphore, #tpu.memory_space<semaphore_mem>>) src(%dma_wait3A_817 : memref<10000x128xf32, #tpu.memory_space<hbm>>) dst(%dma_wait3A_811 : memref<40x128xf32, #tpu.memory_space<vmem>>)
      %dma_wait3A_818 = arith.constant 1 : i32
      %dma_wait3A_819 = arith.constant 4 : i32
      %dma_wait3A_820 = arith.constant 160 : i32
      %dma_wait3A_821 = arith.constant 0 : i32
      %dma_wait3A_822 = tpu.memref_slice %arg10[%dma_wait3A_820, %dma_wait3A_821] : memref<320x128xf32, #tpu.memory_space<vmem>> -> memref<40x128xf32, #tpu.memory_space<vmem>>
      %dma_wait3A_823 = arith.constant 0 : i32
      %dma_wait3A_824 = tpu.memref_slice %arg8[%dma_wait3A_818, %dma_wait3A_819, %dma_wait3A_823] : memref<2x8x40xi32, #tpu.memory_space<vmem>> -> memref<1x1x40xi32, #tpu.memory_space<vmem>>
      %dma_wait3A_825 = tpu.memref_squeeze %dma_wait3A_824 : memref<1x1x40xi32, #tpu.memory_space<vmem>> -> memref<40xi32, #tpu.memory_space<vmem>>
      %dma_wait3A_826 = arith.constant 0 : i32
      %dma_wait3A_827 = arith.constant 0 : i32
      %dma_wait3A_828 = tpu.memref_slice %arg2[%dma_wait3A_826, %dma_wait3A_827] : memref<10000x128xf32, #tpu.memory_space<hbm>> -> memref<10000x128xf32, #tpu.memory_space<hbm>>
      tpu.wait_indirect_dma semaphore(%arg12 : memref<!tpu.dma_semaphore, #tpu.memory_space<semaphore_mem>>) src(%dma_wait3A_828 : memref<10000x128xf32, #tpu.memory_space<hbm>>) dst(%dma_wait3A_822 : memref<40x128xf32, #tpu.memory_space<vmem>>)
      %dma_wait3A_829 = arith.constant 1 : i32
      %dma_wait3A_830 = arith.constant 5 : i32
      %dma_wait3A_831 = arith.constant 200 : i32
      %dma_wait3A_832 = arith.constant 0 : i32
      %dma_wait3A_833 = tpu.memref_slice %arg10[%dma_wait3A_831, %dma_wait3A_832] : memref<320x128xf32, #tpu.memory_space<vmem>> -> memref<40x128xf32, #tpu.memory_space<vmem>>
      %dma_wait3A_834 = arith.constant 0 : i32
      %dma_wait3A_835 = tpu.memref_slice %arg8[%dma_wait3A_829, %dma_wait3A_830, %dma_wait3A_834] : memref<2x8x40xi32, #tpu.memory_space<vmem>> -> memref<1x1x40xi32, #tpu.memory_space<vmem>>
      %dma_wait3A_836 = tpu.memref_squeeze %dma_wait3A_835 : memref<1x1x40xi32, #tpu.memory_space<vmem>> -> memref<40xi32, #tpu.memory_space<vmem>>
      %dma_wait3A_837 = arith.constant 0 : i32
      %dma_wait3A_838 = arith.constant 0 : i32
      %dma_wait3A_839 = tpu.memref_slice %arg2[%dma_wait3A_837, %dma_wait3A_838] : memref<10000x128xf32, #tpu.memory_space<hbm>> -> memref<10000x128xf32, #tpu.memory_space<hbm>>
      tpu.wait_indirect_dma semaphore(%arg12 : memref<!tpu.dma_semaphore, #tpu.memory_space<semaphore_mem>>) src(%dma_wait3A_839 : memref<10000x128xf32, #tpu.memory_space<hbm>>) dst(%dma_wait3A_833 : memref<40x128xf32, #tpu.memory_space<vmem>>)
      %dma_wait3A_840 = arith.constant 1 : i32
      %dma_wait3A_841 = arith.constant 6 : i32
      %dma_wait3A_842 = arith.constant 240 : i32
      %dma_wait3A_843 = arith.constant 0 : i32
      %dma_wait3A_844 = tpu.memref_slice %arg10[%dma_wait3A_842, %dma_wait3A_843] : memref<320x128xf32, #tpu.memory_space<vmem>> -> memref<40x128xf32, #tpu.memory_space<vmem>>
      %dma_wait3A_845 = arith.constant 0 : i32
      %dma_wait3A_846 = tpu.memref_slice %arg8[%dma_wait3A_840, %dma_wait3A_841, %dma_wait3A_845] : memref<2x8x40xi32, #tpu.memory_space<vmem>> -> memref<1x1x40xi32, #tpu.memory_space<vmem>>
      %dma_wait3A_847 = tpu.memref_squeeze %dma_wait3A_846 : memref<1x1x40xi32, #tpu.memory_space<vmem>> -> memref<40xi32, #tpu.memory_space<vmem>>
      %dma_wait3A_848 = arith.constant 0 : i32
      %dma_wait3A_849 = arith.constant 0 : i32
      %dma_wait3A_850 = tpu.memref_slice %arg2[%dma_wait3A_848, %dma_wait3A_849] : memref<10000x128xf32, #tpu.memory_space<hbm>> -> memref<10000x128xf32, #tpu.memory_space<hbm>>
      tpu.wait_indirect_dma semaphore(%arg12 : memref<!tpu.dma_semaphore, #tpu.memory_space<semaphore_mem>>) src(%dma_wait3A_850 : memref<10000x128xf32, #tpu.memory_space<hbm>>) dst(%dma_wait3A_844 : memref<40x128xf32, #tpu.memory_space<vmem>>)
      %dma_wait3A_851 = arith.constant 1 : i32
      %dma_wait3A_852 = arith.constant 7 : i32
      %dma_wait3A_853 = arith.constant 280 : i32
      %dma_wait3A_854 = arith.constant 0 : i32
      %dma_wait3A_855 = tpu.memref_slice %arg10[%dma_wait3A_853, %dma_wait3A_854] : memref<320x128xf32, #tpu.memory_space<vmem>> -> memref<40x128xf32, #tpu.memory_space<vmem>>
      %dma_wait3A_856 = arith.constant 0 : i32
      %dma_wait3A_857 = tpu.memref_slice %arg8[%dma_wait3A_851, %dma_wait3A_852, %dma_wait3A_856] : memref<2x8x40xi32, #tpu.memory_space<vmem>> -> memref<1x1x40xi32, #tpu.memory_space<vmem>>
      %dma_wait3A_858 = tpu.memref_squeeze %dma_wait3A_857 : memref<1x1x40xi32, #tpu.memory_space<vmem>> -> memref<40xi32, #tpu.memory_space<vmem>>
      %dma_wait3A_859 = arith.constant 0 : i32
      %dma_wait3A_860 = arith.constant 0 : i32
      %dma_wait3A_861 = tpu.memref_slice %arg2[%dma_wait3A_859, %dma_wait3A_860] : memref<10000x128xf32, #tpu.memory_space<hbm>> -> memref<10000x128xf32, #tpu.memory_space<hbm>>
      tpu.wait_indirect_dma semaphore(%arg12 : memref<!tpu.dma_semaphore, #tpu.memory_space<semaphore_mem>>) src(%dma_wait3A_861 : memref<10000x128xf32, #tpu.memory_space<hbm>>) dst(%dma_wait3A_855 : memref<40x128xf32, #tpu.memory_space<vmem>>)
      %dma_start3A_862 = arith.constant 0 : i32
      %dma_start3A_863 = tpu.memref_slice %arg6[%mul3A_495, %dma_start3A_862] : memref<327680x128xf32, #tpu.memory_space<hbm>> -> memref<320x128xf32, #tpu.memory_space<hbm>>
      %dma_start3A_864 = arith.constant 0 : i32
      %dma_start3A_865 = tpu.memref_slice %arg6[%mul3A_495, %dma_start3A_864] : memref<327680x128xf32, #tpu.memory_space<hbm>> -> memref<320x128xf32, #tpu.memory_space<hbm>>
      tpu.enqueue_dma source(%arg10 : memref<320x128xf32, #tpu.memory_space<vmem>>) target(%dma_start3A_865 : memref<320x128xf32, #tpu.memory_space<hbm>>) target_semaphore(%arg14 : memref<!tpu.dma_semaphore, #tpu.memory_space<semaphore_mem>>)
    }
    %scan3A_33 = arith.constant 16 : i32
    %dma_wait3A = arith.constant 0 : i32
    %dma_wait3A_34 = arith.constant 0 : i32
    %dma_wait3A_35 = tpu.memref_slice %arg5[%dma_wait3A, %dma_wait3A_34] : memref<327680x128xf32, #tpu.memory_space<hbm>> -> memref<320x128xf32, #tpu.memory_space<hbm>>
    %dma_wait3A_36 = arith.constant 0 : i32
    %dma_wait3A_37 = arith.constant 0 : i32
    %dma_wait3A_38 = tpu.memref_slice %arg5[%dma_wait3A_36, %dma_wait3A_37] : memref<327680x128xf32, #tpu.memory_space<hbm>> -> memref<320x128xf32, #tpu.memory_space<hbm>>
    tpu.wait_dma2 semaphore(%arg13 : memref<!tpu.dma_semaphore, #tpu.memory_space<semaphore_mem>>) src(%arg9 : memref<320x128xf32, #tpu.memory_space<vmem>>) dst(%dma_wait3A_38 : memref<320x128xf32, #tpu.memory_space<hbm>>)
    %dma_wait3A_39 = arith.constant 0 : i32
    %dma_wait3A_40 = arith.constant 0 : i32
    %dma_wait3A_41 = tpu.memref_slice %arg6[%dma_wait3A_39, %dma_wait3A_40] : memref<327680x128xf32, #tpu.memory_space<hbm>> -> memref<320x128xf32, #tpu.memory_space<hbm>>
    %dma_wait3A_42 = arith.constant 0 : i32
    %dma_wait3A_43 = arith.constant 0 : i32
    %dma_wait3A_44 = tpu.memref_slice %arg6[%dma_wait3A_42, %dma_wait3A_43] : memref<327680x128xf32, #tpu.memory_space<hbm>> -> memref<320x128xf32, #tpu.memory_space<hbm>>
    tpu.wait_dma2 semaphore(%arg14 : memref<!tpu.dma_semaphore, #tpu.memory_space<semaphore_mem>>) src(%arg10 : memref<320x128xf32, #tpu.memory_space<vmem>>) dst(%dma_wait3A_44 : memref<320x128xf32, #tpu.memory_space<hbm>>)
    return
  }
}

module attributes {stable_mosaic.version = 14 : i64} {
  func.func @body(%arg0: i32, %arg1: memref<2048x128xf32, #tpu.memory_space<vmem>>, %arg2: memref<2048x128xf32, #tpu.memory_space<vmem>>, %arg3: memref<2048x16xf32, #tpu.memory_space<vmem>>, %arg4: memref<128x256xbf16, #tpu.memory_space<vmem>>, %arg5: memref<128x256xbf16, #tpu.memory_space<vmem>>, %arg6: memref<16x256xbf16, #tpu.memory_space<vmem>>, %arg7: memref<1x256xf32, #tpu.memory_space<vmem>>, %arg8: memref<256x256xbf16, #tpu.memory_space<vmem>>, %arg9: memref<1x256xf32, #tpu.memory_space<vmem>>, %arg10: memref<1x256xf32, #tpu.memory_space<vmem>>, %arg11: memref<1x256xf32, #tpu.memory_space<vmem>>, %arg12: memref<2048x256xf32, #tpu.memory_space<vmem>>) attributes {dimension_semantics = [#tpu.dimension_semantics<arbitrary>], iteration_bounds = array<i64: 160>, scalar_prefetch = 0 : i64, scratch_operands = 0 : i64, tpu.core_type = #tpu.core_type<tc>, window_params = [{transform_indices = @transform_0, window_bounds = array<i64: 2048, 128>}, {transform_indices = @transform_1, window_bounds = array<i64: 2048, 128>}, {transform_indices = @transform_2, window_bounds = array<i64: 2048, 16>}, {pipeline_mode = #tpu.pipeline_mode<synchronous>, transform_indices = @transform_3, window_bounds = array<i64: 128, 256>}, {pipeline_mode = #tpu.pipeline_mode<synchronous>, transform_indices = @transform_4, window_bounds = array<i64: 128, 256>}, {pipeline_mode = #tpu.pipeline_mode<synchronous>, transform_indices = @transform_5, window_bounds = array<i64: 16, 256>}, {pipeline_mode = #tpu.pipeline_mode<synchronous>, transform_indices = @transform_6, window_bounds = array<i64: 1, 256>}, {pipeline_mode = #tpu.pipeline_mode<synchronous>, transform_indices = @transform_7, window_bounds = array<i64: 256, 256>}, {pipeline_mode = #tpu.pipeline_mode<synchronous>, transform_indices = @transform_8, window_bounds = array<i64: 1, 256>}, {pipeline_mode = #tpu.pipeline_mode<synchronous>, transform_indices = @transform_9, window_bounds = array<i64: 1, 256>}, {pipeline_mode = #tpu.pipeline_mode<synchronous>, transform_indices = @transform_10, window_bounds = array<i64: 1, 256>}, {transform_indices = @transform_11, window_bounds = array<i64: 2048, 256>}]} {
    %get3A = arith.constant 0 : index
    %get3A_0 = arith.constant 0 : index
    %get3A_1 = vector.load %arg1[%get3A, %get3A_0] : memref<2048x128xf32, #tpu.memory_space<vmem>>, vector<2048x128xf32>
    %convert_element_type3A = arith.truncf %get3A_1 : vector<2048x128xf32> to vector<2048x128xbf16>
    %get3A_2 = arith.constant 0 : index
    %get3A_3 = arith.constant 0 : index
    %get3A_4 = vector.load %arg4[%get3A_2, %get3A_3] : memref<128x256xbf16, #tpu.memory_space<vmem>>, vector<128x256xbf16>
    %dot_general3A = arith.constant dense<0.000000e+00> : vector<2048x256xf32>
    %dot_general3A_5 = tpu.matmul %convert_element_type3A, %get3A_4, %dot_general3A {dimension_numbers = #tpu.dot_dimension_numbers<[1], [0], [0], [1], [0, 0, 1, 1], [], []>, transpose_lhs_hint = false} : vector<2048x128xbf16>, vector<128x256xbf16>, vector<2048x256xf32> -> vector<2048x256xf32>
    %get3A_6 = arith.constant 0 : index
    %get3A_7 = arith.constant 0 : index
    %get3A_8 = vector.load %arg2[%get3A_6, %get3A_7] : memref<2048x128xf32, #tpu.memory_space<vmem>>, vector<2048x128xf32>
    %convert_element_type3A_9 = arith.truncf %get3A_8 : vector<2048x128xf32> to vector<2048x128xbf16>
    %get3A_10 = arith.constant 0 : index
    %get3A_11 = arith.constant 0 : index
    %get3A_12 = vector.load %arg5[%get3A_10, %get3A_11] : memref<128x256xbf16, #tpu.memory_space<vmem>>, vector<128x256xbf16>
    %dot_general3A_13 = arith.constant dense<0.000000e+00> : vector<2048x256xf32>
    %dot_general3A_14 = tpu.matmul %convert_element_type3A_9, %get3A_12, %dot_general3A_13 {dimension_numbers = #tpu.dot_dimension_numbers<[1], [0], [0], [1], [0, 0, 1, 1], [], []>, transpose_lhs_hint = false} : vector<2048x128xbf16>, vector<128x256xbf16>, vector<2048x256xf32> -> vector<2048x256xf32>
    %add3A = arith.addf %dot_general3A_5, %dot_general3A_14 : vector<2048x256xf32>
    %get3A_15 = arith.constant 0 : index
    %get3A_16 = arith.constant 0 : index
    %get3A_17 = vector.load %arg3[%get3A_15, %get3A_16] : memref<2048x16xf32, #tpu.memory_space<vmem>>, vector<2048x16xf32>
    %convert_element_type3A_18 = arith.truncf %get3A_17 : vector<2048x16xf32> to vector<2048x16xbf16>
    %get3A_19 = arith.constant 0 : index
    %get3A_20 = arith.constant 0 : index
    %get3A_21 = vector.load %arg6[%get3A_19, %get3A_20] : memref<16x256xbf16, #tpu.memory_space<vmem>>, vector<16x256xbf16>
    %dot_general3A_22 = arith.constant dense<0.000000e+00> : vector<2048x256xf32>
    %dot_general3A_23 = tpu.matmul %convert_element_type3A_18, %get3A_21, %dot_general3A_22 {dimension_numbers = #tpu.dot_dimension_numbers<[1], [0], [0], [1], [0, 0, 1, 1], [], []>, transpose_lhs_hint = false} : vector<2048x16xbf16>, vector<16x256xbf16>, vector<2048x256xf32> -> vector<2048x256xf32>
    %add3A_24 = arith.addf %add3A, %dot_general3A_23 : vector<2048x256xf32>
    %get3A_25 = arith.constant 0 : index
    %get3A_26 = arith.constant 0 : index
    %get3A_27 = vector.load %arg7[%get3A_25, %get3A_26] : memref<1x256xf32, #tpu.memory_space<vmem>>, vector<1x256xf32>
    %add3A_28 = vector.broadcast %get3A_27 : vector<1x256xf32> to vector<2048x256xf32>
    %add3A_29 = arith.addf %add3A_24, %add3A_28 : vector<2048x256xf32>
    %logistic3A = arith.negf %add3A_29 : vector<2048x256xf32>
    %logistic3A_30 = math.exp %logistic3A : vector<2048x256xf32>
    %logistic3A_31 = arith.constant 1.000000e+00 : f32
    %logistic3A_32 = vector.broadcast %logistic3A_31 : f32 to vector<2048x256xf32>
    %logistic3A_33 = arith.addf %logistic3A_32, %logistic3A_30 : vector<2048x256xf32>
    %logistic3A_34 = arith.divf %logistic3A_32, %logistic3A_33 : vector<2048x256xf32>
    %mul3A = arith.mulf %add3A_29, %logistic3A_34 : vector<2048x256xf32>
    %convert_element_type3A_35 = arith.truncf %mul3A : vector<2048x256xf32> to vector<2048x256xbf16>
    %get3A_36 = arith.constant 0 : index
    %get3A_37 = arith.constant 0 : index
    %get3A_38 = vector.load %arg8[%get3A_36, %get3A_37] : memref<256x256xbf16, #tpu.memory_space<vmem>>, vector<256x256xbf16>
    %dot_general3A_39 = arith.constant dense<0.000000e+00> : vector<2048x256xf32>
    %dot_general3A_40 = tpu.matmul %convert_element_type3A_35, %get3A_38, %dot_general3A_39 {dimension_numbers = #tpu.dot_dimension_numbers<[1], [0], [0], [1], [0, 0, 1, 1], [], []>, transpose_lhs_hint = false} : vector<2048x256xbf16>, vector<256x256xbf16>, vector<2048x256xf32> -> vector<2048x256xf32>
    %get3A_41 = arith.constant 0 : index
    %get3A_42 = arith.constant 0 : index
    %get3A_43 = vector.load %arg9[%get3A_41, %get3A_42] : memref<1x256xf32, #tpu.memory_space<vmem>>, vector<1x256xf32>
    %add3A_44 = vector.broadcast %get3A_43 : vector<1x256xf32> to vector<2048x256xf32>
    %add3A_45 = arith.addf %dot_general3A_40, %add3A_44 : vector<2048x256xf32>
    %get3A_46 = arith.constant 0 : index
    %get3A_47 = arith.constant 0 : index
    %get3A_48 = vector.load %arg10[%get3A_46, %get3A_47] : memref<1x256xf32, #tpu.memory_space<vmem>>, vector<1x256xf32>
    %get3A_49 = arith.constant 0 : index
    %get3A_50 = arith.constant 0 : index
    %get3A_51 = vector.load %arg11[%get3A_49, %get3A_50] : memref<1x256xf32, #tpu.memory_space<vmem>>, vector<1x256xf32>
    %reduce_sum3A = arith.constant dense<0.000000e+00> : vector<2048xf32>
    %reduce_sum3A_52 = vector.multi_reduction <add>, %add3A_45, %reduce_sum3A [1] : vector<2048x256xf32> to vector<2048xf32>
    %broadcast_in_dim3A = vector.shape_cast %reduce_sum3A_52 : vector<2048xf32> to vector<2048x1xf32>
    %div3A = arith.constant 2.560000e+02 : f32
    %div3A_53 = vector.broadcast %div3A : f32 to vector<2048x1xf32>
    %div3A_54 = arith.divf %broadcast_in_dim3A, %div3A_53 : vector<2048x1xf32>
    %sub3A = vector.broadcast %div3A_54 : vector<2048x1xf32> to vector<2048x256xf32>
    %sub3A_55 = arith.subf %add3A_45, %sub3A : vector<2048x256xf32>
    %integer_pow3A = arith.mulf %sub3A_55, %sub3A_55 : vector<2048x256xf32>
    %reduce_sum3A_56 = arith.constant dense<0.000000e+00> : vector<2048xf32>
    %reduce_sum3A_57 = vector.multi_reduction <add>, %integer_pow3A, %reduce_sum3A_56 [1] : vector<2048x256xf32> to vector<2048xf32>
    %broadcast_in_dim3A_58 = vector.shape_cast %reduce_sum3A_57 : vector<2048xf32> to vector<2048x1xf32>
    %div3A_59 = arith.constant 2.560000e+02 : f32
    %div3A_60 = vector.broadcast %div3A_59 : f32 to vector<2048x1xf32>
    %div3A_61 = arith.divf %broadcast_in_dim3A_58, %div3A_60 : vector<2048x1xf32>
    %sub3A_62 = vector.broadcast %div3A_54 : vector<2048x1xf32> to vector<2048x256xf32>
    %sub3A_63 = arith.subf %add3A_45, %sub3A_62 : vector<2048x256xf32>
    %add3A_64 = arith.constant 9.99999974E-6 : f32
    %add3A_65 = vector.broadcast %add3A_64 : f32 to vector<2048x1xf32>
    %add3A_66 = arith.addf %div3A_61, %add3A_65 : vector<2048x1xf32>
    %rsqrt3A = math.rsqrt %add3A_66 : vector<2048x1xf32>
    %mul3A_67 = vector.broadcast %rsqrt3A : vector<2048x1xf32> to vector<2048x256xf32>
    %mul3A_68 = arith.mulf %sub3A_63, %mul3A_67 : vector<2048x256xf32>
    %mul3A_69 = vector.broadcast %get3A_48 : vector<1x256xf32> to vector<2048x256xf32>
    %mul3A_70 = arith.mulf %mul3A_68, %mul3A_69 : vector<2048x256xf32>
    %add3A_71 = vector.broadcast %get3A_51 : vector<1x256xf32> to vector<2048x256xf32>
    %add3A_72 = arith.addf %mul3A_70, %add3A_71 : vector<2048x256xf32>
    %swap3A = arith.constant 0 : index
    %swap3A_73 = arith.constant 0 : index
    %swap3A_74 = vector.load %arg12[%swap3A, %swap3A_73] : memref<2048x256xf32, #tpu.memory_space<vmem>>, vector<2048x256xf32>
    tpu.vector_store %arg12[%swap3A, %swap3A_73], %add3A_72 {strides = array<i32>} : memref<2048x256xf32, #tpu.memory_space<vmem>>, vector<2048x256xf32>,
    return
  }
  func.func @transform_0(%arg0: i32) -> (i32, i32) {
    %c0_i32 = arith.constant 0 : i32
    %c0_i32_0 = arith.constant 0 : i32
    return %arg0, %c0_i32 : i32, i32
  }
  func.func @transform_1(%arg0: i32) -> (i32, i32) {
    %c0_i32 = arith.constant 0 : i32
    %c0_i32_0 = arith.constant 0 : i32
    return %arg0, %c0_i32 : i32, i32
  }
  func.func @transform_2(%arg0: i32) -> (i32, i32) {
    %c0_i32 = arith.constant 0 : i32
    %c0_i32_0 = arith.constant 0 : i32
    return %arg0, %c0_i32 : i32, i32
  }
  func.func @transform_3(%arg0: i32) -> (i32, i32) {
    %c0_i32 = arith.constant 0 : i32
    %c0_i32_0 = arith.constant 0 : i32
    %c0_i32_1 = arith.constant 0 : i32
    return %c0_i32, %c0_i32_0 : i32, i32
  }
  func.func @transform_4(%arg0: i32) -> (i32, i32) {
    %c0_i32 = arith.constant 0 : i32
    %c0_i32_0 = arith.constant 0 : i32
    %c0_i32_1 = arith.constant 0 : i32
    return %c0_i32, %c0_i32_0 : i32, i32
  }
  func.func @transform_5(%arg0: i32) -> (i32, i32) {
    %c0_i32 = arith.constant 0 : i32
    %c0_i32_0 = arith.constant 0 : i32
    %c0_i32_1 = arith.constant 0 : i32
    return %c0_i32, %c0_i32_0 : i32, i32
  }
  func.func @transform_6(%arg0: i32) -> (i32, i32) {
    %c0_i32 = arith.constant 0 : i32
    %c0_i32_0 = arith.constant 0 : i32
    %c0_i32_1 = arith.constant 0 : i32
    return %c0_i32, %c0_i32_0 : i32, i32
  }
  func.func @transform_7(%arg0: i32) -> (i32, i32) {
    %c0_i32 = arith.constant 0 : i32
    %c0_i32_0 = arith.constant 0 : i32
    %c0_i32_1 = arith.constant 0 : i32
    return %c0_i32, %c0_i32_0 : i32, i32
  }
  func.func @transform_8(%arg0: i32) -> (i32, i32) {
    %c0_i32 = arith.constant 0 : i32
    %c0_i32_0 = arith.constant 0 : i32
    %c0_i32_1 = arith.constant 0 : i32
    return %c0_i32, %c0_i32_0 : i32, i32
  }
  func.func @transform_9(%arg0: i32) -> (i32, i32) {
    %c0_i32 = arith.constant 0 : i32
    %c0_i32_0 = arith.constant 0 : i32
    %c0_i32_1 = arith.constant 0 : i32
    return %c0_i32, %c0_i32_0 : i32, i32
  }
  func.func @transform_10(%arg0: i32) -> (i32, i32) {
    %c0_i32 = arith.constant 0 : i32
    %c0_i32_0 = arith.constant 0 : i32
    %c0_i32_1 = arith.constant 0 : i32
    return %c0_i32, %c0_i32_0 : i32, i32
  }
  func.func @transform_11(%arg0: i32) -> (i32, i32) {
    %c0_i32 = arith.constant 0 : i32
    %c0_i32_0 = arith.constant 0 : i32
    return %arg0, %c0_i32 : i32, i32
  }
}

module attributes {stable_mosaic.version = 14 : i64} {
  func.func @body(%arg0: i32, %arg1: memref<1000x128xf32, #tpu.memory_space<vmem>>, %arg2: memref<1000x256xf32, #tpu.memory_space<vmem>>, %arg3: memref<128x256xbf16, #tpu.memory_space<vmem>>, %arg4: memref<256x256xbf16, #tpu.memory_space<vmem>>, %arg5: memref<1x256xf32, #tpu.memory_space<vmem>>, %arg6: memref<256x128xbf16, #tpu.memory_space<vmem>>, %arg7: memref<1x128xf32, #tpu.memory_space<vmem>>, %arg8: memref<1x128xf32, #tpu.memory_space<vmem>>, %arg9: memref<1x128xf32, #tpu.memory_space<vmem>>, %arg10: memref<1000x128xf32, #tpu.memory_space<vmem>>) attributes {dimension_semantics = [#tpu.dimension_semantics<arbitrary>], iteration_bounds = array<i64: 10>, scalar_prefetch = 0 : i64, scratch_operands = 0 : i64, tpu.core_type = #tpu.core_type<tc>, window_params = [{transform_indices = @transform_0, window_bounds = array<i64: 1000, 128>}, {transform_indices = @transform_1, window_bounds = array<i64: 1000, 256>}, {pipeline_mode = #tpu.pipeline_mode<synchronous>, transform_indices = @transform_2, window_bounds = array<i64: 128, 256>}, {pipeline_mode = #tpu.pipeline_mode<synchronous>, transform_indices = @transform_3, window_bounds = array<i64: 256, 256>}, {pipeline_mode = #tpu.pipeline_mode<synchronous>, transform_indices = @transform_4, window_bounds = array<i64: 1, 256>}, {pipeline_mode = #tpu.pipeline_mode<synchronous>, transform_indices = @transform_5, window_bounds = array<i64: 256, 128>}, {pipeline_mode = #tpu.pipeline_mode<synchronous>, transform_indices = @transform_6, window_bounds = array<i64: 1, 128>}, {pipeline_mode = #tpu.pipeline_mode<synchronous>, transform_indices = @transform_7, window_bounds = array<i64: 1, 128>}, {pipeline_mode = #tpu.pipeline_mode<synchronous>, transform_indices = @transform_8, window_bounds = array<i64: 1, 128>}, {transform_indices = @transform_9, window_bounds = array<i64: 1000, 128>}]} {
    %get3A = arith.constant 0 : index
    %get3A_0 = arith.constant 0 : index
    %get3A_1 = vector.load %arg1[%get3A, %get3A_0] : memref<1000x128xf32, #tpu.memory_space<vmem>>, vector<1000x128xf32>
    %convert_element_type3A = arith.truncf %get3A_1 : vector<1000x128xf32> to vector<1000x128xbf16>
    %get3A_2 = arith.constant 0 : index
    %get3A_3 = arith.constant 0 : index
    %get3A_4 = vector.load %arg3[%get3A_2, %get3A_3] : memref<128x256xbf16, #tpu.memory_space<vmem>>, vector<128x256xbf16>
    %dot_general3A = arith.constant dense<0.000000e+00> : vector<1000x256xf32>
    %dot_general3A_5 = tpu.matmul %convert_element_type3A, %get3A_4, %dot_general3A {dimension_numbers = #tpu.dot_dimension_numbers<[1], [0], [0], [1], [0, 0, 1, 1], [], []>, transpose_lhs_hint = false} : vector<1000x128xbf16>, vector<128x256xbf16>, vector<1000x256xf32> -> vector<1000x256xf32>
    %get3A_6 = arith.constant 0 : index
    %get3A_7 = arith.constant 0 : index
    %get3A_8 = vector.load %arg2[%get3A_6, %get3A_7] : memref<1000x256xf32, #tpu.memory_space<vmem>>, vector<1000x256xf32>
    %convert_element_type3A_9 = arith.truncf %get3A_8 : vector<1000x256xf32> to vector<1000x256xbf16>
    %get3A_10 = arith.constant 0 : index
    %get3A_11 = arith.constant 0 : index
    %get3A_12 = vector.load %arg4[%get3A_10, %get3A_11] : memref<256x256xbf16, #tpu.memory_space<vmem>>, vector<256x256xbf16>
    %dot_general3A_13 = arith.constant dense<0.000000e+00> : vector<1000x256xf32>
    %dot_general3A_14 = tpu.matmul %convert_element_type3A_9, %get3A_12, %dot_general3A_13 {dimension_numbers = #tpu.dot_dimension_numbers<[1], [0], [0], [1], [0, 0, 1, 1], [], []>, transpose_lhs_hint = false} : vector<1000x256xbf16>, vector<256x256xbf16>, vector<1000x256xf32> -> vector<1000x256xf32>
    %add3A = arith.addf %dot_general3A_5, %dot_general3A_14 : vector<1000x256xf32>
    %get3A_15 = arith.constant 0 : index
    %get3A_16 = arith.constant 0 : index
    %get3A_17 = vector.load %arg5[%get3A_15, %get3A_16] : memref<1x256xf32, #tpu.memory_space<vmem>>, vector<1x256xf32>
    %add3A_18 = vector.broadcast %get3A_17 : vector<1x256xf32> to vector<1000x256xf32>
    %add3A_19 = arith.addf %add3A, %add3A_18 : vector<1000x256xf32>
    %logistic3A = arith.negf %add3A_19 : vector<1000x256xf32>
    %logistic3A_20 = math.exp %logistic3A : vector<1000x256xf32>
    %logistic3A_21 = arith.constant 1.000000e+00 : f32
    %logistic3A_22 = vector.broadcast %logistic3A_21 : f32 to vector<1000x256xf32>
    %logistic3A_23 = arith.addf %logistic3A_22, %logistic3A_20 : vector<1000x256xf32>
    %logistic3A_24 = arith.divf %logistic3A_22, %logistic3A_23 : vector<1000x256xf32>
    %mul3A = arith.mulf %add3A_19, %logistic3A_24 : vector<1000x256xf32>
    %convert_element_type3A_25 = arith.truncf %mul3A : vector<1000x256xf32> to vector<1000x256xbf16>
    %get3A_26 = arith.constant 0 : index
    %get3A_27 = arith.constant 0 : index
    %get3A_28 = vector.load %arg6[%get3A_26, %get3A_27] : memref<256x128xbf16, #tpu.memory_space<vmem>>, vector<256x128xbf16>
    %dot_general3A_29 = arith.constant dense<0.000000e+00> : vector<1000x128xf32>
    %dot_general3A_30 = tpu.matmul %convert_element_type3A_25, %get3A_28, %dot_general3A_29 {dimension_numbers = #tpu.dot_dimension_numbers<[1], [0], [0], [1], [0, 0, 1, 1], [], []>, transpose_lhs_hint = false} : vector<1000x256xbf16>, vector<256x128xbf16>, vector<1000x128xf32> -> vector<1000x128xf32>
    %get3A_31 = arith.constant 0 : index
    %get3A_32 = arith.constant 0 : index
    %get3A_33 = vector.load %arg7[%get3A_31, %get3A_32] : memref<1x128xf32, #tpu.memory_space<vmem>>, vector<1x128xf32>
    %add3A_34 = vector.broadcast %get3A_33 : vector<1x128xf32> to vector<1000x128xf32>
    %add3A_35 = arith.addf %dot_general3A_30, %add3A_34 : vector<1000x128xf32>
    %get3A_36 = arith.constant 0 : index
    %get3A_37 = arith.constant 0 : index
    %get3A_38 = vector.load %arg1[%get3A_36, %get3A_37] : memref<1000x128xf32, #tpu.memory_space<vmem>>, vector<1000x128xf32>
    %get3A_39 = arith.constant 0 : index
    %get3A_40 = arith.constant 0 : index
    %get3A_41 = vector.load %arg8[%get3A_39, %get3A_40] : memref<1x128xf32, #tpu.memory_space<vmem>>, vector<1x128xf32>
    %get3A_42 = arith.constant 0 : index
    %get3A_43 = arith.constant 0 : index
    %get3A_44 = vector.load %arg9[%get3A_42, %get3A_43] : memref<1x128xf32, #tpu.memory_space<vmem>>, vector<1x128xf32>
    %reduce_sum3A = arith.constant dense<0.000000e+00> : vector<1000xf32>
    %reduce_sum3A_45 = vector.multi_reduction <add>, %add3A_35, %reduce_sum3A [1] : vector<1000x128xf32> to vector<1000xf32>
    %broadcast_in_dim3A = vector.shape_cast %reduce_sum3A_45 : vector<1000xf32> to vector<1000x1xf32>
    %div3A = arith.constant 1.280000e+02 : f32
    %div3A_46 = vector.broadcast %div3A : f32 to vector<1000x1xf32>
    %div3A_47 = arith.divf %broadcast_in_dim3A, %div3A_46 : vector<1000x1xf32>
    %sub3A = vector.broadcast %div3A_47 : vector<1000x1xf32> to vector<1000x128xf32>
    %sub3A_48 = arith.subf %add3A_35, %sub3A : vector<1000x128xf32>
    %integer_pow3A = arith.mulf %sub3A_48, %sub3A_48 : vector<1000x128xf32>
    %reduce_sum3A_49 = arith.constant dense<0.000000e+00> : vector<1000xf32>
    %reduce_sum3A_50 = vector.multi_reduction <add>, %integer_pow3A, %reduce_sum3A_49 [1] : vector<1000x128xf32> to vector<1000xf32>
    %broadcast_in_dim3A_51 = vector.shape_cast %reduce_sum3A_50 : vector<1000xf32> to vector<1000x1xf32>
    %div3A_52 = arith.constant 1.280000e+02 : f32
    %div3A_53 = vector.broadcast %div3A_52 : f32 to vector<1000x1xf32>
    %div3A_54 = arith.divf %broadcast_in_dim3A_51, %div3A_53 : vector<1000x1xf32>
    %sub3A_55 = vector.broadcast %div3A_47 : vector<1000x1xf32> to vector<1000x128xf32>
    %sub3A_56 = arith.subf %add3A_35, %sub3A_55 : vector<1000x128xf32>
    %add3A_57 = arith.constant 9.99999974E-6 : f32
    %add3A_58 = vector.broadcast %add3A_57 : f32 to vector<1000x1xf32>
    %add3A_59 = arith.addf %div3A_54, %add3A_58 : vector<1000x1xf32>
    %rsqrt3A = math.rsqrt %add3A_59 : vector<1000x1xf32>
    %mul3A_60 = vector.broadcast %rsqrt3A : vector<1000x1xf32> to vector<1000x128xf32>
    %mul3A_61 = arith.mulf %sub3A_56, %mul3A_60 : vector<1000x128xf32>
    %mul3A_62 = vector.broadcast %get3A_41 : vector<1x128xf32> to vector<1000x128xf32>
    %mul3A_63 = arith.mulf %mul3A_61, %mul3A_62 : vector<1000x128xf32>
    %add3A_64 = vector.broadcast %get3A_44 : vector<1x128xf32> to vector<1000x128xf32>
    %add3A_65 = arith.addf %mul3A_63, %add3A_64 : vector<1000x128xf32>
    %add3A_66 = arith.addf %get3A_38, %add3A_65 : vector<1000x128xf32>
    %swap3A = arith.constant 0 : index
    %swap3A_67 = arith.constant 0 : index
    %swap3A_68 = vector.load %arg10[%swap3A, %swap3A_67] : memref<1000x128xf32, #tpu.memory_space<vmem>>, vector<1000x128xf32>
    tpu.vector_store %arg10[%swap3A, %swap3A_67], %add3A_66 {strides = array<i32>} : memref<1000x128xf32, #tpu.memory_space<vmem>>, vector<1000x128xf32>,
    return
  }
  func.func @transform_0(%arg0: i32) -> (i32, i32) {
    %c0_i32 = arith.constant 0 : i32
    %c0_i32_0 = arith.constant 0 : i32
    return %arg0, %c0_i32 : i32, i32
  }
  func.func @transform_1(%arg0: i32) -> (i32, i32) {
    %c0_i32 = arith.constant 0 : i32
    %c0_i32_0 = arith.constant 0 : i32
    return %arg0, %c0_i32 : i32, i32
  }
  func.func @transform_2(%arg0: i32) -> (i32, i32) {
    %c0_i32 = arith.constant 0 : i32
    %c0_i32_0 = arith.constant 0 : i32
    %c0_i32_1 = arith.constant 0 : i32
    return %c0_i32, %c0_i32_0 : i32, i32
  }
  func.func @transform_3(%arg0: i32) -> (i32, i32) {
    %c0_i32 = arith.constant 0 : i32
    %c0_i32_0 = arith.constant 0 : i32
    %c0_i32_1 = arith.constant 0 : i32
    return %c0_i32, %c0_i32_0 : i32, i32
  }
  func.func @transform_4(%arg0: i32) -> (i32, i32) {
    %c0_i32 = arith.constant 0 : i32
    %c0_i32_0 = arith.constant 0 : i32
    %c0_i32_1 = arith.constant 0 : i32
    return %c0_i32, %c0_i32_0 : i32, i32
  }
  func.func @transform_5(%arg0: i32) -> (i32, i32) {
    %c0_i32 = arith.constant 0 : i32
    %c0_i32_0 = arith.constant 0 : i32
    %c0_i32_1 = arith.constant 0 : i32
    return %c0_i32, %c0_i32_0 : i32, i32
  }
  func.func @transform_6(%arg0: i32) -> (i32, i32) {
    %c0_i32 = arith.constant 0 : i32
    %c0_i32_0 = arith.constant 0 : i32
    %c0_i32_1 = arith.constant 0 : i32
    return %c0_i32, %c0_i32_0 : i32, i32
  }
  func.func @transform_7(%arg0: i32) -> (i32, i32) {
    %c0_i32 = arith.constant 0 : i32
    %c0_i32_0 = arith.constant 0 : i32
    %c0_i32_1 = arith.constant 0 : i32
    return %c0_i32, %c0_i32_0 : i32, i32
  }
  func.func @transform_8(%arg0: i32) -> (i32, i32) {
    %c0_i32 = arith.constant 0 : i32
    %c0_i32_0 = arith.constant 0 : i32
    %c0_i32_1 = arith.constant 0 : i32
    return %c0_i32, %c0_i32_0 : i32, i32
  }
  func.func @transform_9(%arg0: i32) -> (i32, i32) {
    %c0_i32 = arith.constant 0 : i32
    %c0_i32_0 = arith.constant 0 : i32
    return %arg0, %c0_i32 : i32, i32
  }
}

</mosaic_0001>

<sc_bundles>
// kernel: kernel.6.cloned.1.call-start
scs
__scs_entry_jumppad:
0x0: {  	(pc) =	sbr.rel $0x88, $3  }
0x1: {  	(tag) =	ssettag $0x0;
	lr =	simm.s32 $0x1  }
0x2: {  	[smem:$0x3F92] =	sst lr;
	_ =	strace $0xD0000000  }
0x3: {  	_ = 	snop  }
0x4: {  	_ = 	snop  }
0x5: {  	_ = 	snop  }
0x6: {  	_ = 	snop  }
0x7: {  	_ = 	snop  }
__scs_overlays_trampoline_lowered:
0x8: {  	[smem:$0x3FA1] =	sst s0  }
0x9: {  	[smem:$0x3FA2] =	sst s1  }
0xa: {  	[smem:$0x3FA3] =	sst s2  }
0xb: {  	[smem:$0x3FA4] =	sst s3  }
0xc: {  	[smem:$0x3FA5] =	sst s4  }
0xd: {  	[smem:$0x3FA6] =	sst s5  }
0xe: {  	[smem:$0x3FA7] =	sst s6  }
0xf: {  	[smem:$0x3FA8] =	sst s7  }
0x10: {  	[smem:$0x3FA9] =	sst s8  }
0x11: {  	[smem:$0x3FAA] =	sst s9;
	s0 =	simm.s32 @!p0 $0x0  }
0x12: {  	s1 =	sld [smem:$0x3F90];
	s0 =	simm.s32 @p0 $0x1  }
0x13: {  	[smem:$0x3FAB] =	sst s0;
	s0 =	simm.s32 @!p1 $0x0  }
0x14: {  	s2 =	sld [smem:$0x3F8F];
	s0 =	simm.s32 @p1 $0x1  }
0x15: {  	[smem:$0x3FAC] =	sst s0;
	s0 =	simm.s32 @!p2 $0x0  }
0x16: {  	s3 =	sld [smem:$0x3FDB];
	s0 =	simm.s32 @p2 $0x1  }
0x17: {  	s4 =	simm.s32 $0x1BF5;
	[smem:$0x3FAE] =	sst s0  }
0x18: {  	s0 =	sld [smem:$0x3F91];
	_ =	swait.ge [sflag:s4], $0x0  }
0x19: {  	s7 =	sld [smem:$0x3F92]  }
0x1a: {  	s8 =	sadd.s32 $0xFFFFE003, lr  }
0x1b: {  	s9 =	sadd.s32 $0xFFFFFEF7, lr;
	s5 =	simm.s32 $0xFFFFFFFF;
	p2 =	slt.u32 s8, $0xFFFFF086  }
0x1c: {  	p1 =	slt.u32 s9, $0xF7A;
	s5 =	simm.s32 @!p2 $0x0  }
0x1d: {  	s5 =	simm.s32 @p1 $0x1;
	p0 =	seq.s32 s7, s2  }
0x1e: {  	s7 =	smul.u32 @!p0 $0xF7A, s2;
	p2 =	seq.s32 @!p0 s5, $0x0  }
0x1f: {  	s9 =	smul.u32 $0xF7A, s1;
	s8 =	simm.s32 @!p0 $0x1BF5;
	p2 =	por !p2, p0  }
0x20: {  	[sflag:s8] =	ssyncset.s32 @!p0 $0xFFFFF086;
	s6 =	sadd.s32 @!p0 s3, s7;
	s7 =	simm.s32 @!p0 $0x108  }
0x21: {  	s3 =	sadd.s32 s3, s9;
	s6 =	sadd.s32 @!p0 $0x88, s6;
	s7 =	simm.s32 @p2 $0x1082  }
0x22: {  	[simem:s7], [sflag:s8] =	dma.local @!p0 [hbm:s6], $0xF7A  }
0x23: {  	s9 =	sor.u32 $0xD0000000, s2;
	s6 =	simm.s32 $0x108;
	_ =	swait.ge @!p0 [sflag:s8], $0x0  }
0x24: {  	s3 =	sadd.s32 $0x88, s3;
	s6 =	simm.s32 @!p1 $0x1082;
	[sflag:s4] =	ssyncset.s32 $0xFFFFF086  }
0x25: {  	[simem:s6], [sflag:s4] =	dma.local [hbm:s3], $0xF7A  }
0x26: {  	[smem:$0x3F92] =	sst s1;
	(tag) =	ssettag s2;
	_ =	strace s9  }
0x27: {  	s1 =	sld [smem:$0x3FA2]  }
0x28: {  	s2 =	sld [smem:$0x3FA3]  }
0x29: {  	s4 =	sld [smem:$0x3FA5]  }
0x2a: {  	p0 =	seq.s32 s5, $0x0;
	s5 =	sld [smem:$0x3FA6]  }
0x2b: {  	s6 =	sld [smem:$0x3FA7]  }
0x2c: {  	s7 =	sld [smem:$0x3FA8]  }
0x2d: {  	s3 =	simm.s32 $0x108;
	s8 =	sld [smem:$0x3FA9]  }
0x2e: {  	s3 =	simm.s32 @!p0 $0x1082;
	s9 =	sld [smem:$0x3FAA]  }
0x2f: {  	lr =	sadd.s32 s0, s3;
	s0 =	sld [smem:$0x3FA1]  }
0x30: {  	s3 =	sld [smem:$0x3FA4]  }
0x31: {  	[smem:$0x3FAD] =	sst s10  }
0x32: {  	s10 =	sld [smem:$0x3FAB];
	_ =	sdelay $0x3  }
0x33: {  	p0 =	seq.s32 s10, $0x1;
	s10 =	sld [smem:$0x3FAD];
	_ =	sdelay $0x3  }
0x34: {  	[smem:$0x3FAD] =	sst s10  }
0x35: {  	s10 =	sld [smem:$0x3FAC];
	_ =	sdelay $0x3  }
0x36: {  	p1 =	seq.s32 s10, $0x1;
	s10 =	sld [smem:$0x3FAD];
	_ =	sdelay $0x3  }
0x37: {  	[smem:$0x3FAD] =	sst s10  }
0x38: {  	s10 =	sld [smem:$0x3FAE]  }
0x39: {  	_ = 	snop;
	(pc) =	sbr.ind lr, $3  }
0x3a: {  	_ = 	snop  }
0x3b: {  	_ = 	snop  }
0x3c: {  	p2 =	seq.s32 s10, $0x1;
	s10 =	sld [smem:$0x3FAD]  }
0x3d: {  	_ =	shalt  }
0x3e: {  	_ =	shalt  }
0x3f: {  	_ =	shalt  }
0x40: {  	_ =	shalt  }
0x41: {  	_ =	shalt  }
0x42: {  	_ =	shalt  }
0x43: {  	_ =	shalt  }
0x44: {  	_ =	shalt  }
0x45: {  	_ =	shalt  }
0x46: {  	_ =	shalt  }
0x47: {  	_ =	shalt  }
0x48: {  	_ =	shalt  }
0x49: {  	_ =	shalt  }
0x4a: {  	_ =	shalt  }
0x4b: {  	_ =	shalt  }
0x4c: {  	_ =	shalt  }
0x4d: {  	_ =	shalt  }
0x4e: {  	_ =	shalt  }
0x4f: {  	_ =	shalt  }
0x50: {  	_ =	shalt  }
0x51: {  	_ =	shalt  }
0x52: {  	_ =	shalt  }
0x53: {  	_ =	shalt  }
0x54: {  	_ =	shalt  }
0x55: {  	_ =	shalt  }
0x56: {  	_ =	shalt  }
0x57: {  	_ =	shalt  }
0x58: {  	_ =	shalt  }
0x59: {  	_ =	shalt  }
0x5a: {  	_ =	shalt  }
0x5b: {  	_ =	shalt  }
0x5c: {  	_ =	shalt  }
0x5d: {  	_ =	shalt  }
0x5e: {  	_ =	shalt  }
0x5f: {  	_ =	shalt  }
0x60: {  	_ =	shalt  }
0x61: {  	_ =	shalt  }
0x62: {  	_ =	shalt  }
0x63: {  	_ =	shalt  }
0x64: {  	_ =	shalt  }
0x65: {  	_ =	shalt  }
0x66: {  	_ =	shalt  }
0x67: {  	_ =	shalt  }
0x68: {  	_ =	shalt  }
0x69: {  	_ =	shalt  }
0x6a: {  	_ =	shalt  }
0x6b: {  	_ =	shalt  }
0x6c: {  	_ =	shalt  }
0x6d: {  	_ =	shalt  }
0x6e: {  	_ =	shalt  }
0x6f: {  	_ =	shalt  }
0x70: {  	_ =	shalt  }
0x71: {  	_ =	shalt  }
0x72: {  	_ =	shalt  }
0x73: {  	_ =	shalt  }
0x74: {  	_ =	shalt  }
0x75: {  	_ =	shalt  }
0x76: {  	_ =	shalt  }
0x77: {  	_ =	shalt  }
0x78: {  	_ =	shalt  }
0x79: {  	_ =	shalt  }
0x7a: {  	_ =	shalt  }
0x7b: {  	_ =	shalt  }
0x7c: {  	_ =	shalt  }
0x7d: {  	_ =	shalt  }
0x7e: {  	_ =	shalt  }
0x7f: {  	_ =	shalt  }
0x80: {  	_ =	shalt  }
0x81: {  	_ =	shalt  }
0x82: {  	_ =	shalt  }
0x83: {  	_ =	shalt  }
0x84: {  	_ =	shalt  }
0x85: {  	_ =	shalt  }
0x86: {  	_ =	shalt  }
0x87: {  	_ =	shalt  }
.Lfunc_end0:
.L_simem_size_0:
called_computation_lowered:
.L_overlay_start_0:
0x88: {  	s2 =	sld [smem:$0x3FD9]  }
0x89: {  	s3 =	sld [smem:$0x3FFE];
	_ =	sdelay $0x1  }
0x8a: {  	s1 =	srdreg.scid  }
0x8b: {  	s0 =	sand.u32 $0x1, s1  }
0x8c: {  	s17 =	sshll.u32 s0, $0xA;
	s2 =	sadd.s32 s3, s2  }
0x8d: {  	s2 =	sadd.s32 s2, s17  }
0x8e: {  	[smem:$0x3FB9] =	sst s2  }
0x8f: {  	_ = 	snop  }
0x90: {  	s2 =	sld [smem:$0x3FC9]  }
0x91: {  	s18 =	sld [smem:$0x3FD0];
	(tm) =	ssettm $0x1  }
0x92: {  	s4 =	sld [smem:$0x3FFB];
	_ =	sdelay $0x3  }
0x93: {  	_ =	strace s4  }
0x94: {  	s4 =	sld [smem:$0x3FFC];
	_ =	sdelay $0x3  }
0x95: {  	_ =	strace s4  }
0x96: {  	s4 =	sld [smem:$0x3FFD];
	_ =	sdelay $0x3  }
0x97: {  	_ =	strace s4  }
0x98: {  	_ =	strace $0x8FFFFFFF  }
0x99: {  	s19 =	sld [smem:$0x3FDB];
	_ =	sdelay $0x1  }
0x9a: {  	s5 =	simm.s32 $_scs_section_size  }
0x9b: {  	s6 =	simm.s32 $_size__tile_overlayer_lowered;
	s7 =	simm.s32 $_tile_overlayer_lowered  }
0x9c: {  	s22 =	simm.s32 $0x1BFF;
	s21 =	sshll.u32 s7, $0x1;
	s4 =	sadd.s32 s5, s19  }
0x9d: {  	s8 =	simm.s32 $0x0;
	s20 =	sshll.u32 s6, $0x1;
	s6 =	sadd.s32 s21, s4  }
0x9e: {  	[timem:s8], [sflag:s22] =	dma.local [hbm:s6], s20  }
0x9f: {  	_ =	swait.ge [sflag:s22], s20  }
0xa0: {  	s5 =	ssub.s32 $0x0, s20;
	[sflag:s22] =	ssyncset.done $0x0  }
0xa1: {  	[sflag:s22] =	ssyncadd.s32 s5;
	_ =	sdelay $0x1  }
0xa2: {  	s23 =	simm.s32 $0x1B8B  }
0xa3: {  	_ =	swait.ge [sflag:s23], $0x1  }
0xa4: {  	[sflag:s23] =	ssyncset.done $0x0  }
0xa5: {  	s25 =	simm.s32 $0x1B8E;
	s24 =	sld [smem:$0x3FFE];
	[sflag:s23] =	ssyncadd.s32 $0xFFFFFFFF  }
0xa6: {  	s26 =	simm.s32 $execute0_lowered;
	[smem:$0x3FD2] =	sst s25  }
0xa7: {  	s6 =	sshll.u32 s26, $0x1;
	_ =	strace $0x80000046;
	[dreg:$0x1] =	wrdreg $0xFFFFFFFF  }
0xa8: {  	s28 =	simm.s32 $_size_execute0_lowered;
	s4 =	sadd.s32 s4, s6;
	[dreg:$0x0] =	wrdreg $0x0  }
0xa9: {  	s6 =	sshll.u32 s28, $0x1;
	[dreg:$0x2] =	wrdreg s4  }
0xaa: {  	[dreg:$0x3] =	wrdreg s6  }
0xab: {  	[dreg:$0x4] =	wrdreg $0xC0  }
0xac: {  	_ =	task [dreg:s8], $0x5FFFF  }
0xad: {  	[dreg:$0x1] =	wrdreg $0xFFFFFFFF  }
0xae: {  	[dreg:$0x0] =	wrdreg $0x60  }
0xaf: {  	[dreg:$0x2] =	wrdreg s2  }
0xb0: {  	[dreg:$0x3] =	wrdreg s18  }
0xb1: {  	[dreg:$0x4] =	wrdreg s24  }
0xb2: {  	[dreg:$0x5] =	wrdreg $0x9  }
0xb3: {  	_ =	task.clear_ibuf [dreg:s8], $0x6FFFF;
	_ =	strace $0x90000046  }
0xb4: {  	s29 =	simm.s32 $0x9;
	_ =	strace $0x80000048  }
0xb5: {  	_ =	swait.ge [sflag:s29], $0x1  }
0xb6: {  	[sflag:s29] =	ssyncadd.s32 $0xFFFFFFFF  }
0xb7: {  	_ =	strace $0x90000048  }
0xb8: {  	_ =	sfence  }
0xb9: {  	s30 =	sld [smem:$0x0];
	_ =	sdelay $0x2  }
0xba: {  	s31 =	sshll.u32 s1, $0xD;
	s1 =	sshrl.u32 s1, $0x2  }
0xbb: {  	s3 =	sand.u32 $0x4000, s31;
	s1 =	sadd.s32 s1, s30  }
0xbc: {  	s0 =	sor.u32 s3, s0;
	s1 =	sshll.u32 s1, $0x11  }
0xbd: {  	s0 =	sor.u32 s1, s0  }
0xbe: {  	s0 =	sadd.s32 $0x8F2B, s0  }
0xbf: {  	[sflag:s0] =	ssyncadd.remote.s32 $0x1  }
0xc0: {  	_ =	sfence.sel $0xFFFF  }
0xc1: {  	[dreg:$0x0] =	wrdreg $0xFFFFFFFF;
	(pc) =	sbr.abs _section_cstart, $3  }
0xc2: {  	[dreg:$0x1] =	wrdreg $0xFFFFFFFF  }
0xc3: {  	_ =	task.clear_ibuf [dreg:s8], $0x2FFFF;
	_ =	strace $0x9FFFFFFF  }
0xc4: {  	(tm) =	ssettm $0x7FFFFFFF  }
0xc5: {  	_ =	shalt  }
tec
execute0_lowered:
.L_overlay_start_1:
0x0: {  	(tag) =	ssettag $0x1  }
0x1: {  	s1 =	rddreg [dreg:$0x0]  }
0x2: {  	s2 =	rddreg [dreg:$0x1]  }
0x3: {  	s5 =	rddreg [dreg:$0x2];
	s30 =	simm.s32 $0x0  }
0x4: {  	s14 =	simm.s32 $0x80;
	[smem:$0x7FF] =	sst s30  }
0x5: {  	s15 =	simm.s32 $0x100;
	_ =	strace $0x80000047;
	[dreg:$0x6] =	wrdreg s14  }
0x6: {  	s16 =	simm.s32 $0x180;
	[dreg:$0x7] =	wrdreg s15  }
0x7: {  	s18 =	simm.s32 $0x200;
	[dreg:$0x8] =	wrdreg s16  }
0x8: {  	s19 =	simm.s32 $0x280;
	[dreg:$0x9] =	wrdreg s18  }
0x9: {  	s8 =	stileid.u32;
	s20 =	simm.s32 $0x300;
	[dreg:$0xa] =	wrdreg s19  }
0xa: {  	s0 =	srdreg.scid;
	s21 =	simm.s32 $0x380;
	[dreg:$0xb] =	wrdreg s20  }
0xb: {  	s23 =	simm.s32 $0x880;
	s24 =	simm.s32 $0x900;
	[dreg:$0xc] =	wrdreg s21  }
0xc: {  	s25 =	simm.s32 $0x980;
	s26 =	simm.s32 $0xA00;
	[dreg:$0xd] =	wrdreg s23  }
0xd: {  	s3 =	simm.s32 $0xA80;
	s11 =	simm.s32 $0x1;
	[dreg:$0xe] =	wrdreg s24  }
0xe: {  	s10 =	simm.s32 $0x580;
	s12 =	simm.s32 $0x600;
	[dreg:$0xf] =	wrdreg s25  }
0xf: {  	s13 =	simm.s32 $0x680;
	s28 =	simm.s32 $0xD800;
	[dreg:$0x10] =	wrdreg s26  }
0x10: {  	s29 =	simm.s32 $0xEC00;
	s31 =	simm.s32 $0x12800;
	[dreg:$0x11] =	wrdreg s3  }
0x11: {  	s4 =	smul.u32 $0x50000, s8;
	s0 =	sand.u32 $0x1, s0;
	[dreg:$0x16] =	wrdreg s10  }
0x12: {  	s22 =	sshll.u32 s8, $0xD;
	s6 =	smul.u32 $0x28000, s0;
	[dreg:$0x17] =	wrdreg s12  }
0x13: {  	s17 =	ssub.s32 $0x2, s0;
	[dreg:$0x18] =	wrdreg s13;
	s18 =	simm.s32 $0x700  }
0x14: {  	s16 =	simm.s32 $0x800;
	s19 =	simm.s32 $0x780;
	[dreg:$0x19] =	wrdreg s18  }
0x15: {  	s14 =	simm.s32 $0x28;
	s20 =	simm.s32 $0xC80;
	[dreg:$0x1a] =	wrdreg s19  }
0x16: {  	s15 =	simm.s32 $0x1000;
	s21 =	simm.s32 $0xD00;
	[dreg:$0x1b] =	wrdreg s20  }
0x17: {  	s10 =	simm.s32 $0x3800;
	s23 =	simm.s32 $0xE00;
	[dreg:$0x1c] =	wrdreg s21  }
0x18: {  	s24 =	simm.s32 $0xE80;
	s25 =	simm.s32 $0xF00;
	[dreg:$0x1e] =	wrdreg s23  }
0x19: {  	s26 =	simm.s32 $0xF80;
	s4 =	sadd.s32 s4, s5;
	[dreg:$0x1f] =	wrdreg s24  }
0x1a: {  	s5 =	sadd.s32 $0x3E00, s5;
	[smem:$0x7FC] =	sst s25;
	s4 =	sadd.s32 s6, s4  }
0x1b: {  	s7 =	sshrl.u32 s17, $0x1;
	[smem:$0x7FD] =	sst s26;
	s6 =	sadd.s32 $0x23E00, s4  }
0x1c: {  	s18 =	simm.s32 $0x4C00;
	s4 =	sadd.s32 $0x523E00, s4;
	[dreg:$0x4] =	wrdreg s6  }
0x1d: {  	s19 =	simm.s32 $0x6000;
	s20 =	simm.s32 $0x7400;
	[dreg:$0x5] =	wrdreg s4  }
0x1e: {  	s6 =	ssub.s32 s17, s7;
	s4 =	sshll.u32 s0, $0xC;
	s7 =	simm.s32 $0xB80  }
0x1f: {  	s8 =	sor.u32 s4, s22;
	s6 =	smax.u32 s6, $0x1;
	[dreg:$0x13] =	wrdreg s7  }
0x20: {  	s21 =	simm.s32 $0x8800;
	s9 =	sadd.s32 s2, s8;
	[smem:$0x7F9] =	sst s6  }
0x21: {  	s23 =	simm.s32 $0x2;
	s8 =	sadd.s32 s5, s8;
	[smem:$0x7F7] =	sst s9  }
0x22: {  	s25 =	simm.s32 $0xC400;
	s5 =	sadd.s32 s22, s5;
	[smem:$0x7F8] =	sst s8  }
0x23: {  	s17 =	simm.s32 $0x400;
	s2 =	sadd.s32 s22, s2;
	[smem:$0x7FA] =	sst s5  }
0x24: {  	s0 =	simm.s32 $0x11400;
	s6 =	simm.s32 $0xB00;
	[smem:$0x7FB] =	sst s2  }
0x25: {  	s7 =	simm.s32 $0x0;
	s22 =	simm.s32 $0xD80;
	[dreg:$0x12] =	wrdreg s6  }
0x26: {  	s8 =	simm.s32 $0x480;
	s9 =	simm.s32 $0x500;
	[dreg:$0x1d] =	wrdreg s22  }
0x27: {  	s22 =	simm.s32 $0x9C00;
	s2 =	simm.s32 $0x10000;
	[dreg:$0x14] =	wrdreg s8  }
0x28: {  	[dreg:$0x15] =	wrdreg s9;
	s8 =	simm.s32 $0xC00;
	s9 =	simm.s32 $0x2400  }
.LBB2_1:
0x29: {  	s6 =	sld [smem:$0x7F7];
	_ =	sdelay $0x1  }
0x2a: {  	s26 =	sld [smem:$0x7F8]  }
0x2b: {  	[tilespmem:s30], [sflag:$0x1] =	stream.linear.gather [hbm4b:s6+s30], $0x400, $0x38;
	[tilespmem:$0x15000] =	vst v63  }
0x2c: {  	[smem:$0x7F6] =	sst s7  }
0x2d: {  	[tilespmem:s16], [sflag:$0x1] =	stream.linear.gather [hbm4b:s26+s30], $0x400, $0x38;
	[tilespmem:$0x15000] =	vst v63  }
0x2e: {  	_ =	swait.ge [sflag:s11], $0x400  }
0x2f: {  	[sflag:s11] =	ssyncset.done $0x0  }
0x30: {  	[sflag:s11] =	ssyncadd.s32 $0xFFFFFC00  }
0x31: {  	_ =	swait.ge [sflag:s11], $0x400  }
0x32: {  	s13 =	sld [smem:$0x7FB]  }
0x33: {  	s12 =	sld [smem:$0x7FA];
	_ =	sdelay $0x1  }
0x34: {  	p0 =	por $0x1, $0x1;
	[sflag:s11] =	ssyncset.done $0x0;
	s3 =	sadd.s32 s13, s4  }
0x35: {  	[sflag:s11] =	ssyncadd.s32 $0xFFFFFC00;
	s5 =	sadd.s32 s12, s4;
	s6 =	sadd.s32 $0x80, s3  }
0x36: {  	[tilespmem:s17], [sflag:$0x1] =	stream.linear.gather [hbm4b:s6+s30], $0x400, $0x38;
	[tilespmem:$0x15000] =	vst v63  }
0x37: {  	s24 =	sadd.s32 $0x80, s5;
	s6 =	simm.s32 @!p0 $0x3  }
0x38: {  	[tilespmem:s8], [sflag:$0x1] =	stream.linear.gather [hbm4b:s24+s30], $0x400, $0x38;
	[tilespmem:$0x15000] =	vst v63  }
0x39: {  	_ =	swait.ge @!p0 [sflag:s6], $0xA000  }
0x3a: {  	[sflag:s6] =	ssyncset.done @!p0 $0x0  }
0x3b: {  	[sflag:s6] =	ssyncadd.s32 @!p0 $0xFFFF6000  }
0x3c: {  	[tilespmem:s15], [sflag:$0x2] =	stream.indirect.gather [hbm4b:s1+s14], $0x80, s30, s14, $0xb8;
	[tilespmem:$0x15000] =	vst v63  }
0x3d: {  	s26 =	rddreg [dreg:$0x6]  }
0x3e: {  	[tilespmem:s9], [sflag:$0x2] =	stream.indirect.gather [hbm4b:s1+s14], $0x80, s26, s14, $0xb8;
	[tilespmem:$0x15000] =	vst v63  }
0x3f: {  	s3 =	rddreg [dreg:$0x7]  }
0x40: {  	[tilespmem:s10], [sflag:$0x2] =	stream.indirect.gather [hbm4b:s1+s14], $0x80, s3, s14, $0xb8;
	[tilespmem:$0x15000] =	vst v63  }
0x41: {  	s5 =	rddreg [dreg:$0x8]  }
0x42: {  	[tilespmem:s18], [sflag:$0x2] =	stream.indirect.gather [hbm4b:s1+s14], $0x80, s5, s14, $0xb8;
	[tilespmem:$0x15000] =	vst v63  }
0x43: {  	s8 =	rddreg [dreg:$0x9]  }
0x44: {  	[tilespmem:s19], [sflag:$0x2] =	stream.indirect.gather [hbm4b:s1+s14], $0x80, s8, s14, $0xb8;
	[tilespmem:$0x15000] =	vst v63  }
0x45: {  	s9 =	rddreg [dreg:$0xa]  }
0x46: {  	[tilespmem:s20], [sflag:$0x2] =	stream.indirect.gather [hbm4b:s1+s14], $0x80, s9, s14, $0xb8;
	[tilespmem:$0x15000] =	vst v63  }
0x47: {  	s10 =	rddreg [dreg:$0xb]  }
0x48: {  	[tilespmem:s21], [sflag:$0x2] =	stream.indirect.gather [hbm4b:s1+s14], $0x80, s10, s14, $0xb8;
	[tilespmem:$0x15000] =	vst v63  }
0x49: {  	s18 =	rddreg [dreg:$0xc]  }
0x4a: {  	[tilespmem:s22], [sflag:$0x2] =	stream.indirect.gather [hbm4b:s1+s14], $0x80, s18, s14, $0xb8;
	[tilespmem:$0x15000] =	vst v63  }
0x4b: {  	_ =	swait.ge [sflag:s23], $0x1400  }
0x4c: {  	[sflag:s23] =	ssyncset.done $0x0  }
0x4d: {  	[sflag:s23] =	ssyncadd.s32 $0xFFFFEC00  }
0x4e: {  	_ =	swait.ge [sflag:s23], $0x1400  }
0x4f: {  	[sflag:s23] =	ssyncset.done $0x0  }
0x50: {  	[sflag:s23] =	ssyncadd.s32 $0xFFFFEC00  }
0x51: {  	_ =	swait.ge [sflag:s23], $0x1400  }
0x52: {  	[sflag:s23] =	ssyncset.done $0x0  }
0x53: {  	[sflag:s23] =	ssyncadd.s32 $0xFFFFEC00  }
0x54: {  	_ =	swait.ge [sflag:s23], $0x1400  }
0x55: {  	[sflag:s23] =	ssyncset.done $0x0  }
0x56: {  	[sflag:s23] =	ssyncadd.s32 $0xFFFFEC00  }
0x57: {  	_ =	swait.ge [sflag:s23], $0x1400  }
0x58: {  	[sflag:s23] =	ssyncset.done $0x0  }
0x59: {  	[sflag:s23] =	ssyncadd.s32 $0xFFFFEC00  }
0x5a: {  	_ =	swait.ge [sflag:s23], $0x1400  }
0x5b: {  	[sflag:s23] =	ssyncset.done $0x0  }
0x5c: {  	[sflag:s23] =	ssyncadd.s32 $0xFFFFEC00  }
0x5d: {  	_ =	swait.ge [sflag:s23], $0x1400  }
0x5e: {  	[sflag:s23] =	ssyncset.done $0x0  }
0x5f: {  	[sflag:s23] =	ssyncadd.s32 $0xFFFFEC00  }
0x60: {  	_ =	swait.ge [sflag:s23], $0x1400  }
0x61: {  	s19 =	rddreg [dreg:$0x4];
	[sflag:s23] =	ssyncset.done $0x0  }
0x62: {  	s7 =	simm.s32 @!p0 $0x4;
	[sflag:s23] =	ssyncadd.s32 $0xFFFFEC00;
	s6 =	sadd.s32 $0x0, s19  }
0x63: {  	[hbm4b:s6+s30] =	stream.linear.scatter [tilespmem:s15], [sflag:$0x3], $0xA000, $0x38;
	[tilespmem:$0x15000] =	vst v63  }
0x64: {  	_ =	swait.ge @!p0 [sflag:s7], $0xA000  }
0x65: {  	[sflag:s7] =	ssyncset.done @!p0 $0x0  }
0x66: {  	s3 =	simm.s32 $0xB000;
	[sflag:s7] =	ssyncadd.s32 @!p0 $0xFFFF6000  }
0x67: {  	[tilespmem:s3], [sflag:$0x2] =	stream.indirect.gather [hbm4b:s1+s14], $0x80, s16, s14, $0xb8;
	[tilespmem:$0x15000] =	vst v63  }
0x68: {  	s20 =	rddreg [dreg:$0xd]  }
0x69: {  	[tilespmem:s25], [sflag:$0x2] =	stream.indirect.gather [hbm4b:s1+s14], $0x80, s20, s14, $0xb8;
	[tilespmem:$0x15000] =	vst v63  }
0x6a: {  	s21 =	rddreg [dreg:$0xe]  }
0x6b: {  	[tilespmem:s28], [sflag:$0x2] =	stream.indirect.gather [hbm4b:s1+s14], $0x80, s21, s14, $0xb8;
	[tilespmem:$0x15000] =	vst v63  }
0x6c: {  	s24 =	rddreg [dreg:$0xf]  }
0x6d: {  	[tilespmem:s29], [sflag:$0x2] =	stream.indirect.gather [hbm4b:s1+s14], $0x80, s24, s14, $0xb8;
	[tilespmem:$0x15000] =	vst v63  }
0x6e: {  	s25 =	rddreg [dreg:$0x10]  }
0x6f: {  	[tilespmem:s2], [sflag:$0x2] =	stream.indirect.gather [hbm4b:s1+s14], $0x80, s25, s14, $0xb8;
	[tilespmem:$0x15000] =	vst v63  }
0x70: {  	s28 =	rddreg [dreg:$0x11]  }
0x71: {  	[tilespmem:s0], [sflag:$0x2] =	stream.indirect.gather [hbm4b:s1+s14], $0x80, s28, s14, $0xb8;
	[tilespmem:$0x15000] =	vst v63  }
0x72: {  	s29 =	rddreg [dreg:$0x12]  }
0x73: {  	[tilespmem:s31], [sflag:$0x2] =	stream.indirect.gather [hbm4b:s1+s14], $0x80, s29, s14, $0xb8;
	[tilespmem:$0x15000] =	vst v63  }
0x74: {  	s2 =	simm.s32 $0x13C00;
	s0 =	rddreg [dreg:$0x13]  }
0x75: {  	[tilespmem:s2], [sflag:$0x2] =	stream.indirect.gather [hbm4b:s1+s14], $0x80, s0, s14, $0xb8;
	[tilespmem:$0x15000] =	vst v63  }
0x76: {  	_ =	swait.ge [sflag:s23], $0x1400  }
0x77: {  	[sflag:s23] =	ssyncset.done $0x0  }
0x78: {  	[sflag:s23] =	ssyncadd.s32 $0xFFFFEC00  }
0x79: {  	_ =	swait.ge [sflag:s23], $0x1400  }
0x7a: {  	[sflag:s23] =	ssyncset.done $0x0  }
0x7b: {  	[sflag:s23] =	ssyncadd.s32 $0xFFFFEC00  }
0x7c: {  	_ =	swait.ge [sflag:s23], $0x1400  }
0x7d: {  	[sflag:s23] =	ssyncset.done $0x0  }
0x7e: {  	[sflag:s23] =	ssyncadd.s32 $0xFFFFEC00  }
0x7f: {  	_ =	swait.ge [sflag:s23], $0x1400  }
0x80: {  	[sflag:s23] =	ssyncset.done $0x0  }
0x81: {  	[sflag:s23] =	ssyncadd.s32 $0xFFFFEC00  }
0x82: {  	_ =	swait.ge [sflag:s23], $0x1400  }
0x83: {  	[sflag:s23] =	ssyncset.done $0x0  }
0x84: {  	[sflag:s23] =	ssyncadd.s32 $0xFFFFEC00  }
0x85: {  	_ =	swait.ge [sflag:s23], $0x1400  }
0x86: {  	[sflag:s23] =	ssyncset.done $0x0  }
0x87: {  	[sflag:s23] =	ssyncadd.s32 $0xFFFFEC00  }
0x88: {  	_ =	swait.ge [sflag:s23], $0x1400  }
0x89: {  	[sflag:s23] =	ssyncset.done $0x0  }
0x8a: {  	[sflag:s23] =	ssyncadd.s32 $0xFFFFEC00  }
0x8b: {  	_ =	swait.ge [sflag:s23], $0x1400  }
0x8c: {  	s5 =	rddreg [dreg:$0x5];
	[sflag:s23] =	ssyncset.done $0x0  }
0x8d: {  	[sflag:s23] =	ssyncadd.s32 $0xFFFFEC00;
	s8 =	sadd.s32 $0x0, s5  }
0x8e: {  	[hbm4b:s8+s30] =	stream.linear.scatter [tilespmem:s3], [sflag:$0x4], $0xA000, $0x38;
	[tilespmem:$0x15000] =	vst v63  }
0x8f: {  	_ =	swait.ge [sflag:s11], $0x400  }
0x90: {  	[sflag:s11] =	ssyncset.done $0x0  }
0x91: {  	[sflag:s11] =	ssyncadd.s32 $0xFFFFFC00  }
0x92: {  	p0 =	por $0x0, $0x0;
	_ =	swait.ge [sflag:s11], $0x400  }
0x93: {  	s7 =	sadd.s32 @!p0 s13, s4;
	s9 =	sadd.s32 @!p0 s12, s4;
	[sflag:s11] =	ssyncset.done $0x0  }
0x94: {  	s10 =	simm.s32 @!p0 $0x0;
	s7 =	sadd.s32 @!p0 $0x100, s7;
	[sflag:s11] =	ssyncadd.s32 $0xFFFFFC00  }
0x95: {  	[tilespmem:s10], [sflag:$0x1] =	stream.linear.gather @!p0 [hbm4b:s7+s10], $0x400, $0x38;
	[tilespmem:$0x15000] =	vst v63  }
0x96: {  	s7 =	sadd.s32 @!p0 $0x100, s9;
	s9 =	simm.s32 @!p0 $0x800  }
0x97: {  	[tilespmem:s9], [sflag:$0x1] =	stream.linear.gather @!p0 [hbm4b:s7+s10], $0x400, $0x38;
	[tilespmem:$0x15000] =	vst v63  }
0x98: {  	s7 =	simm.s32 $0x3  }
0x99: {  	_ =	swait.ge [sflag:s7], $0xA000  }
0x9a: {  	[sflag:s7] =	ssyncset.done $0x0  }
0x9b: {  	s24 =	simm.s32 $0x1000;
	[sflag:s7] =	ssyncadd.s32 $0xFFFF6000  }
0x9c: {  	[tilespmem:s24], [sflag:$0x2] =	stream.indirect.gather [hbm4b:s1+s14], $0x80, s17, s14, $0xb8;
	[tilespmem:$0x15000] =	vst v63  }
0x9d: {  	s20 =	simm.s32 $0x2400;
	s10 =	rddreg [dreg:$0x14]  }
0x9e: {  	[tilespmem:s20], [sflag:$0x2] =	stream.indirect.gather [hbm4b:s1+s14], $0x80, s10, s14, $0xb8;
	[tilespmem:$0x15000] =	vst v63  }
0x9f: {  	s15 =	simm.s32 $0x3800;
	s24 =	rddreg [dreg:$0x15]  }
0xa0: {  	[tilespmem:s15], [sflag:$0x2] =	stream.indirect.gather [hbm4b:s1+s14], $0x80, s24, s14, $0xb8;
	[tilespmem:$0x15000] =	vst v63  }
0xa1: {  	s22 =	simm.s32 $0x4C00;
	s10 =	rddreg [dreg:$0x16]  }
0xa2: {  	[tilespmem:s22], [sflag:$0x2] =	stream.indirect.gather [hbm4b:s1+s14], $0x80, s10, s14, $0xb8;
	[tilespmem:$0x15000] =	vst v63  }
0xa3: {  	s31 =	simm.s32 $0x6000;
	s20 =	rddreg [dreg:$0x17]  }
0xa4: {  	[tilespmem:s31], [sflag:$0x2] =	stream.indirect.gather [hbm4b:s1+s14], $0x80, s20, s14, $0xb8;
	[tilespmem:$0x15000] =	vst v63  }
0xa5: {  	s5 =	simm.s32 $0x7400;
	s24 =	rddreg [dreg:$0x18]  }
0xa6: {  	[tilespmem:s5], [sflag:$0x2] =	stream.indirect.gather [hbm4b:s1+s14], $0x80, s24, s14, $0xb8;
	[tilespmem:$0x15000] =	vst v63  }
0xa7: {  	s26 =	simm.s32 $0x8800;
	s31 =	rddreg [dreg:$0x19]  }
0xa8: {  	[tilespmem:s26], [sflag:$0x2] =	stream.indirect.gather [hbm4b:s1+s14], $0x80, s31, s14, $0xb8;
	[tilespmem:$0x15000] =	vst v63  }
0xa9: {  	s21 =	simm.s32 $0x9C00;
	s5 =	rddreg [dreg:$0x1a]  }
0xaa: {  	[tilespmem:s21], [sflag:$0x2] =	stream.indirect.gather [hbm4b:s1+s14], $0x80, s5, s14, $0xb8;
	[tilespmem:$0x15000] =	vst v63  }
0xab: {  	_ =	swait.ge [sflag:s23], $0x1400  }
0xac: {  	[sflag:s23] =	ssyncset.done $0x0  }
0xad: {  	[sflag:s23] =	ssyncadd.s32 $0xFFFFEC00  }
0xae: {  	_ =	swait.ge [sflag:s23], $0x1400  }
0xaf: {  	[sflag:s23] =	ssyncset.done $0x0  }
0xb0: {  	[sflag:s23] =	ssyncadd.s32 $0xFFFFEC00  }
0xb1: {  	_ =	swait.ge [sflag:s23], $0x1400  }
0xb2: {  	[sflag:s23] =	ssyncset.done $0x0  }
0xb3: {  	[sflag:s23] =	ssyncadd.s32 $0xFFFFEC00  }
0xb4: {  	_ =	swait.ge [sflag:s23], $0x1400  }
0xb5: {  	[sflag:s23] =	ssyncset.done $0x0  }
0xb6: {  	[sflag:s23] =	ssyncadd.s32 $0xFFFFEC00  }
0xb7: {  	_ =	swait.ge [sflag:s23], $0x1400  }
0xb8: {  	[sflag:s23] =	ssyncset.done $0x0  }
0xb9: {  	[sflag:s23] =	ssyncadd.s32 $0xFFFFEC00  }
0xba: {  	_ =	swait.ge [sflag:s23], $0x1400  }
0xbb: {  	[sflag:s23] =	ssyncset.done $0x0  }
0xbc: {  	[sflag:s23] =	ssyncadd.s32 $0xFFFFEC00  }
0xbd: {  	_ =	swait.ge [sflag:s23], $0x1400  }
0xbe: {  	[sflag:s23] =	ssyncset.done $0x0  }
0xbf: {  	[sflag:s23] =	ssyncadd.s32 $0xFFFFEC00  }
0xc0: {  	_ =	swait.ge [sflag:s23], $0x1400  }
0xc1: {  	s6 =	sadd.s32 $0x1400, s6;
	[sflag:s23] =	ssyncset.done $0x0  }
0xc2: {  	s15 =	simm.s32 $0x1000;
	s10 =	simm.s32 $0x4;
	[sflag:s23] =	ssyncadd.s32 $0xFFFFEC00  }
0xc3: {  	[hbm4b:s6+s30] =	stream.linear.scatter [tilespmem:s15], [sflag:$0x3], $0xA000, $0x38;
	[tilespmem:$0x15000] =	vst v63  }
0xc4: {  	_ =	swait.ge [sflag:s10], $0xA000  }
0xc5: {  	[sflag:s10] =	ssyncset.done $0x0  }
0xc6: {  	s21 =	simm.s32 $0xC00;
	s20 =	rddreg [dreg:$0x1b];
	[sflag:s10] =	ssyncadd.s32 $0xFFFF6000  }
0xc7: {  	[tilespmem:s3], [sflag:$0x2] =	stream.indirect.gather [hbm4b:s1+s14], $0x80, s21, s14, $0xb8;
	[tilespmem:$0x15000] =	vst v63  }
0xc8: {  	s18 =	simm.s32 $0xC400;
	s22 =	rddreg [dreg:$0x1c]  }
0xc9: {  	[tilespmem:s18], [sflag:$0x2] =	stream.indirect.gather [hbm4b:s1+s14], $0x80, s20, s14, $0xb8;
	[tilespmem:$0x15000] =	vst v63  }
0xca: {  	s28 =	simm.s32 $0xD800;
	s24 =	rddreg [dreg:$0x1d]  }
0xcb: {  	[tilespmem:s28], [sflag:$0x2] =	stream.indirect.gather [hbm4b:s1+s14], $0x80, s22, s14, $0xb8;
	[tilespmem:$0x15000] =	vst v63  }
0xcc: {  	s29 =	simm.s32 $0xEC00;
	s26 =	rddreg [dreg:$0x1e]  }
0xcd: {  	[tilespmem:s29], [sflag:$0x2] =	stream.indirect.gather [hbm4b:s1+s14], $0x80, s24, s14, $0xb8;
	[tilespmem:$0x15000] =	vst v63  }
0xce: {  	s19 =	simm.s32 $0x10000;
	s28 =	rddreg [dreg:$0x1f]  }
0xcf: {  	[tilespmem:s19], [sflag:$0x2] =	stream.indirect.gather [hbm4b:s1+s14], $0x80, s26, s14, $0xb8;
	[tilespmem:$0x15000] =	vst v63  }
0xd0: {  	s25 =	simm.s32 $0x11400;
	s29 =	sld [smem:$0x7FC]  }
0xd1: {  	[tilespmem:s25], [sflag:$0x2] =	stream.indirect.gather [hbm4b:s1+s14], $0x80, s28, s14, $0xb8;
	[tilespmem:$0x15000] =	vst v63  }
0xd2: {  	s0 =	simm.s32 $0x12800;
	s31 =	sld [smem:$0x7FD]  }
0xd3: {  	[tilespmem:s0], [sflag:$0x2] =	stream.indirect.gather [hbm4b:s1+s14], $0x80, s29, s14, $0xb8;
	[tilespmem:$0x15000] =	vst v63  }
0xd4: {  	_ = 	snop  }
0xd5: {  	[tilespmem:s2], [sflag:$0x2] =	stream.indirect.gather [hbm4b:s1+s14], $0x80, s31, s14, $0xb8;
	[tilespmem:$0x15000] =	vst v63  }
0xd6: {  	_ =	swait.ge [sflag:s23], $0x1400  }
0xd7: {  	[sflag:s23] =	ssyncset.done $0x0  }
0xd8: {  	[sflag:s23] =	ssyncadd.s32 $0xFFFFEC00  }
0xd9: {  	_ =	swait.ge [sflag:s23], $0x1400  }
0xda: {  	[sflag:s23] =	ssyncset.done $0x0  }
0xdb: {  	[sflag:s23] =	ssyncadd.s32 $0xFFFFEC00  }
0xdc: {  	_ =	swait.ge [sflag:s23], $0x1400  }
0xdd: {  	[sflag:s23] =	ssyncset.done $0x0  }
0xde: {  	[sflag:s23] =	ssyncadd.s32 $0xFFFFEC00  }
0xdf: {  	_ =	swait.ge [sflag:s23], $0x1400  }
0xe0: {  	[sflag:s23] =	ssyncset.done $0x0  }
0xe1: {  	[sflag:s23] =	ssyncadd.s32 $0xFFFFEC00  }
0xe2: {  	_ =	swait.ge [sflag:s23], $0x1400  }
0xe3: {  	[sflag:s23] =	ssyncset.done $0x0  }
0xe4: {  	[sflag:s23] =	ssyncadd.s32 $0xFFFFEC00  }
0xe5: {  	_ =	swait.ge [sflag:s23], $0x1400  }
0xe6: {  	[sflag:s23] =	ssyncset.done $0x0  }
0xe7: {  	[sflag:s23] =	ssyncadd.s32 $0xFFFFEC00  }
0xe8: {  	_ =	swait.ge [sflag:s23], $0x1400  }
0xe9: {  	[sflag:s23] =	ssyncset.done $0x0  }
0xea: {  	[sflag:s23] =	ssyncadd.s32 $0xFFFFEC00  }
0xeb: {  	s9 =	sadd.s32 $0x100, s13;
	s7 =	simm.s32 $0x2800;
	_ =	swait.ge [sflag:s23], $0x1400  }
0xec: {  	s10 =	sadd.s32 $0x1400, s8;
	s8 =	smov.u32 s12;
	[sflag:s23] =	ssyncset.done $0x0  }
.LBB2_2:
0xed: {  	[sflag:s23] =	ssyncadd.s32 $0xFFFFEC00;
	s3 =	simm.s32 $0xB000  }
0xee: {  	[hbm4b:s10+s30] =	stream.linear.scatter [tilespmem:s3], [sflag:$0x4], $0xA000, $0x38;
	[tilespmem:$0x15000] =	vst v63  }
0xef: {  	_ =	swait.ge [sflag:s11], $0x400  }
0xf0: {  	[sflag:s11] =	ssyncset.done $0x0  }
0xf1: {  	[sflag:s11] =	ssyncadd.s32 $0xFFFFFC00  }
0xf2: {  	s8 =	sadd.s32 $0x100, s8;
	s19 =	sadd.s32 s9, s4;
	_ =	swait.ge [sflag:s11], $0x400  }
0xf3: {  	s6 =	smov.u32 s7;
	s10 =	sadd.s32 $0x80, s19;
	[sflag:s11] =	ssyncset.done $0x0  }
0xf4: {  	s12 =	sadd.s32 s8, s4;
	p1 =	seq.s32 s6, $0x0;
	[sflag:s11] =	ssyncadd.s32 $0xFFFFFC00  }
0xf5: {  	[tilespmem:s17], [sflag:$0x1] =	stream.linear.gather [hbm4b:s10+s30], $0x400, $0x38;
	[tilespmem:$0x15000] =	vst v63  }
0xf6: {  	s0 =	simm.s32 $0xC00;
	s20 =	sadd.s32 $0x80, s12;
	s10 =	simm.s32 @!p1 $0x3  }
0xf7: {  	[tilespmem:s0], [sflag:$0x1] =	stream.linear.gather [hbm4b:s20+s30], $0x400, $0x38;
	[tilespmem:$0x15000] =	vst v63  }
0xf8: {  	_ =	swait.ge @!p1 [sflag:s10], $0xA000  }
0xf9: {  	[sflag:s10] =	ssyncset.done @!p1 $0x0  }
0xfa: {  	[sflag:s10] =	ssyncadd.s32 @!p1 $0xFFFF6000  }
0xfb: {  	[tilespmem:s15], [sflag:$0x2] =	stream.indirect.gather [hbm4b:s1+s14], $0x80, s30, s14, $0xb8;
	[tilespmem:$0x15000] =	vst v63  }
0xfc: {  	s20 =	simm.s32 $0x2400;
	s21 =	rddreg [dreg:$0x6]  }
0xfd: {  	[tilespmem:s20], [sflag:$0x2] =	stream.indirect.gather [hbm4b:s1+s14], $0x80, s21, s14, $0xb8;
	[tilespmem:$0x15000] =	vst v63  }
0xfe: {  	s22 =	rddreg [dreg:$0x7];
	s15 =	simm.s32 $0x3800  }
0xff: {  	[tilespmem:s15], [sflag:$0x2] =	stream.indirect.gather [hbm4b:s1+s14], $0x80, s22, s14, $0xb8;
	[tilespmem:$0x15000] =	vst v63  }
0x100: {  	s13 =	rddreg [dreg:$0x8];
	s22 =	simm.s32 $0x4C00  }
0x101: {  	[tilespmem:s22], [sflag:$0x2] =	stream.indirect.gather [hbm4b:s1+s14], $0x80, s13, s14, $0xb8;
	[tilespmem:$0x15000] =	vst v63  }
0x102: {  	s31 =	simm.s32 $0x6000;
	s25 =	rddreg [dreg:$0x9]  }
0x103: {  	[tilespmem:s31], [sflag:$0x2] =	stream.indirect.gather [hbm4b:s1+s14], $0x80, s25, s14, $0xb8;
	[tilespmem:$0x15000] =	vst v63  }
0x104: {  	s5 =	simm.s32 $0x7400;
	s26 =	rddreg [dreg:$0xa]  }
0x105: {  	[tilespmem:s5], [sflag:$0x2] =	stream.indirect.gather [hbm4b:s1+s14], $0x80, s26, s14, $0xb8;
	[tilespmem:$0x15000] =	vst v63  }
0x106: {  	s28 =	rddreg [dreg:$0xb];
	s26 =	simm.s32 $0x8800  }
0x107: {  	[tilespmem:s26], [sflag:$0x2] =	stream.indirect.gather [hbm4b:s1+s14], $0x80, s28, s14, $0xb8;
	[tilespmem:$0x15000] =	vst v63  }
0x108: {  	s29 =	rddreg [dreg:$0xc];
	s21 =	simm.s32 $0x9C00  }
0x109: {  	[tilespmem:s21], [sflag:$0x2] =	stream.indirect.gather [hbm4b:s1+s14], $0x80, s29, s14, $0xb8;
	[tilespmem:$0x15000] =	vst v63  }
0x10a: {  	_ =	swait.ge [sflag:s23], $0x1400  }
0x10b: {  	[sflag:s23] =	ssyncset.done $0x0  }
0x10c: {  	[sflag:s23] =	ssyncadd.s32 $0xFFFFEC00  }
0x10d: {  	_ =	swait.ge [sflag:s23], $0x1400  }
0x10e: {  	[sflag:s23] =	ssyncset.done $0x0  }
0x10f: {  	[sflag:s23] =	ssyncadd.s32 $0xFFFFEC00  }
0x110: {  	_ =	swait.ge [sflag:s23], $0x1400  }
0x111: {  	[sflag:s23] =	ssyncset.done $0x0  }
0x112: {  	[sflag:s23] =	ssyncadd.s32 $0xFFFFEC00  }
0x113: {  	_ =	swait.ge [sflag:s23], $0x1400  }
0x114: {  	[sflag:s23] =	ssyncset.done $0x0  }
0x115: {  	[sflag:s23] =	ssyncadd.s32 $0xFFFFEC00  }
0x116: {  	_ =	swait.ge [sflag:s23], $0x1400  }
0x117: {  	[sflag:s23] =	ssyncset.done $0x0  }
0x118: {  	[sflag:s23] =	ssyncadd.s32 $0xFFFFEC00  }
0x119: {  	_ =	swait.ge [sflag:s23], $0x1400  }
0x11a: {  	[sflag:s23] =	ssyncset.done $0x0  }
0x11b: {  	[sflag:s23] =	ssyncadd.s32 $0xFFFFEC00  }
0x11c: {  	_ =	swait.ge [sflag:s23], $0x1400  }
0x11d: {  	[sflag:s23] =	ssyncset.done $0x0  }
0x11e: {  	[sflag:s23] =	ssyncadd.s32 $0xFFFFEC00  }
0x11f: {  	_ =	swait.ge [sflag:s23], $0x1400  }
0x120: {  	s24 =	simm.s32 $0x1000;
	s0 =	rddreg [dreg:$0x4];
	[sflag:s23] =	ssyncset.done $0x0  }
0x121: {  	s12 =	simm.s32 @!p1 $0x4;
	[sflag:s23] =	ssyncadd.s32 $0xFFFFEC00;
	s10 =	sadd.s32 s6, s0  }
0x122: {  	[hbm4b:s10+s30] =	stream.linear.scatter [tilespmem:s24], [sflag:$0x3], $0xA000, $0x38;
	[tilespmem:$0x15000] =	vst v63  }
0x123: {  	_ =	swait.ge @!p1 [sflag:s12], $0xA000  }
0x124: {  	[sflag:s12] =	ssyncset.done @!p1 $0x0  }
0x125: {  	[sflag:s12] =	ssyncadd.s32 @!p1 $0xFFFF6000  }
0x126: {  	[tilespmem:s3], [sflag:$0x2] =	stream.indirect.gather [hbm4b:s1+s14], $0x80, s16, s14, $0xb8;
	[tilespmem:$0x15000] =	vst v63  }
0x127: {  	s18 =	simm.s32 $0xC400;
	s2 =	rddreg [dreg:$0xd]  }
0x128: {  	[tilespmem:s18], [sflag:$0x2] =	stream.indirect.gather [hbm4b:s1+s14], $0x80, s2, s14, $0xb8;
	[tilespmem:$0x15000] =	vst v63  }
0x129: {  	s28 =	simm.s32 $0xD800;
	s17 =	rddreg [dreg:$0xe]  }
0x12a: {  	[tilespmem:s28], [sflag:$0x2] =	stream.indirect.gather [hbm4b:s1+s14], $0x80, s17, s14, $0xb8;
	[tilespmem:$0x15000] =	vst v63  }
0x12b: {  	s29 =	simm.s32 $0xEC00;
	s19 =	rddreg [dreg:$0xf]  }
0x12c: {  	[tilespmem:s29], [sflag:$0x2] =	stream.indirect.gather [hbm4b:s1+s14], $0x80, s19, s14, $0xb8;
	[tilespmem:$0x15000] =	vst v63  }
0x12d: {  	s25 =	rddreg [dreg:$0x10];
	s19 =	simm.s32 $0x10000  }
0x12e: {  	[tilespmem:s19], [sflag:$0x2] =	stream.indirect.gather [hbm4b:s1+s14], $0x80, s25, s14, $0xb8;
	[tilespmem:$0x15000] =	vst v63  }
0x12f: {  	s0 =	rddreg [dreg:$0x11];
	s25 =	simm.s32 $0x11400  }
0x130: {  	[tilespmem:s25], [sflag:$0x2] =	stream.indirect.gather [hbm4b:s1+s14], $0x80, s0, s14, $0xb8;
	[tilespmem:$0x15000] =	vst v63  }
0x131: {  	s2 =	rddreg [dreg:$0x12];
	s0 =	simm.s32 $0x12800  }
0x132: {  	[tilespmem:s0], [sflag:$0x2] =	stream.indirect.gather [hbm4b:s1+s14], $0x80, s2, s14, $0xb8;
	[tilespmem:$0x15000] =	vst v63  }
0x133: {  	s17 =	rddreg [dreg:$0x13];
	s2 =	simm.s32 $0x13C00  }
0x134: {  	[tilespmem:s2], [sflag:$0x2] =	stream.indirect.gather [hbm4b:s1+s14], $0x80, s17, s14, $0xb8;
	[tilespmem:$0x15000] =	vst v63  }
0x135: {  	_ =	swait.ge [sflag:s23], $0x1400  }
0x136: {  	[sflag:s23] =	ssyncset.done $0x0  }
0x137: {  	[sflag:s23] =	ssyncadd.s32 $0xFFFFEC00  }
0x138: {  	_ =	swait.ge [sflag:s23], $0x1400  }
0x139: {  	[sflag:s23] =	ssyncset.done $0x0  }
0x13a: {  	[sflag:s23] =	ssyncadd.s32 $0xFFFFEC00  }
0x13b: {  	_ =	swait.ge [sflag:s23], $0x1400  }
0x13c: {  	[sflag:s23] =	ssyncset.done $0x0  }
0x13d: {  	[sflag:s23] =	ssyncadd.s32 $0xFFFFEC00  }
0x13e: {  	_ =	swait.ge [sflag:s23], $0x1400  }
0x13f: {  	[sflag:s23] =	ssyncset.done $0x0  }
0x140: {  	[sflag:s23] =	ssyncadd.s32 $0xFFFFEC00  }
0x141: {  	_ =	swait.ge [sflag:s23], $0x1400  }
0x142: {  	[sflag:s23] =	ssyncset.done $0x0  }
0x143: {  	[sflag:s23] =	ssyncadd.s32 $0xFFFFEC00  }
0x144: {  	_ =	swait.ge [sflag:s23], $0x1400  }
0x145: {  	[sflag:s23] =	ssyncset.done $0x0  }
0x146: {  	[sflag:s23] =	ssyncadd.s32 $0xFFFFEC00  }
0x147: {  	_ =	swait.ge [sflag:s23], $0x1400  }
0x148: {  	[sflag:s23] =	ssyncset.done $0x0  }
0x149: {  	[sflag:s23] =	ssyncadd.s32 $0xFFFFEC00  }
0x14a: {  	_ =	swait.ge [sflag:s23], $0x1400  }
0x14b: {  	s13 =	rddreg [dreg:$0x5];
	[sflag:s23] =	ssyncset.done $0x0  }
0x14c: {  	[sflag:s23] =	ssyncadd.s32 $0xFFFFEC00;
	s12 =	sadd.s32 s6, s13  }
0x14d: {  	[hbm4b:s12+s30] =	stream.linear.scatter [tilespmem:s3], [sflag:$0x4], $0xA000, $0x38;
	[tilespmem:$0x15000] =	vst v63  }
0x14e: {  	_ =	swait.ge [sflag:s11], $0x400  }
0x14f: {  	[sflag:s11] =	ssyncset.done $0x0  }
0x150: {  	[sflag:s11] =	ssyncadd.s32 $0xFFFFFC00  }
0x151: {  	p1 =	seq.s32 s6, $0x25800;
	_ =	swait.ge [sflag:s11], $0x400  }
0x152: {  	s16 =	simm.s32 @!p1 $0x0;
	s6 =	sadd.s32 @!p1 s9, s4;
	[sflag:s11] =	ssyncset.done $0x0  }
0x153: {  	s13 =	sadd.s32 @!p1 s8, s4;
	s6 =	sadd.s32 @!p1 $0x100, s6;
	[sflag:s11] =	ssyncadd.s32 $0xFFFFFC00  }
0x154: {  	[tilespmem:s16], [sflag:$0x1] =	stream.linear.gather @!p1 [hbm4b:s6+s16], $0x400, $0x38;
	[tilespmem:$0x15000] =	vst v63  }
0x155: {  	s17 =	simm.s32 @!p1 $0x800;
	s13 =	sadd.s32 @!p1 $0x100, s13  }
0x156: {  	[tilespmem:s17], [sflag:$0x1] =	stream.linear.gather @!p1 [hbm4b:s13+s16], $0x400, $0x38;
	[tilespmem:$0x15000] =	vst v63  }
0x157: {  	s16 =	simm.s32 $0x3  }
0x158: {  	_ =	swait.ge [sflag:s16], $0xA000  }
0x159: {  	[sflag:s16] =	ssyncset.done $0x0  }
0x15a: {  	s17 =	simm.s32 $0x400;
	[sflag:s16] =	ssyncadd.s32 $0xFFFF6000  }
0x15b: {  	[tilespmem:s24], [sflag:$0x2] =	stream.indirect.gather [hbm4b:s1+s14], $0x80, s17, s14, $0xb8;
	[tilespmem:$0x15000] =	vst v63  }
0x15c: {  	s6 =	rddreg [dreg:$0x14]  }
0x15d: {  	[tilespmem:s20], [sflag:$0x2] =	stream.indirect.gather [hbm4b:s1+s14], $0x80, s6, s14, $0xb8;
	[tilespmem:$0x15000] =	vst v63  }
0x15e: {  	s16 =	rddreg [dreg:$0x15]  }
0x15f: {  	[tilespmem:s15], [sflag:$0x2] =	stream.indirect.gather [hbm4b:s1+s14], $0x80, s16, s14, $0xb8;
	[tilespmem:$0x15000] =	vst v63  }
0x160: {  	s24 =	rddreg [dreg:$0x16]  }
0x161: {  	[tilespmem:s22], [sflag:$0x2] =	stream.indirect.gather [hbm4b:s1+s14], $0x80, s24, s14, $0xb8;
	[tilespmem:$0x15000] =	vst v63  }
0x162: {  	s6 =	rddreg [dreg:$0x17]  }
0x163: {  	[tilespmem:s31], [sflag:$0x2] =	stream.indirect.gather [hbm4b:s1+s14], $0x80, s6, s14, $0xb8;
	[tilespmem:$0x15000] =	vst v63  }
0x164: {  	s20 =	rddreg [dreg:$0x18]  }
0x165: {  	[tilespmem:s5], [sflag:$0x2] =	stream.indirect.gather [hbm4b:s1+s14], $0x80, s20, s14, $0xb8;
	[tilespmem:$0x15000] =	vst v63  }
0x166: {  	s24 =	rddreg [dreg:$0x19]  }
0x167: {  	[tilespmem:s26], [sflag:$0x2] =	stream.indirect.gather [hbm4b:s1+s14], $0x80, s24, s14, $0xb8;
	[tilespmem:$0x15000] =	vst v63  }
0x168: {  	s31 =	rddreg [dreg:$0x1a]  }
0x169: {  	[tilespmem:s21], [sflag:$0x2] =	stream.indirect.gather [hbm4b:s1+s14], $0x80, s31, s14, $0xb8;
	[tilespmem:$0x15000] =	vst v63  }
0x16a: {  	_ =	swait.ge [sflag:s23], $0x1400  }
0x16b: {  	[sflag:s23] =	ssyncset.done $0x0  }
0x16c: {  	[sflag:s23] =	ssyncadd.s32 $0xFFFFEC00  }
0x16d: {  	_ =	swait.ge [sflag:s23], $0x1400  }
0x16e: {  	[sflag:s23] =	ssyncset.done $0x0  }
0x16f: {  	[sflag:s23] =	ssyncadd.s32 $0xFFFFEC00  }
0x170: {  	_ =	swait.ge [sflag:s23], $0x1400  }
0x171: {  	[sflag:s23] =	ssyncset.done $0x0  }
0x172: {  	[sflag:s23] =	ssyncadd.s32 $0xFFFFEC00  }
0x173: {  	_ =	swait.ge [sflag:s23], $0x1400  }
0x174: {  	[sflag:s23] =	ssyncset.done $0x0  }
0x175: {  	[sflag:s23] =	ssyncadd.s32 $0xFFFFEC00  }
0x176: {  	_ =	swait.ge [sflag:s23], $0x1400  }
0x177: {  	[sflag:s23] =	ssyncset.done $0x0  }
0x178: {  	[sflag:s23] =	ssyncadd.s32 $0xFFFFEC00  }
0x179: {  	_ =	swait.ge [sflag:s23], $0x1400  }
0x17a: {  	[sflag:s23] =	ssyncset.done $0x0  }
0x17b: {  	[sflag:s23] =	ssyncadd.s32 $0xFFFFEC00  }
0x17c: {  	_ =	swait.ge [sflag:s23], $0x1400  }
0x17d: {  	[sflag:s23] =	ssyncset.done $0x0  }
0x17e: {  	[sflag:s23] =	ssyncadd.s32 $0xFFFFEC00  }
0x17f: {  	_ =	swait.ge [sflag:s23], $0x1400  }
0x180: {  	s10 =	sadd.s32 $0x1400, s10;
	[sflag:s23] =	ssyncset.done $0x0  }
0x181: {  	s13 =	simm.s32 $0x4;
	s15 =	simm.s32 $0x1000;
	[sflag:s23] =	ssyncadd.s32 $0xFFFFEC00  }
0x182: {  	[hbm4b:s10+s30] =	stream.linear.scatter [tilespmem:s15], [sflag:$0x3], $0xA000, $0x38;
	[tilespmem:$0x15000] =	vst v63  }
0x183: {  	_ =	swait.ge [sflag:s13], $0xA000  }
0x184: {  	[sflag:s13] =	ssyncset.done $0x0  }
0x185: {  	s22 =	simm.s32 $0xC00;
	s20 =	rddreg [dreg:$0x1b];
	[sflag:s13] =	ssyncadd.s32 $0xFFFF6000  }
0x186: {  	[tilespmem:s3], [sflag:$0x2] =	stream.indirect.gather [hbm4b:s1+s14], $0x80, s22, s14, $0xb8;
	[tilespmem:$0x15000] =	vst v63  }
0x187: {  	s21 =	rddreg [dreg:$0x1c]  }
0x188: {  	[tilespmem:s18], [sflag:$0x2] =	stream.indirect.gather [hbm4b:s1+s14], $0x80, s20, s14, $0xb8;
	[tilespmem:$0x15000] =	vst v63  }
0x189: {  	s24 =	rddreg [dreg:$0x1d]  }
0x18a: {  	[tilespmem:s28], [sflag:$0x2] =	stream.indirect.gather [hbm4b:s1+s14], $0x80, s21, s14, $0xb8;
	[tilespmem:$0x15000] =	vst v63  }
0x18b: {  	s26 =	rddreg [dreg:$0x1e]  }
0x18c: {  	[tilespmem:s29], [sflag:$0x2] =	stream.indirect.gather [hbm4b:s1+s14], $0x80, s24, s14, $0xb8;
	[tilespmem:$0x15000] =	vst v63  }
0x18d: {  	s28 =	rddreg [dreg:$0x1f]  }
0x18e: {  	[tilespmem:s19], [sflag:$0x2] =	stream.indirect.gather [hbm4b:s1+s14], $0x80, s26, s14, $0xb8;
	[tilespmem:$0x15000] =	vst v63  }
0x18f: {  	s29 =	sld [smem:$0x7FC]  }
0x190: {  	[tilespmem:s25], [sflag:$0x2] =	stream.indirect.gather [hbm4b:s1+s14], $0x80, s28, s14, $0xb8;
	[tilespmem:$0x15000] =	vst v63  }
0x191: {  	s31 =	sld [smem:$0x7FD]  }
0x192: {  	[tilespmem:s0], [sflag:$0x2] =	stream.indirect.gather [hbm4b:s1+s14], $0x80, s29, s14, $0xb8;
	[tilespmem:$0x15000] =	vst v63  }
0x193: {  	_ = 	snop  }
0x194: {  	[tilespmem:s2], [sflag:$0x2] =	stream.indirect.gather [hbm4b:s1+s14], $0x80, s31, s14, $0xb8;
	[tilespmem:$0x15000] =	vst v63  }
0x195: {  	_ =	swait.ge [sflag:s23], $0x1400  }
0x196: {  	[sflag:s23] =	ssyncset.done $0x0  }
0x197: {  	[sflag:s23] =	ssyncadd.s32 $0xFFFFEC00  }
0x198: {  	_ =	swait.ge [sflag:s23], $0x1400  }
0x199: {  	[sflag:s23] =	ssyncset.done $0x0  }
0x19a: {  	[sflag:s23] =	ssyncadd.s32 $0xFFFFEC00  }
0x19b: {  	_ =	swait.ge [sflag:s23], $0x1400  }
0x19c: {  	[sflag:s23] =	ssyncset.done $0x0  }
0x19d: {  	[sflag:s23] =	ssyncadd.s32 $0xFFFFEC00  }
0x19e: {  	_ =	swait.ge [sflag:s23], $0x1400  }
0x19f: {  	[sflag:s23] =	ssyncset.done $0x0  }
0x1a0: {  	[sflag:s23] =	ssyncadd.s32 $0xFFFFEC00  }
0x1a1: {  	_ =	swait.ge [sflag:s23], $0x1400  }
0x1a2: {  	[sflag:s23] =	ssyncset.done $0x0  }
0x1a3: {  	[sflag:s23] =	ssyncadd.s32 $0xFFFFEC00  }
0x1a4: {  	_ =	swait.ge [sflag:s23], $0x1400  }
0x1a5: {  	s7 =	sadd.s32 $0x2800, s7;
	[sflag:s23] =	ssyncset.done $0x0  }
0x1a6: {  	p0 =	sne.s32 s7, $0x28000;
	[sflag:s23] =	ssyncadd.s32 $0xFFFFEC00  }
.Ltmp0:
0x1a7: {  	_ =	swait.ge [sflag:s23], $0x1400;
	(pc) =	sbr.rel @p0 .LBB2_2-.Ltmp0, $4  }
0x1a8: {  	[sflag:s23] =	ssyncset.done $0x0  }
0x1a9: {  	[sflag:s23] =	ssyncadd.s32 $0xFFFFEC00  }
0x1aa: {  	s9 =	sadd.s32 $0x100, s9;
	s16 =	simm.s32 $0x800;
	_ =	swait.ge [sflag:s23], $0x1400  }
0x1ab: {  	s5 =	simm.s32 $0xB000;
	s10 =	sadd.s32 $0x1400, s12;
	[sflag:s23] =	ssyncset.done $0x0  }
0x1ac: {  	[sflag:s23] =	ssyncadd.s32 $0xFFFFEC00;
	s0 =	simm.s32 $0x3  }
0x1ad: {  	[hbm4b:s10+s30] =	stream.linear.scatter [tilespmem:s5], [sflag:$0x4], $0xA000, $0x38;
	[tilespmem:$0x15000] =	vst v63  }
0x1ae: {  	_ =	swait.ge [sflag:s0], $0xA000  }
0x1af: {  	[sflag:s0] =	ssyncset.done $0x0  }
0x1b0: {  	s26 =	simm.s32 $0x4;
	[sflag:s0] =	ssyncadd.s32 $0xFFFF6000  }
0x1b1: {  	_ =	swait.ge [sflag:s26], $0xA000  }
0x1b2: {  	s7 =	sld [smem:$0x7F6]  }
0x1b3: {  	s6 =	sld [smem:$0x7F9];
	_ =	sdelay $0x1  }
0x1b4: {  	s7 =	sadd.s32 $0x1, s7  }
0x1b5: {  	s8 =	simm.s32 $0xC00;
	s9 =	simm.s32 $0x2400;
	p0 =	sne.s32 s7, s6  }
.Ltmp1:
0x1b6: {  	s18 =	simm.s32 $0x4C00;
	s19 =	simm.s32 $0x6000;
	(pc) =	sbr.rel @p0 .LBB2_1-.Ltmp1, $4  }
0x1b7: {  	s20 =	simm.s32 $0x7400;
	s21 =	simm.s32 $0x8800;
	s22 =	simm.s32 $0x9C00  }
0x1b8: {  	s25 =	simm.s32 $0xC400;
	s28 =	simm.s32 $0xD800;
	s29 =	simm.s32 $0xEC00  }
0x1b9: {  	s2 =	simm.s32 $0x10000;
	s31 =	simm.s32 $0x12800;
	[sflag:s26] =	ssyncset.done $0x0  }
0x1ba: {  	s10 =	simm.s32 $0x3800;
	s0 =	simm.s32 $0x11400;
	[sflag:s26] =	ssyncadd.s32 $0xFFFF6000  }
0x1bb: {  	_ =	sfence.sel $0x180000  }
0x1bc: {  	[bflag:$0x0] =	sbarrier.arrive $0xFFFF  }
0x1bd: {  	_ =	strace $0x90000047  }
0x1be: {  	s0 =	stileid.u32;
	[bflag:$0x2] =	sbarrier.arrive $0xFFFF  }
0x1bf: {  	p0 =	sne.s32 s0, $0x0;
	s0 =	rddreg [dreg:$0x3]  }
0x1c0: {  	s0 =	sadd.s32 @!p0 $0x100000, s0  }
0x1c1: {  	[sflag:s0] =	ssyncadd.tile.s32 @!p0 $0x1;
	_ =	shalt  }
.Lfunc_end2:
_tile_overlayer_lowered:
.L_overlay_start_2:
0x1c2: {  	(tag) =	ssettag $0x2  }
0x1c3: {  	s0 =	rddreg [dreg:$0x0];
	s2 =	stileid.u32  }
0x1c4: {  	s1 =	rddreg [dreg:$0x1];
	p0 =	sne.s32 s2, $0x0  }
0x1c5: {  	s3 =	rddreg [dreg:$0x2];
	[bflag:$0x3] =	sbarrier.arrive $0xFFFF;
	s2 =	simm.s32 @!p0 $0x1C05  }
0x1c6: {  	[timem:s3], [sflag:s2] =	dma.local @!p0 [hbm:s0], s1  }
0x1c7: {  	s0 =	simm.s32 @!p0 $0x5  }
0x1c8: {  	_ =	swait.ge @!p0 [sflag:s0], s1  }
0x1c9: {  	s1 =	ssub.s32 @!p0 $0x0, s1;
	[sflag:s0] =	ssyncset.done @!p0 $0x0  }
0x1ca: {  	[sflag:s0] =	ssyncadd.s32 @!p0 s1  }
0x1cb: {  	[bflag:$0x3] =	sbarrier.arrive $0xFFFF  }
0x1cc: {  	_ =	shalt  }

// kernel: kernel.9.cloned.1.call-start
scs
__scs_entry_jumppad:
0x0: {  	(pc) =	sbr.rel $0x88, $3  }
0x1: {  	(tag) =	ssettag $0x0;
	lr =	simm.s32 $0x1  }
0x2: {  	[smem:$0x3F92] =	sst lr;
	_ =	strace $0xD0000000  }
0x3: {  	_ = 	snop  }
0x4: {  	_ = 	snop  }
0x5: {  	_ = 	snop  }
0x6: {  	_ = 	snop  }
0x7: {  	_ = 	snop  }
__scs_overlays_trampoline_lowered:
0x8: {  	[smem:$0x3FA1] =	sst s0  }
0x9: {  	[smem:$0x3FA2] =	sst s1  }
0xa: {  	[smem:$0x3FA3] =	sst s2  }
0xb: {  	[smem:$0x3FA4] =	sst s3  }
0xc: {  	[smem:$0x3FA5] =	sst s4  }
0xd: {  	[smem:$0x3FA6] =	sst s5  }
0xe: {  	[smem:$0x3FA7] =	sst s6  }
0xf: {  	[smem:$0x3FA8] =	sst s7  }
0x10: {  	[smem:$0x3FA9] =	sst s8  }
0x11: {  	[smem:$0x3FAA] =	sst s9;
	s0 =	simm.s32 @!p0 $0x0  }
0x12: {  	s1 =	sld [smem:$0x3F90];
	s0 =	simm.s32 @p0 $0x1  }
0x13: {  	[smem:$0x3FAB] =	sst s0;
	s0 =	simm.s32 @!p1 $0x0  }
0x14: {  	s2 =	sld [smem:$0x3F8F];
	s0 =	simm.s32 @p1 $0x1  }
0x15: {  	[smem:$0x3FAC] =	sst s0;
	s0 =	simm.s32 @!p2 $0x0  }
0x16: {  	s3 =	sld [smem:$0x3FDB];
	s0 =	simm.s32 @p2 $0x1  }
0x17: {  	s4 =	simm.s32 $0x1BF5;
	[smem:$0x3FAE] =	sst s0  }
0x18: {  	s0 =	sld [smem:$0x3F91];
	_ =	swait.ge [sflag:s4], $0x0  }
0x19: {  	s7 =	sld [smem:$0x3F92]  }
0x1a: {  	s8 =	sadd.s32 $0xFFFFE003, lr  }
0x1b: {  	s9 =	sadd.s32 $0xFFFFFEF7, lr;
	s5 =	simm.s32 $0xFFFFFFFF;
	p2 =	slt.u32 s8, $0xFFFFF086  }
0x1c: {  	p1 =	slt.u32 s9, $0xF7A;
	s5 =	simm.s32 @!p2 $0x0  }
0x1d: {  	s5 =	simm.s32 @p1 $0x1;
	p0 =	seq.s32 s7, s2  }
0x1e: {  	s7 =	smul.u32 @!p0 $0xF7A, s2;
	p2 =	seq.s32 @!p0 s5, $0x0  }
0x1f: {  	s9 =	smul.u32 $0xF7A, s1;
	s8 =	simm.s32 @!p0 $0x1BF5;
	p2 =	por !p2, p0  }
0x20: {  	[sflag:s8] =	ssyncset.s32 @!p0 $0xFFFFF086;
	s6 =	sadd.s32 @!p0 s3, s7;
	s7 =	simm.s32 @!p0 $0x108  }
0x21: {  	s3 =	sadd.s32 s3, s9;
	s6 =	sadd.s32 @!p0 $0x88, s6;
	s7 =	simm.s32 @p2 $0x1082  }
0x22: {  	[simem:s7], [sflag:s8] =	dma.local @!p0 [hbm:s6], $0xF7A  }
0x23: {  	s9 =	sor.u32 $0xD0000000, s2;
	s6 =	simm.s32 $0x108;
	_ =	swait.ge @!p0 [sflag:s8], $0x0  }
0x24: {  	s3 =	sadd.s32 $0x88, s3;
	s6 =	simm.s32 @!p1 $0x1082;
	[sflag:s4] =	ssyncset.s32 $0xFFFFF086  }
0x25: {  	[simem:s6], [sflag:s4] =	dma.local [hbm:s3], $0xF7A  }
0x26: {  	[smem:$0x3F92] =	sst s1;
	(tag) =	ssettag s2;
	_ =	strace s9  }
0x27: {  	s1 =	sld [smem:$0x3FA2]  }
0x28: {  	s2 =	sld [smem:$0x3FA3]  }
0x29: {  	s4 =	sld [smem:$0x3FA5]  }
0x2a: {  	p0 =	seq.s32 s5, $0x0;
	s5 =	sld [smem:$0x3FA6]  }
0x2b: {  	s6 =	sld [smem:$0x3FA7]  }
0x2c: {  	s7 =	sld [smem:$0x3FA8]  }
0x2d: {  	s3 =	simm.s32 $0x108;
	s8 =	sld [smem:$0x3FA9]  }
0x2e: {  	s3 =	simm.s32 @!p0 $0x1082;
	s9 =	sld [smem:$0x3FAA]  }
0x2f: {  	lr =	sadd.s32 s0, s3;
	s0 =	sld [smem:$0x3FA1]  }
0x30: {  	s3 =	sld [smem:$0x3FA4]  }
0x31: {  	[smem:$0x3FAD] =	sst s10  }
0x32: {  	s10 =	sld [smem:$0x3FAB];
	_ =	sdelay $0x3  }
0x33: {  	p0 =	seq.s32 s10, $0x1;
	s10 =	sld [smem:$0x3FAD];
	_ =	sdelay $0x3  }
0x34: {  	[smem:$0x3FAD] =	sst s10  }
0x35: {  	s10 =	sld [smem:$0x3FAC];
	_ =	sdelay $0x3  }
0x36: {  	p1 =	seq.s32 s10, $0x1;
	s10 =	sld [smem:$0x3FAD];
	_ =	sdelay $0x3  }
0x37: {  	[smem:$0x3FAD] =	sst s10  }
0x38: {  	s10 =	sld [smem:$0x3FAE]  }
0x39: {  	_ = 	snop;
	(pc) =	sbr.ind lr, $3  }
0x3a: {  	_ = 	snop  }
0x3b: {  	_ = 	snop  }
0x3c: {  	p2 =	seq.s32 s10, $0x1;
	s10 =	sld [smem:$0x3FAD]  }
0x3d: {  	_ =	shalt  }
0x3e: {  	_ =	shalt  }
0x3f: {  	_ =	shalt  }
0x40: {  	_ =	shalt  }
0x41: {  	_ =	shalt  }
0x42: {  	_ =	shalt  }
0x43: {  	_ =	shalt  }
0x44: {  	_ =	shalt  }
0x45: {  	_ =	shalt  }
0x46: {  	_ =	shalt  }
0x47: {  	_ =	shalt  }
0x48: {  	_ =	shalt  }
0x49: {  	_ =	shalt  }
0x4a: {  	_ =	shalt  }
0x4b: {  	_ =	shalt  }
0x4c: {  	_ =	shalt  }
0x4d: {  	_ =	shalt  }
0x4e: {  	_ =	shalt  }
0x4f: {  	_ =	shalt  }
0x50: {  	_ =	shalt  }
0x51: {  	_ =	shalt  }
0x52: {  	_ =	shalt  }
0x53: {  	_ =	shalt  }
0x54: {  	_ =	shalt  }
0x55: {  	_ =	shalt  }
0x56: {  	_ =	shalt  }
0x57: {  	_ =	shalt  }
0x58: {  	_ =	shalt  }
0x59: {  	_ =	shalt  }
0x5a: {  	_ =	shalt  }
0x5b: {  	_ =	shalt  }
0x5c: {  	_ =	shalt  }
0x5d: {  	_ =	shalt  }
0x5e: {  	_ =	shalt  }
0x5f: {  	_ =	shalt  }
0x60: {  	_ =	shalt  }
0x61: {  	_ =	shalt  }
0x62: {  	_ =	shalt  }
0x63: {  	_ =	shalt  }
0x64: {  	_ =	shalt  }
0x65: {  	_ =	shalt  }
0x66: {  	_ =	shalt  }
0x67: {  	_ =	shalt  }
0x68: {  	_ =	shalt  }
0x69: {  	_ =	shalt  }
0x6a: {  	_ =	shalt  }
0x6b: {  	_ =	shalt  }
0x6c: {  	_ =	shalt  }
0x6d: {  	_ =	shalt  }
0x6e: {  	_ =	shalt  }
0x6f: {  	_ =	shalt  }
0x70: {  	_ =	shalt  }
0x71: {  	_ =	shalt  }
0x72: {  	_ =	shalt  }
0x73: {  	_ =	shalt  }
0x74: {  	_ =	shalt  }
0x75: {  	_ =	shalt  }
0x76: {  	_ =	shalt  }
0x77: {  	_ =	shalt  }
0x78: {  	_ =	shalt  }
0x79: {  	_ =	shalt  }
0x7a: {  	_ =	shalt  }
0x7b: {  	_ =	shalt  }
0x7c: {  	_ =	shalt  }
0x7d: {  	_ =	shalt  }
0x7e: {  	_ =	shalt  }
0x7f: {  	_ =	shalt  }
0x80: {  	_ =	shalt  }
0x81: {  	_ =	shalt  }
0x82: {  	_ =	shalt  }
0x83: {  	_ =	shalt  }
0x84: {  	_ =	shalt  }
0x85: {  	_ =	shalt  }
0x86: {  	_ =	shalt  }
0x87: {  	_ =	shalt  }
.Lfunc_end0:
.L_simem_size_0:
called_computation.1_lowered:
.L_overlay_start_0:
0x88: {  	s2 =	sld [smem:$0x3FD9]  }
0x89: {  	s3 =	sld [smem:$0x3FFE];
	_ =	sdelay $0x1  }
0x8a: {  	s1 =	srdreg.scid  }
0x8b: {  	s0 =	sand.u32 $0x1, s1  }
0x8c: {  	s17 =	sshll.u32 s0, $0xA;
	s2 =	sadd.s32 s3, s2  }
0x8d: {  	s2 =	sadd.s32 s2, s17  }
0x8e: {  	[smem:$0x3FB9] =	sst s2  }
0x8f: {  	_ = 	snop  }
0x90: {  	s2 =	sld [smem:$0x3FD0];
	(tm) =	ssettm $0x1  }
0x91: {  	s18 =	sld [smem:$0x3FFB];
	_ =	sdelay $0x3  }
0x92: {  	_ =	strace s18  }
0x93: {  	s3 =	sld [smem:$0x3FFC];
	_ =	sdelay $0x3  }
0x94: {  	_ =	strace s3  }
0x95: {  	s3 =	sld [smem:$0x3FFD];
	_ =	sdelay $0x3  }
0x96: {  	_ =	strace s3  }
0x97: {  	_ =	strace $0x8FFFFFFF  }
0x98: {  	s19 =	sld [smem:$0x3FDB];
	_ =	sdelay $0x1  }
0x99: {  	s4 =	simm.s32 $_scs_section_size  }
0x9a: {  	s5 =	simm.s32 $_size__tile_overlayer_lowered;
	s6 =	simm.s32 $_tile_overlayer_lowered  }
0x9b: {  	s22 =	simm.s32 $0x1BFF;
	s21 =	sshll.u32 s6, $0x1;
	s3 =	sadd.s32 s4, s19  }
0x9c: {  	s7 =	simm.s32 $0x0;
	s20 =	sshll.u32 s5, $0x1;
	s5 =	sadd.s32 s21, s3  }
0x9d: {  	[timem:s7], [sflag:s22] =	dma.local [hbm:s5], s20  }
0x9e: {  	_ =	swait.ge [sflag:s22], s20  }
0x9f: {  	s4 =	ssub.s32 $0x0, s20;
	[sflag:s22] =	ssyncset.done $0x0  }
0xa0: {  	[sflag:s22] =	ssyncadd.s32 s4;
	_ =	sdelay $0x1  }
0xa1: {  	s23 =	simm.s32 $0x1B8B  }
0xa2: {  	_ =	swait.ge [sflag:s23], $0x1  }
0xa3: {  	[sflag:s23] =	ssyncset.done $0x0  }
0xa4: {  	s25 =	simm.s32 $0x1B8E;
	s24 =	sld [smem:$0x3FFE];
	[sflag:s23] =	ssyncadd.s32 $0xFFFFFFFF  }
0xa5: {  	s26 =	simm.s32 $execute0_lowered;
	[smem:$0x3FD2] =	sst s25  }
0xa6: {  	s5 =	sshll.u32 s26, $0x1;
	_ =	strace $0x80000049;
	[dreg:$0x1] =	wrdreg $0xFFFFFFFF  }
0xa7: {  	s28 =	simm.s32 $_size_execute0_lowered;
	s3 =	sadd.s32 s3, s5;
	[dreg:$0x0] =	wrdreg $0x0  }
0xa8: {  	s5 =	sshll.u32 s28, $0x1;
	[dreg:$0x2] =	wrdreg s3  }
0xa9: {  	[dreg:$0x3] =	wrdreg s5  }
0xaa: {  	[dreg:$0x4] =	wrdreg $0xC0  }
0xab: {  	_ =	task [dreg:s7], $0x5FFFF  }
0xac: {  	[dreg:$0x1] =	wrdreg $0xFFFFFFFF  }
0xad: {  	[dreg:$0x0] =	wrdreg $0x60  }
0xae: {  	[dreg:$0x2] =	wrdreg s24  }
0xaf: {  	[dreg:$0x3] =	wrdreg s2  }
0xb0: {  	[dreg:$0x4] =	wrdreg $0x0  }
0xb1: {  	[dreg:$0x5] =	wrdreg $0x9  }
0xb2: {  	_ =	task.clear_ibuf [dreg:s7], $0x6FFFF;
	_ =	strace $0x90000049  }
0xb3: {  	s29 =	simm.s32 $0x9;
	_ =	strace $0x8000004B  }
0xb4: {  	_ =	swait.ge [sflag:s29], $0x1  }
0xb5: {  	[sflag:s29] =	ssyncadd.s32 $0xFFFFFFFF  }
0xb6: {  	_ =	strace $0x9000004B  }
0xb7: {  	_ =	sfence  }
0xb8: {  	s30 =	sld [smem:$0x0];
	_ =	sdelay $0x2  }
0xb9: {  	s31 =	sshll.u32 s1, $0xD;
	s1 =	sshrl.u32 s1, $0x2  }
0xba: {  	s3 =	sand.u32 $0x4000, s31;
	s1 =	sadd.s32 s1, s30  }
0xbb: {  	s0 =	sor.u32 s3, s0;
	s1 =	sshll.u32 s1, $0x11  }
0xbc: {  	s0 =	sor.u32 s1, s0  }
0xbd: {  	s0 =	sadd.s32 $0x8F2B, s0  }
0xbe: {  	[sflag:s0] =	ssyncadd.remote.s32 $0x1  }
0xbf: {  	_ =	sfence.sel $0xFFFF  }
0xc0: {  	[dreg:$0x0] =	wrdreg $0xFFFFFFFF;
	(pc) =	sbr.abs _section_cstart, $3  }
0xc1: {  	[dreg:$0x1] =	wrdreg $0xFFFFFFFF  }
0xc2: {  	_ =	task.clear_ibuf [dreg:s7], $0x2FFFF;
	_ =	strace $0x9FFFFFFF  }
0xc3: {  	(tm) =	ssettm $0x7FFFFFFF  }
tec
execute0_lowered:
.L_overlay_start_1:
0x0: {  	(tag) =	ssettag $0x1  }
0x1: {  	s0 =	rddreg [dreg:$0x0];
	s1 =	srdreg.scid  }
0x2: {  	s9 =	stileid.u32;
	s3 =	rddreg [dreg:$0x2];
	s4 =	simm.s32 $0x0  }
0x3: {  	s11 =	simm.s32 $0x1;
	s12 =	simm.s32 $0x13C00;
	s13 =	simm.s32 $0x400  }
0x4: {  	s14 =	simm.s32 $0x800;
	s15 =	simm.s32 $0x14000;
	s16 =	simm.s32 $0x28  }
0x5: {  	s17 =	simm.s32 $0x13C80;
	s18 =	simm.s32 $0x15400;
	s19 =	simm.s32 $0x13D00  }
0x6: {  	s20 =	simm.s32 $0x16800;
	s28 =	simm.s32 $0x13F00;
	s29 =	simm.s32 $0x1B800  }
0x7: {  	s30 =	simm.s32 $0x13F80;
	s31 =	simm.s32 $0x1CC00;
	s2 =	smul.u32 $0x500000, s9  }
0x8: {  	s1 =	sand.u32 $0x1, s1;
	[smem:$0x7FF] =	sst s4;
	s21 =	smul.u32 $0x2780, s9  }
0x9: {  	s7 =	sshll.u32 s9, $0xD;
	s8 =	smul.u32 $0x4F000, s9;
	s24 =	sshll.u32 s9, $0x6  }
0xa: {  	s5 =	sshll.u32 s1, $0xA;
	_ =	strace $0x8000004A;
	s6 =	smul.u32 $0x27800, s1  }
0xb: {  	s7 =	sadd.s32 s7, s0;
	s1 =	ssub.s32 $0x2, s1;
	s2 =	sor.u32 s5, s2  }
0xc: {  	s22 =	sshrl.u32 s1, $0x1;
	s23 =	sshrl.u32 s8, $0x2;
	s8 =	sadd.s32 $0xF05E00, s7  }
0xd: {  	s2 =	sshrl.u32 s2, $0x3;
	s5 =	sadd.s32 s21, s6;
	s1 =	ssub.s32 s1, s22  }
0xe: {  	s6 =	sadd.s32 s23, s3;
	s21 =	simm.s32 $0x13D80;
	s22 =	simm.s32 $0x17C00  }
0xf: {  	s23 =	simm.s32 $0x13E00;
	s2 =	sadd.s32 s2, s0;
	s0 =	sadd.s32 s5, s0  }
0x10: {  	s5 =	sor.u32 $0x1C01, s24;
	s25 =	smax.u32 s1, $0x1;
	s10 =	sshrl.u32 s6, $0x3  }
0x11: {  	s24 =	simm.s32 $0x19000;
	s0 =	sadd.s32 $0xF25E00, s0;
	[dreg:$0x5] =	wrdreg s25  }
0x12: {  	s1 =	simm.s32 $0x0;
	s26 =	sadd.s32 $0x1425E00, s2;
	[dreg:$0x4] =	wrdreg s0  }
0x13: {  	s25 =	simm.s32 $0x13E80;
	[dreg:$0x6] =	wrdreg s26;
	s26 =	simm.s32 $0x1A400  }
.LBB2_1:
0x14: {  	s0 =	rddreg [dreg:$0x1]  }
0x15: {  	[spmem:s10], [sflag:s5] =	dma.local [hbm:s0], $0x2780  }
0x16: {  	_ =	swait.ge [sflag:s11], $0x2780  }
0x17: {  	[sflag:s11] =	ssyncset.done $0x0  }
0x18: {  	[sflag:s11] =	ssyncadd.s32 $0xFFFFD880  }
0x19: {  	s6 =	sadd.s32 $0x0, s8;
	[bflag:$0x0] =	sbarrier.arrive $0xFFFF  }
0x1a: {  	[tilespmem:s12], [sflag:$0x1] =	stream.linear.gather [hbm4b:s6+s4], $0x400, $0x38;
	[tilespmem:$0x1E000] =	vst v63  }
0x1b: {  	_ =	swait.ge [sflag:s11], $0x400  }
0x1c: {  	[sflag:s11] =	ssyncset.done $0x0  }
0x1d: {  	s7 =	rddreg [dreg:$0x6];
	[sflag:s11] =	ssyncadd.s32 $0xFFFFFC00  }
0x1e: {  	[tilespmem:s15], [sflag:$0x1] =	stream.strided.gather [hbm4b:s7+s13], $0xA000, s14, s13, $0x38;
	[tilespmem:$0x1E000] =	vst v63  }
0x1f: {  	_ =	swait.ge [sflag:s11], $0xA000  }
0x20: {  	[sflag:s11] =	ssyncset.done $0x0  }
0x21: {  	[sflag:s11] =	ssyncadd.s32 $0xFFFF6000  }
0x22: {  	[spmem:s3] =	stream.indirect.scatter.add.f32 [tilespmem:s15], [sflag:$0x1], $0x80, s12, s16, $0xb8;
	[tilespmem:$0x1E000] =	vst v63  }
0x23: {  	_ =	swait.ge [sflag:s11], $0x1400  }
0x24: {  	[sflag:s11] =	ssyncset.done $0x0  }
0x25: {  	[sflag:s11] =	ssyncadd.s32 $0xFFFFEC00  }
0x26: {  	[spmem:s3] =	stream.indirect.scatter.add.f32 [tilespmem:s18], [sflag:$0x1], $0x80, s17, s16, $0xb8;
	[tilespmem:$0x1E000] =	vst v63  }
0x27: {  	_ =	swait.ge [sflag:s11], $0x1400  }
0x28: {  	[sflag:s11] =	ssyncset.done $0x0  }
0x29: {  	[sflag:s11] =	ssyncadd.s32 $0xFFFFEC00  }
0x2a: {  	[spmem:s3] =	stream.indirect.scatter.add.f32 [tilespmem:s20], [sflag:$0x1], $0x80, s19, s16, $0xb8;
	[tilespmem:$0x1E000] =	vst v63  }
0x2b: {  	_ =	swait.ge [sflag:s11], $0x1400  }
0x2c: {  	[sflag:s11] =	ssyncset.done $0x0  }
0x2d: {  	[sflag:s11] =	ssyncadd.s32 $0xFFFFEC00  }
0x2e: {  	[spmem:s3] =	stream.indirect.scatter.add.f32 [tilespmem:s22], [sflag:$0x1], $0x80, s21, s16, $0xb8;
	[tilespmem:$0x1E000] =	vst v63  }
0x2f: {  	_ =	swait.ge [sflag:s11], $0x1400  }
0x30: {  	[sflag:s11] =	ssyncset.done $0x0  }
0x31: {  	[sflag:s11] =	ssyncadd.s32 $0xFFFFEC00  }
0x32: {  	[spmem:s3] =	stream.indirect.scatter.add.f32 [tilespmem:s24], [sflag:$0x1], $0x80, s23, s16, $0xb8;
	[tilespmem:$0x1E000] =	vst v63  }
0x33: {  	_ =	swait.ge [sflag:s11], $0x1400  }
0x34: {  	[sflag:s11] =	ssyncset.done $0x0  }
0x35: {  	[sflag:s11] =	ssyncadd.s32 $0xFFFFEC00  }
0x36: {  	[spmem:s3] =	stream.indirect.scatter.add.f32 [tilespmem:s26], [sflag:$0x1], $0x80, s25, s16, $0xb8;
	[tilespmem:$0x1E000] =	vst v63  }
0x37: {  	_ =	swait.ge [sflag:s11], $0x1400  }
0x38: {  	[sflag:s11] =	ssyncset.done $0x0  }
0x39: {  	[sflag:s11] =	ssyncadd.s32 $0xFFFFEC00  }
0x3a: {  	[spmem:s3] =	stream.indirect.scatter.add.f32 [tilespmem:s29], [sflag:$0x1], $0x80, s28, s16, $0xb8;
	[tilespmem:$0x1E000] =	vst v63  }
0x3b: {  	_ =	swait.ge [sflag:s11], $0x1400  }
0x3c: {  	[sflag:s11] =	ssyncset.done $0x0  }
0x3d: {  	[sflag:s11] =	ssyncadd.s32 $0xFFFFEC00  }
0x3e: {  	[spmem:s3] =	stream.indirect.scatter.add.f32 [tilespmem:s31], [sflag:$0x1], $0x80, s30, s16, $0xb8;
	[tilespmem:$0x1E000] =	vst v63  }
0x3f: {  	s9 =	smov.u32 s5;
	s2 =	simm.s32 $0x80;
	_ =	swait.ge [sflag:s11], $0x1400  }
0x40: {  	s6 =	simm.s32 $0x100;
	s0 =	sadd.s32 $0x2800, s7;
	[sflag:s11] =	ssyncset.done $0x0  }
.LBB2_2:
0x41: {  	s5 =	sadd.s32 s2, s8  }
0x42: {  	[sflag:s11] =	ssyncadd.s32 $0xFFFFEC00;
	s2 =	smov.u32 s6;
	s7 =	sadd.s32 $0x80, s6  }
0x43: {  	[tilespmem:s12], [sflag:$0x1] =	stream.linear.gather [hbm4b:s5+s4], $0x400, $0x38;
	[tilespmem:$0x1E000] =	vst v63  }
0x44: {  	p0 =	sne.s32 s6, $0x1F80;
	_ =	swait.ge [sflag:s11], $0x400  }
0x45: {  	[sflag:s11] =	ssyncset.done $0x0  }
0x46: {  	[sflag:s11] =	ssyncadd.s32 $0xFFFFFC00  }
0x47: {  	[tilespmem:s15], [sflag:$0x1] =	stream.strided.gather [hbm4b:s0+s13], $0xA000, s14, s13, $0x38;
	[tilespmem:$0x1E000] =	vst v63  }
0x48: {  	_ =	swait.ge [sflag:s11], $0xA000  }
0x49: {  	[sflag:s11] =	ssyncset.done $0x0  }
0x4a: {  	[sflag:s11] =	ssyncadd.s32 $0xFFFF6000  }
0x4b: {  	[spmem:s3] =	stream.indirect.scatter.add.f32 [tilespmem:s15], [sflag:$0x1], $0x80, s12, s16, $0xb8;
	[tilespmem:$0x1E000] =	vst v63  }
0x4c: {  	_ =	swait.ge [sflag:s11], $0x1400  }
0x4d: {  	[sflag:s11] =	ssyncset.done $0x0  }
0x4e: {  	[sflag:s11] =	ssyncadd.s32 $0xFFFFEC00  }
0x4f: {  	[spmem:s3] =	stream.indirect.scatter.add.f32 [tilespmem:s18], [sflag:$0x1], $0x80, s17, s16, $0xb8;
	[tilespmem:$0x1E000] =	vst v63  }
0x50: {  	_ =	swait.ge [sflag:s11], $0x1400  }
0x51: {  	[sflag:s11] =	ssyncset.done $0x0  }
0x52: {  	[sflag:s11] =	ssyncadd.s32 $0xFFFFEC00  }
0x53: {  	[spmem:s3] =	stream.indirect.scatter.add.f32 [tilespmem:s20], [sflag:$0x1], $0x80, s19, s16, $0xb8;
	[tilespmem:$0x1E000] =	vst v63  }
0x54: {  	_ =	swait.ge [sflag:s11], $0x1400  }
0x55: {  	[sflag:s11] =	ssyncset.done $0x0  }
0x56: {  	[sflag:s11] =	ssyncadd.s32 $0xFFFFEC00  }
0x57: {  	[spmem:s3] =	stream.indirect.scatter.add.f32 [tilespmem:s22], [sflag:$0x1], $0x80, s21, s16, $0xb8;
	[tilespmem:$0x1E000] =	vst v63  }
0x58: {  	_ =	swait.ge [sflag:s11], $0x1400  }
0x59: {  	[sflag:s11] =	ssyncset.done $0x0  }
0x5a: {  	[sflag:s11] =	ssyncadd.s32 $0xFFFFEC00  }
0x5b: {  	[spmem:s3] =	stream.indirect.scatter.add.f32 [tilespmem:s24], [sflag:$0x1], $0x80, s23, s16, $0xb8;
	[tilespmem:$0x1E000] =	vst v63  }
0x5c: {  	_ =	swait.ge [sflag:s11], $0x1400  }
0x5d: {  	[sflag:s11] =	ssyncset.done $0x0  }
0x5e: {  	[sflag:s11] =	ssyncadd.s32 $0xFFFFEC00  }
0x5f: {  	[spmem:s3] =	stream.indirect.scatter.add.f32 [tilespmem:s26], [sflag:$0x1], $0x80, s25, s16, $0xb8;
	[tilespmem:$0x1E000] =	vst v63  }
0x60: {  	_ =	swait.ge [sflag:s11], $0x1400  }
0x61: {  	[sflag:s11] =	ssyncset.done $0x0  }
0x62: {  	[sflag:s11] =	ssyncadd.s32 $0xFFFFEC00  }
0x63: {  	[spmem:s3] =	stream.indirect.scatter.add.f32 [tilespmem:s29], [sflag:$0x1], $0x80, s28, s16, $0xb8;
	[tilespmem:$0x1E000] =	vst v63  }
0x64: {  	_ =	swait.ge [sflag:s11], $0x1400  }
.Ltmp0:
0x65: {  	[sflag:s11] =	ssyncset.done $0x0;
	(pc) =	sbr.rel @p0 .LBB2_2-.Ltmp0, $4  }
0x66: {  	[sflag:s11] =	ssyncadd.s32 $0xFFFFEC00  }
0x67: {  	[spmem:s3] =	stream.indirect.scatter.add.f32 [tilespmem:s31], [sflag:$0x1], $0x80, s30, s16, $0xb8;
	[tilespmem:$0x1E000] =	vst v63  }
0x68: {  	_ =	swait.ge [sflag:s11], $0x1400  }
0x69: {  	s6 =	smov.u32 s7;
	s0 =	sadd.s32 $0x2800, s0;
	[sflag:s11] =	ssyncset.done $0x0  }
0x6a: {  	s2 =	sadd.s32 s2, s8;
	[sflag:s11] =	ssyncadd.s32 $0xFFFFEC00  }
0x6b: {  	[tilespmem:s12], [sflag:$0x1] =	stream.linear.gather [hbm4b:s2+s4], $0x400, $0x38;
	[tilespmem:$0x1E000] =	vst v63  }
0x6c: {  	_ =	swait.ge [sflag:s11], $0x400  }
0x6d: {  	[sflag:s11] =	ssyncset.done $0x0  }
0x6e: {  	[sflag:s11] =	ssyncadd.s32 $0xFFFFFC00  }
0x6f: {  	[tilespmem:s15], [sflag:$0x1] =	stream.strided.gather [hbm4b:s0+s13], $0xA000, s14, s13, $0x38;
	[tilespmem:$0x1E000] =	vst v63  }
0x70: {  	_ =	swait.ge [sflag:s11], $0xA000  }
0x71: {  	[sflag:s11] =	ssyncset.done $0x0  }
0x72: {  	[sflag:s11] =	ssyncadd.s32 $0xFFFF6000  }
0x73: {  	[spmem:s3] =	stream.indirect.scatter.add.f32 [tilespmem:s15], [sflag:$0x1], $0x80, s12, s16, $0xb8;
	[tilespmem:$0x1E000] =	vst v63  }
0x74: {  	_ =	swait.ge [sflag:s11], $0x1400  }
0x75: {  	[sflag:s11] =	ssyncset.done $0x0  }
0x76: {  	[sflag:s11] =	ssyncadd.s32 $0xFFFFEC00  }
0x77: {  	[spmem:s3] =	stream.indirect.scatter.add.f32 [tilespmem:s18], [sflag:$0x1], $0x80, s17, s16, $0xb8;
	[tilespmem:$0x1E000] =	vst v63  }
0x78: {  	_ =	swait.ge [sflag:s11], $0x1400  }
0x79: {  	[sflag:s11] =	ssyncset.done $0x0  }
0x7a: {  	[sflag:s11] =	ssyncadd.s32 $0xFFFFEC00  }
0x7b: {  	[spmem:s3] =	stream.indirect.scatter.add.f32 [tilespmem:s20], [sflag:$0x1], $0x80, s19, s16, $0xb8;
	[tilespmem:$0x1E000] =	vst v63  }
0x7c: {  	_ =	swait.ge [sflag:s11], $0x1400  }
0x7d: {  	[sflag:s11] =	ssyncset.done $0x0  }
0x7e: {  	[sflag:s11] =	ssyncadd.s32 $0xFFFFEC00  }
0x7f: {  	[spmem:s3] =	stream.indirect.scatter.add.f32 [tilespmem:s22], [sflag:$0x1], $0x80, s21, s16, $0xb8;
	[tilespmem:$0x1E000] =	vst v63  }
0x80: {  	_ =	swait.ge [sflag:s11], $0x1400  }
0x81: {  	[sflag:s11] =	ssyncset.done $0x0  }
0x82: {  	[sflag:s11] =	ssyncadd.s32 $0xFFFFEC00  }
0x83: {  	[spmem:s3] =	stream.indirect.scatter.add.f32 [tilespmem:s24], [sflag:$0x1], $0x80, s23, s16, $0xb8;
	[tilespmem:$0x1E000] =	vst v63  }
0x84: {  	_ =	swait.ge [sflag:s11], $0x1400  }
0x85: {  	[sflag:s11] =	ssyncset.done $0x0  }
0x86: {  	[sflag:s11] =	ssyncadd.s32 $0xFFFFEC00  }
0x87: {  	[spmem:s3] =	stream.indirect.scatter.add.f32 [tilespmem:s26], [sflag:$0x1], $0x80, s25, s16, $0xb8;
	[tilespmem:$0x1E000] =	vst v63  }
0x88: {  	_ =	swait.ge [sflag:s11], $0x1400  }
0x89: {  	[sflag:s11] =	ssyncset.done $0x0  }
0x8a: {  	[sflag:s11] =	ssyncadd.s32 $0xFFFFEC00  }
0x8b: {  	[spmem:s3] =	stream.indirect.scatter.add.f32 [tilespmem:s29], [sflag:$0x1], $0x80, s28, s16, $0xb8;
	[tilespmem:$0x1E000] =	vst v63  }
0x8c: {  	_ =	swait.ge [sflag:s11], $0x1400  }
0x8d: {  	[sflag:s11] =	ssyncset.done $0x0  }
0x8e: {  	[sflag:s11] =	ssyncadd.s32 $0xFFFFEC00  }
0x8f: {  	[spmem:s3] =	stream.indirect.scatter.add.f32 [tilespmem:s31], [sflag:$0x1], $0x80, s30, s16, $0xb8;
	[tilespmem:$0x1E000] =	vst v63  }
0x90: {  	_ =	swait.ge [sflag:s11], $0x1400  }
0x91: {  	[sflag:s11] =	ssyncset.done $0x0  }
0x92: {  	[sflag:s11] =	ssyncadd.s32 $0xFFFFEC00  }
0x93: {  	[bflag:$0x0] =	sbarrier.arrive $0xFFFF  }
0x94: {  	s7 =	rddreg [dreg:$0x4]  }
0x95: {  	[hbm:s7], [sflag:s9] =	dma.local [spmem:s10], $0x2780  }
0x96: {  	_ =	swait.ge [sflag:s11], $0x2780  }
0x97: {  	s5 =	smov.u32 s9;
	s1 =	sadd.s32 $0x1, s1;
	s9 =	rddreg [dreg:$0x5]  }
0x98: {  	p0 =	sne.s32 s1, s9  }
.Ltmp1:
0x99: {  	_ = 	snop;
	(pc) =	sbr.rel @p0 .LBB2_1-.Ltmp1, $3  }
0x9a: {  	_ =	sdelay $0x1  }
0x9b: {  	[sflag:s11] =	ssyncset.done $0x0  }
0x9c: {  	[sflag:s11] =	ssyncadd.s32 $0xFFFFD880  }
0x9d: {  	_ =	sfence.sel $0x180000  }
0x9e: {  	[bflag:$0x0] =	sbarrier.arrive $0xFFFF  }
0x9f: {  	_ =	strace $0x9000004A  }
0xa0: {  	s0 =	stileid.u32;
	[bflag:$0x2] =	sbarrier.arrive $0xFFFF  }
0xa1: {  	p0 =	sne.s32 s0, $0x0;
	s0 =	rddreg [dreg:$0x3]  }
0xa2: {  	s0 =	sadd.s32 @!p0 $0x100000, s0  }
0xa3: {  	[sflag:s0] =	ssyncadd.tile.s32 @!p0 $0x1;
	_ =	shalt  }
.Lfunc_end2:
_tile_overlayer_lowered:
.L_overlay_start_2:
0xa4: {  	(tag) =	ssettag $0x2  }
0xa5: {  	s0 =	rddreg [dreg:$0x0];
	s2 =	stileid.u32  }
0xa6: {  	s1 =	rddreg [dreg:$0x1];
	p0 =	sne.s32 s2, $0x0  }
0xa7: {  	s3 =	rddreg [dreg:$0x2];
	[bflag:$0x3] =	sbarrier.arrive $0xFFFF;
	s2 =	simm.s32 @!p0 $0x1C01  }
0xa8: {  	[timem:s3], [sflag:s2] =	dma.local @!p0 [hbm:s0], s1  }
0xa9: {  	s0 =	simm.s32 @!p0 $0x1  }
0xaa: {  	_ =	swait.ge @!p0 [sflag:s0], s1  }
0xab: {  	s1 =	ssub.s32 @!p0 $0x0, s1;
	[sflag:s0] =	ssyncset.done @!p0 $0x0  }
0xac: {  	[sflag:s0] =	ssyncadd.s32 @!p0 s1  }
0xad: {  	[bflag:$0x3] =	sbarrier.arrive $0xFFFF  }
0xae: {  	_ =	shalt  }

</sc_bundles>
